<compile_context>
chip_gen: v7x
topology: tpu7x:2x2x1
jax: 0.10.2.dev20260603
libtpu: 0.0.44.dev20260713+nightly
codegen_flags: <defaults>
</compile_context>

<pallas_src>
import functools

import jax
import jax.numpy as jnp
from jax import lax
from jax.experimental import pallas as pl
from jax.experimental.pallas import tpu as pltpu
from jax.experimental.pallas import tpu_sc as plsc

_BATCH = 16384
_NCAM = 100000
_ROW = 6
_OUT_ROWS = 12
_LANES = 16
_NC = 2
_NS = 16
_NW = _NC * _NS
_BPW = _BATCH // _NW
_ICHUNK = 128
_NCHUNK = _BPW // _ICHUNK
_NTILE = _BATCH // _ICHUNK

_F1 = (1.0, -1.0 / 6, 1.0 / 120, -1.0 / 5040)
_F2 = (0.5, -1.0 / 24, 1.0 / 720, -1.0 / 40320)


def _poly(t, coeffs):
    acc = jnp.full((_LANES,), coeffs[-1], jnp.float32)
    for c in coeffs[-2::-1]:
        acc = acc * t + c
    return acc


def _sc_body(idx_hbm, tab_hbm, out_hbm, idx_v, comp_v, out_v, gsem, osem):
    wid = lax.axis_index("s") * _NC + lax.axis_index("c")
    base = wid * _BPW

    pltpu.sync_copy(idx_hbm.at[pl.ds(base, _BPW)], idx_v)

    gathers = []
    for j in range(_NCHUNK):
        gathers.append([
            pltpu.async_copy(
                tab_hbm.at[pl.ds(c * _NCAM, _NCAM)]
                       .at[idx_v.at[pl.ds(j * _ICHUNK, _ICHUNK)]],
                comp_v.at[c, pl.ds(j * _ICHUNK, _ICHUNK)], gsem)
            for c in range(_ROW)
        ])

    def make_step(j):
        def step(i, carry):
            s = pl.ds(i * _LANES, _LANES)
            sl = pl.ds(i * _LANES - j * _ICHUNK, _LANES)
            tx, ty, tz = comp_v[0, s], comp_v[1, s], comp_v[2, s]
            wx, wy, wz = comp_v[3, s], comp_v[4, s], comp_v[5, s]
            xx, yy, zz = wx * wx, wy * wy, wz * wz
            t = jnp.maximum(xx + yy + zz, 1e-8)
            f1 = _poly(t, _F1)
            f2 = _poly(t, _F2)
            xy, xz, yz = wx * wy, wx * wz, wy * wz
            f2xy, f2xz, f2yz = f2 * xy, f2 * xz, f2 * yz
            f1x, f1y, f1z = f1 * wx, f1 * wy, f1 * wz
            vals = (
                1.0 - f2 * (yy + zz), f2xy - f1z, f2xz + f1y, tx,
                f2xy + f1z, 1.0 - f2 * (xx + zz), f2yz - f1x, ty,
                f2xz - f1y, f2yz + f1x, 1.0 - f2 * (xx + yy), tz,
            )
            for r3 in range(3):
                for c4 in range(4):
                    out_v[r3, j, c4, sl] = vals[r3 * 4 + c4]
            return carry
        return step

    for j in range(_NCHUNK):
        for cp in gathers[j]:
            cp.wait()
        lax.fori_loop(j * (_ICHUNK // _LANES), (j + 1) * (_ICHUNK // _LANES),
                      make_step(j), 0)
    jg0 = wid * _NCHUNK
    outs = [
        pltpu.async_copy(out_v.at[r], out_hbm.at[r, pl.ds(jg0, _NCHUNK)], osem)
        for r in range(3)
    ]
    for cp in outs:
        cp.wait()


_sc_call = functools.partial(
    pl.kernel,
    mesh=plsc.VectorSubcoreMesh(core_axis_name="c", subcore_axis_name="s"),
    out_type=jax.ShapeDtypeStruct((3, _NTILE, 4, _ICHUNK), jnp.float32),
    scratch_types=[
        pltpu.VMEM((_BPW,), jnp.int32),
        pltpu.VMEM((_ROW, _BPW), jnp.float32),
        pltpu.VMEM((3, _NCHUNK, 4, _ICHUNK), jnp.float32),
        pltpu.SemaphoreType.DMA,
        pltpu.SemaphoreType.DMA,
    ],
    compiler_params=pltpu.CompilerParams(
        needs_layout_passes=False, use_tc_tiling_on_sc=False),
)(_sc_body)


def kernel(indices, pose_adjustment):
    idx = indices.astype(jnp.int32)
    tab = pose_adjustment.T.reshape(_ROW * _NCAM)
    out = _sc_call(idx, tab)
    return out.transpose(1, 3, 0, 2).reshape(_BATCH, 3, 4)

# --- scband reference (transcript-rebuilt; emitter-appended) ---
"""Pipeline reference for scband-spline-camera-optimizer-81020263071932 (READ-ONLY COPY).

The authoritative reference and input builder live on the scoring server;
editing this copy changes nothing except your own understanding.
"""

import jax, jax.numpy as jnp
import numpy as np


def _exp_map_SO3xR3(tangent_vector):
    """tangent_vector: [N, 6] where [:, :3] is translation, [:, 3:] is log-rotation.
    Returns [N, 3, 4] transformation matrices (Rodrigues formula for the rotation)."""
    log_rot = tangent_vector[:, 3:]
    nrms = jnp.sum(log_rot * log_rot, axis=-1)
    rot_angles = jnp.sqrt(jnp.clip(nrms, 1e-8, None))
    rot_angles_inv = 1.0 / rot_angles
    fac1 = rot_angles_inv * jnp.sin(rot_angles)
    fac2 = rot_angles_inv * rot_angles_inv * (1.0 - jnp.cos(rot_angles))
    z = jnp.zeros_like(rot_angles)
    row0 = jnp.stack([z, -log_rot[:, 2], log_rot[:, 1]], axis=-1)
    row1 = jnp.stack([log_rot[:, 2], z, -log_rot[:, 0]], axis=-1)
    row2 = jnp.stack([-log_rot[:, 1], log_rot[:, 0], z], axis=-1)
    skews = jnp.stack([row0, row1, row2], axis=1)
    skews_square = jnp.matmul(skews, skews)
    R = (fac1[:, None, None] * skews
         + fac2[:, None, None] * skews_square
         + jnp.eye(3, dtype=tangent_vector.dtype)[None])
    trans = tangent_vector[:, :3][:, :, None]
    return jnp.concatenate([R, trans], axis=-1)


def setup_inputs(seed: int = 0) -> dict:
    key = jax.random.key(seed)
    k1, k2 = jax.random.split(key)
    num_cameras = 100000
    batch = 16384
    indices = jax.random.randint(k1, (batch,), 0, num_cameras, dtype=jnp.int64)
    # learned per-camera pose adjustment table (nn.Parameter in torch); small
    # values mimic near-identity corrections during training
    pose_adjustment = jax.random.normal(k2, (num_cameras, 6), dtype=jnp.float32) * 0.01
    return {"indices": indices, "pose_adjustment": pose_adjustment}


def reference(indices, pose_adjustment):
    # gather per-ray camera corrections from the pose table (SparseCore gather)
    tangent = jnp.take(pose_adjustment, indices, axis=0)
    # SO3xR3 exponential map -> [N, 3, 4] correction matrices
    return _exp_map_SO3xR3(tangent)

if __name__ == "__main__":
    import jax
    _d = setup_inputs()
    print(jax.jit(kernel)(*tuple(_d.values())))

</pallas_src>

<mosaic_0001>
#map = affine_map<(d0, d1) -> (0)>
#map1 = affine_map<(d0, d1) -> (0, 0, 0, 0)>
module attributes {stable_mosaic.version = 14 : i64} {
  func.func @_sc_body(%arg0: i32, %arg1: i32, %arg2: memref<16384xi32, #tpu.memory_space<hbm>>, %arg3: memref<600000xf32, #tpu.memory_space<hbm>>, %arg4: memref<3x128x4x128xf32, #tpu.memory_space<hbm>>, %arg5: memref<512xi32, #tpu.memory_space<vmem>>, %arg6: memref<6x512xf32, #tpu.memory_space<vmem>>, %arg7: memref<3x4x4x128xf32, #tpu.memory_space<vmem>>, %arg8: memref<!tpu.dma_semaphore, #tpu.memory_space<semaphore_mem>>, %arg9: memref<!tpu.dma_semaphore, #tpu.memory_space<semaphore_mem>>) attributes {dimension_semantics = [#tpu.dimension_semantics<core_parallel>, #tpu.dimension_semantics<subcore_parallel>], iteration_bounds = array<i64: 2, 16>, scalar_prefetch = 0 : i64, scratch_operands = 5 : i64, tpu.core_type = #tpu.core_type<sc_vector_subcore>, window_params = [{transform_indices = #map}, {transform_indices = #map}, {transform_indices = #map1}]} {
    %mul3A = arith.constant 2 : i32
    %mul3A_0 = arith.muli %arg1, %mul3A : i32
    %add3A = arith.addi %mul3A_0, %arg0 : i32
    %mul3A_1 = arith.constant 512 : i32
    %mul3A_2 = arith.muli %add3A, %mul3A_1 : i32
    "tpu.region"() ({
      %run_scoped3A = tpu.sem_alloc : memref<!tpu.dma_semaphore, #tpu.memory_space<semaphore_mem>>
      %dma_start3A_626 = tpu.memref_slice %arg2[%mul3A_2] : memref<16384xi32, #tpu.memory_space<hbm>> -> memref<512xi32, #tpu.memory_space<hbm>>
      %dma_start3A_627 = tpu.memref_slice %arg2[%mul3A_2] : memref<16384xi32, #tpu.memory_space<hbm>> -> memref<512xi32, #tpu.memory_space<hbm>>
      tpu.enqueue_dma source(%dma_start3A_627 : memref<512xi32, #tpu.memory_space<hbm>>) target(%arg5 : memref<512xi32, #tpu.memory_space<vmem>>) target_semaphore(%run_scoped3A : memref<!tpu.dma_semaphore, #tpu.memory_space<semaphore_mem>>)
      %dma_wait3A_628 = tpu.memref_slice %arg2[%mul3A_2] : memref<16384xi32, #tpu.memory_space<hbm>> -> memref<512xi32, #tpu.memory_space<hbm>>
      %dma_wait3A_629 = tpu.memref_slice %arg2[%mul3A_2] : memref<16384xi32, #tpu.memory_space<hbm>> -> memref<512xi32, #tpu.memory_space<hbm>>
      tpu.wait_dma2 semaphore(%run_scoped3A : memref<!tpu.dma_semaphore, #tpu.memory_space<semaphore_mem>>) src(%dma_wait3A_629 : memref<512xi32, #tpu.memory_space<hbm>>) dst(%arg5 : memref<512xi32, #tpu.memory_space<vmem>>)
      tpu.yield
    }) : () -> ()
    %dma_start3A = arith.constant 0 : i32
    %dma_start3A_3 = arith.constant 0 : i32
    %dma_start3A_4 = tpu.memref_slice %arg6[%dma_start3A, %dma_start3A_3] : memref<6x512xf32, #tpu.memory_space<vmem>> -> memref<1x128xf32, #tpu.memory_space<vmem>>
    %dma_start3A_5 = tpu.memref_squeeze %dma_start3A_4 : memref<1x128xf32, #tpu.memory_space<vmem>> -> memref<128xf32, #tpu.memory_space<vmem>>
    %dma_start3A_6 = arith.constant 0 : i32
    %dma_start3A_7 = tpu.memref_slice %arg5[%dma_start3A_6] : memref<512xi32, #tpu.memory_space<vmem>> -> memref<128xi32, #tpu.memory_space<vmem>>
    %dma_start3A_8 = arith.constant 0 : i32
    %dma_start3A_9 = tpu.memref_slice %arg3[%dma_start3A_8] : memref<600000xf32, #tpu.memory_space<hbm>> -> memref<100000xf32, #tpu.memory_space<hbm>>
    %dma_start3A_10 = arith.constant 0 : i32
    %dma_start3A_11 = tpu.memref_slice %dma_start3A_9[%dma_start3A_10] : memref<100000xf32, #tpu.memory_space<hbm>> -> memref<100000xf32, #tpu.memory_space<hbm>>
    tpu.enqueue_indirect_dma source(%dma_start3A_11 : memref<100000xf32, #tpu.memory_space<hbm>>) target(%dma_start3A_5 : memref<128xf32, #tpu.memory_space<vmem>>) offsets(%dma_start3A_7 : memref<128xi32, #tpu.memory_space<vmem>>) semaphore(%arg8 : memref<!tpu.dma_semaphore, #tpu.memory_space<semaphore_mem>>)
    %dma_start3A_12 = arith.constant 1 : i32
    %dma_start3A_13 = arith.constant 0 : i32
    %dma_start3A_14 = tpu.memref_slice %arg6[%dma_start3A_12, %dma_start3A_13] : memref<6x512xf32, #tpu.memory_space<vmem>> -> memref<1x128xf32, #tpu.memory_space<vmem>>
    %dma_start3A_15 = tpu.memref_squeeze %dma_start3A_14 : memref<1x128xf32, #tpu.memory_space<vmem>> -> memref<128xf32, #tpu.memory_space<vmem>>
    %dma_start3A_16 = arith.constant 0 : i32
    %dma_start3A_17 = tpu.memref_slice %arg5[%dma_start3A_16] : memref<512xi32, #tpu.memory_space<vmem>> -> memref<128xi32, #tpu.memory_space<vmem>>
    %dma_start3A_18 = arith.constant 100000 : i32
    %dma_start3A_19 = tpu.memref_slice %arg3[%dma_start3A_18] : memref<600000xf32, #tpu.memory_space<hbm>> -> memref<100000xf32, #tpu.memory_space<hbm>>
    %dma_start3A_20 = arith.constant 0 : i32
    %dma_start3A_21 = tpu.memref_slice %dma_start3A_19[%dma_start3A_20] : memref<100000xf32, #tpu.memory_space<hbm>> -> memref<100000xf32, #tpu.memory_space<hbm>>
    tpu.enqueue_indirect_dma source(%dma_start3A_21 : memref<100000xf32, #tpu.memory_space<hbm>>) target(%dma_start3A_15 : memref<128xf32, #tpu.memory_space<vmem>>) offsets(%dma_start3A_17 : memref<128xi32, #tpu.memory_space<vmem>>) semaphore(%arg8 : memref<!tpu.dma_semaphore, #tpu.memory_space<semaphore_mem>>)
    %dma_start3A_22 = arith.constant 2 : i32
    %dma_start3A_23 = arith.constant 0 : i32
    %dma_start3A_24 = tpu.memref_slice %arg6[%dma_start3A_22, %dma_start3A_23] : memref<6x512xf32, #tpu.memory_space<vmem>> -> memref<1x128xf32, #tpu.memory_space<vmem>>
    %dma_start3A_25 = tpu.memref_squeeze %dma_start3A_24 : memref<1x128xf32, #tpu.memory_space<vmem>> -> memref<128xf32, #tpu.memory_space<vmem>>
    %dma_start3A_26 = arith.constant 0 : i32
    %dma_start3A_27 = tpu.memref_slice %arg5[%dma_start3A_26] : memref<512xi32, #tpu.memory_space<vmem>> -> memref<128xi32, #tpu.memory_space<vmem>>
    %dma_start3A_28 = arith.constant 200000 : i32
    %dma_start3A_29 = tpu.memref_slice %arg3[%dma_start3A_28] : memref<600000xf32, #tpu.memory_space<hbm>> -> memref<100000xf32, #tpu.memory_space<hbm>>
    %dma_start3A_30 = arith.constant 0 : i32
    %dma_start3A_31 = tpu.memref_slice %dma_start3A_29[%dma_start3A_30] : memref<100000xf32, #tpu.memory_space<hbm>> -> memref<100000xf32, #tpu.memory_space<hbm>>
    tpu.enqueue_indirect_dma source(%dma_start3A_31 : memref<100000xf32, #tpu.memory_space<hbm>>) target(%dma_start3A_25 : memref<128xf32, #tpu.memory_space<vmem>>) offsets(%dma_start3A_27 : memref<128xi32, #tpu.memory_space<vmem>>) semaphore(%arg8 : memref<!tpu.dma_semaphore, #tpu.memory_space<semaphore_mem>>)
    %dma_start3A_32 = arith.constant 3 : i32
    %dma_start3A_33 = arith.constant 0 : i32
    %dma_start3A_34 = tpu.memref_slice %arg6[%dma_start3A_32, %dma_start3A_33] : memref<6x512xf32, #tpu.memory_space<vmem>> -> memref<1x128xf32, #tpu.memory_space<vmem>>
    %dma_start3A_35 = tpu.memref_squeeze %dma_start3A_34 : memref<1x128xf32, #tpu.memory_space<vmem>> -> memref<128xf32, #tpu.memory_space<vmem>>
    %dma_start3A_36 = arith.constant 0 : i32
    %dma_start3A_37 = tpu.memref_slice %arg5[%dma_start3A_36] : memref<512xi32, #tpu.memory_space<vmem>> -> memref<128xi32, #tpu.memory_space<vmem>>
    %dma_start3A_38 = arith.constant 300000 : i32
    %dma_start3A_39 = tpu.memref_slice %arg3[%dma_start3A_38] : memref<600000xf32, #tpu.memory_space<hbm>> -> memref<100000xf32, #tpu.memory_space<hbm>>
    %dma_start3A_40 = arith.constant 0 : i32
    %dma_start3A_41 = tpu.memref_slice %dma_start3A_39[%dma_start3A_40] : memref<100000xf32, #tpu.memory_space<hbm>> -> memref<100000xf32, #tpu.memory_space<hbm>>
    tpu.enqueue_indirect_dma source(%dma_start3A_41 : memref<100000xf32, #tpu.memory_space<hbm>>) target(%dma_start3A_35 : memref<128xf32, #tpu.memory_space<vmem>>) offsets(%dma_start3A_37 : memref<128xi32, #tpu.memory_space<vmem>>) semaphore(%arg8 : memref<!tpu.dma_semaphore, #tpu.memory_space<semaphore_mem>>)
    %dma_start3A_42 = arith.constant 4 : i32
    %dma_start3A_43 = arith.constant 0 : i32
    %dma_start3A_44 = tpu.memref_slice %arg6[%dma_start3A_42, %dma_start3A_43] : memref<6x512xf32, #tpu.memory_space<vmem>> -> memref<1x128xf32, #tpu.memory_space<vmem>>
    %dma_start3A_45 = tpu.memref_squeeze %dma_start3A_44 : memref<1x128xf32, #tpu.memory_space<vmem>> -> memref<128xf32, #tpu.memory_space<vmem>>
    %dma_start3A_46 = arith.constant 0 : i32
    %dma_start3A_47 = tpu.memref_slice %arg5[%dma_start3A_46] : memref<512xi32, #tpu.memory_space<vmem>> -> memref<128xi32, #tpu.memory_space<vmem>>
    %dma_start3A_48 = arith.constant 400000 : i32
    %dma_start3A_49 = tpu.memref_slice %arg3[%dma_start3A_48] : memref<600000xf32, #tpu.memory_space<hbm>> -> memref<100000xf32, #tpu.memory_space<hbm>>
    %dma_start3A_50 = arith.constant 0 : i32
    %dma_start3A_51 = tpu.memref_slice %dma_start3A_49[%dma_start3A_50] : memref<100000xf32, #tpu.memory_space<hbm>> -> memref<100000xf32, #tpu.memory_space<hbm>>
    tpu.enqueue_indirect_dma source(%dma_start3A_51 : memref<100000xf32, #tpu.memory_space<hbm>>) target(%dma_start3A_45 : memref<128xf32, #tpu.memory_space<vmem>>) offsets(%dma_start3A_47 : memref<128xi32, #tpu.memory_space<vmem>>) semaphore(%arg8 : memref<!tpu.dma_semaphore, #tpu.memory_space<semaphore_mem>>)
    %dma_start3A_52 = arith.constant 5 : i32
    %dma_start3A_53 = arith.constant 0 : i32
    %dma_start3A_54 = tpu.memref_slice %arg6[%dma_start3A_52, %dma_start3A_53] : memref<6x512xf32, #tpu.memory_space<vmem>> -> memref<1x128xf32, #tpu.memory_space<vmem>>
    %dma_start3A_55 = tpu.memref_squeeze %dma_start3A_54 : memref<1x128xf32, #tpu.memory_space<vmem>> -> memref<128xf32, #tpu.memory_space<vmem>>
    %dma_start3A_56 = arith.constant 0 : i32
    %dma_start3A_57 = tpu.memref_slice %arg5[%dma_start3A_56] : memref<512xi32, #tpu.memory_space<vmem>> -> memref<128xi32, #tpu.memory_space<vmem>>
    %dma_start3A_58 = arith.constant 500000 : i32
    %dma_start3A_59 = tpu.memref_slice %arg3[%dma_start3A_58] : memref<600000xf32, #tpu.memory_space<hbm>> -> memref<100000xf32, #tpu.memory_space<hbm>>
    %dma_start3A_60 = arith.constant 0 : i32
    %dma_start3A_61 = tpu.memref_slice %dma_start3A_59[%dma_start3A_60] : memref<100000xf32, #tpu.memory_space<hbm>> -> memref<100000xf32, #tpu.memory_space<hbm>>
    tpu.enqueue_indirect_dma source(%dma_start3A_61 : memref<100000xf32, #tpu.memory_space<hbm>>) target(%dma_start3A_55 : memref<128xf32, #tpu.memory_space<vmem>>) offsets(%dma_start3A_57 : memref<128xi32, #tpu.memory_space<vmem>>) semaphore(%arg8 : memref<!tpu.dma_semaphore, #tpu.memory_space<semaphore_mem>>)
    %dma_start3A_62 = arith.constant 0 : i32
    %dma_start3A_63 = arith.constant 128 : i32
    %dma_start3A_64 = tpu.memref_slice %arg6[%dma_start3A_62, %dma_start3A_63] : memref<6x512xf32, #tpu.memory_space<vmem>> -> memref<1x128xf32, #tpu.memory_space<vmem>>
    %dma_start3A_65 = tpu.memref_squeeze %dma_start3A_64 : memref<1x128xf32, #tpu.memory_space<vmem>> -> memref<128xf32, #tpu.memory_space<vmem>>
    %dma_start3A_66 = arith.constant 128 : i32
    %dma_start3A_67 = tpu.memref_slice %arg5[%dma_start3A_66] : memref<512xi32, #tpu.memory_space<vmem>> -> memref<128xi32, #tpu.memory_space<vmem>>
    %dma_start3A_68 = arith.constant 0 : i32
    %dma_start3A_69 = tpu.memref_slice %arg3[%dma_start3A_68] : memref<600000xf32, #tpu.memory_space<hbm>> -> memref<100000xf32, #tpu.memory_space<hbm>>
    %dma_start3A_70 = arith.constant 0 : i32
    %dma_start3A_71 = tpu.memref_slice %dma_start3A_69[%dma_start3A_70] : memref<100000xf32, #tpu.memory_space<hbm>> -> memref<100000xf32, #tpu.memory_space<hbm>>
    tpu.enqueue_indirect_dma source(%dma_start3A_71 : memref<100000xf32, #tpu.memory_space<hbm>>) target(%dma_start3A_65 : memref<128xf32, #tpu.memory_space<vmem>>) offsets(%dma_start3A_67 : memref<128xi32, #tpu.memory_space<vmem>>) semaphore(%arg8 : memref<!tpu.dma_semaphore, #tpu.memory_space<semaphore_mem>>)
    %dma_start3A_72 = arith.constant 1 : i32
    %dma_start3A_73 = arith.constant 128 : i32
    %dma_start3A_74 = tpu.memref_slice %arg6[%dma_start3A_72, %dma_start3A_73] : memref<6x512xf32, #tpu.memory_space<vmem>> -> memref<1x128xf32, #tpu.memory_space<vmem>>
    %dma_start3A_75 = tpu.memref_squeeze %dma_start3A_74 : memref<1x128xf32, #tpu.memory_space<vmem>> -> memref<128xf32, #tpu.memory_space<vmem>>
    %dma_start3A_76 = arith.constant 128 : i32
    %dma_start3A_77 = tpu.memref_slice %arg5[%dma_start3A_76] : memref<512xi32, #tpu.memory_space<vmem>> -> memref<128xi32, #tpu.memory_space<vmem>>
    %dma_start3A_78 = arith.constant 100000 : i32
    %dma_start3A_79 = tpu.memref_slice %arg3[%dma_start3A_78] : memref<600000xf32, #tpu.memory_space<hbm>> -> memref<100000xf32, #tpu.memory_space<hbm>>
    %dma_start3A_80 = arith.constant 0 : i32
    %dma_start3A_81 = tpu.memref_slice %dma_start3A_79[%dma_start3A_80] : memref<100000xf32, #tpu.memory_space<hbm>> -> memref<100000xf32, #tpu.memory_space<hbm>>
    tpu.enqueue_indirect_dma source(%dma_start3A_81 : memref<100000xf32, #tpu.memory_space<hbm>>) target(%dma_start3A_75 : memref<128xf32, #tpu.memory_space<vmem>>) offsets(%dma_start3A_77 : memref<128xi32, #tpu.memory_space<vmem>>) semaphore(%arg8 : memref<!tpu.dma_semaphore, #tpu.memory_space<semaphore_mem>>)
    %dma_start3A_82 = arith.constant 2 : i32
    %dma_start3A_83 = arith.constant 128 : i32
    %dma_start3A_84 = tpu.memref_slice %arg6[%dma_start3A_82, %dma_start3A_83] : memref<6x512xf32, #tpu.memory_space<vmem>> -> memref<1x128xf32, #tpu.memory_space<vmem>>
    %dma_start3A_85 = tpu.memref_squeeze %dma_start3A_84 : memref<1x128xf32, #tpu.memory_space<vmem>> -> memref<128xf32, #tpu.memory_space<vmem>>
    %dma_start3A_86 = arith.constant 128 : i32
    %dma_start3A_87 = tpu.memref_slice %arg5[%dma_start3A_86] : memref<512xi32, #tpu.memory_space<vmem>> -> memref<128xi32, #tpu.memory_space<vmem>>
    %dma_start3A_88 = arith.constant 200000 : i32
    %dma_start3A_89 = tpu.memref_slice %arg3[%dma_start3A_88] : memref<600000xf32, #tpu.memory_space<hbm>> -> memref<100000xf32, #tpu.memory_space<hbm>>
    %dma_start3A_90 = arith.constant 0 : i32
    %dma_start3A_91 = tpu.memref_slice %dma_start3A_89[%dma_start3A_90] : memref<100000xf32, #tpu.memory_space<hbm>> -> memref<100000xf32, #tpu.memory_space<hbm>>
    tpu.enqueue_indirect_dma source(%dma_start3A_91 : memref<100000xf32, #tpu.memory_space<hbm>>) target(%dma_start3A_85 : memref<128xf32, #tpu.memory_space<vmem>>) offsets(%dma_start3A_87 : memref<128xi32, #tpu.memory_space<vmem>>) semaphore(%arg8 : memref<!tpu.dma_semaphore, #tpu.memory_space<semaphore_mem>>)
    %dma_start3A_92 = arith.constant 3 : i32
    %dma_start3A_93 = arith.constant 128 : i32
    %dma_start3A_94 = tpu.memref_slice %arg6[%dma_start3A_92, %dma_start3A_93] : memref<6x512xf32, #tpu.memory_space<vmem>> -> memref<1x128xf32, #tpu.memory_space<vmem>>
    %dma_start3A_95 = tpu.memref_squeeze %dma_start3A_94 : memref<1x128xf32, #tpu.memory_space<vmem>> -> memref<128xf32, #tpu.memory_space<vmem>>
    %dma_start3A_96 = arith.constant 128 : i32
    %dma_start3A_97 = tpu.memref_slice %arg5[%dma_start3A_96] : memref<512xi32, #tpu.memory_space<vmem>> -> memref<128xi32, #tpu.memory_space<vmem>>
    %dma_start3A_98 = arith.constant 300000 : i32
    %dma_start3A_99 = tpu.memref_slice %arg3[%dma_start3A_98] : memref<600000xf32, #tpu.memory_space<hbm>> -> memref<100000xf32, #tpu.memory_space<hbm>>
    %dma_start3A_100 = arith.constant 0 : i32
    %dma_start3A_101 = tpu.memref_slice %dma_start3A_99[%dma_start3A_100] : memref<100000xf32, #tpu.memory_space<hbm>> -> memref<100000xf32, #tpu.memory_space<hbm>>
    tpu.enqueue_indirect_dma source(%dma_start3A_101 : memref<100000xf32, #tpu.memory_space<hbm>>) target(%dma_start3A_95 : memref<128xf32, #tpu.memory_space<vmem>>) offsets(%dma_start3A_97 : memref<128xi32, #tpu.memory_space<vmem>>) semaphore(%arg8 : memref<!tpu.dma_semaphore, #tpu.memory_space<semaphore_mem>>)
    %dma_start3A_102 = arith.constant 4 : i32
    %dma_start3A_103 = arith.constant 128 : i32
    %dma_start3A_104 = tpu.memref_slice %arg6[%dma_start3A_102, %dma_start3A_103] : memref<6x512xf32, #tpu.memory_space<vmem>> -> memref<1x128xf32, #tpu.memory_space<vmem>>
    %dma_start3A_105 = tpu.memref_squeeze %dma_start3A_104 : memref<1x128xf32, #tpu.memory_space<vmem>> -> memref<128xf32, #tpu.memory_space<vmem>>
    %dma_start3A_106 = arith.constant 128 : i32
    %dma_start3A_107 = tpu.memref_slice %arg5[%dma_start3A_106] : memref<512xi32, #tpu.memory_space<vmem>> -> memref<128xi32, #tpu.memory_space<vmem>>
    %dma_start3A_108 = arith.constant 400000 : i32
    %dma_start3A_109 = tpu.memref_slice %arg3[%dma_start3A_108] : memref<600000xf32, #tpu.memory_space<hbm>> -> memref<100000xf32, #tpu.memory_space<hbm>>
    %dma_start3A_110 = arith.constant 0 : i32
    %dma_start3A_111 = tpu.memref_slice %dma_start3A_109[%dma_start3A_110] : memref<100000xf32, #tpu.memory_space<hbm>> -> memref<100000xf32, #tpu.memory_space<hbm>>
    tpu.enqueue_indirect_dma source(%dma_start3A_111 : memref<100000xf32, #tpu.memory_space<hbm>>) target(%dma_start3A_105 : memref<128xf32, #tpu.memory_space<vmem>>) offsets(%dma_start3A_107 : memref<128xi32, #tpu.memory_space<vmem>>) semaphore(%arg8 : memref<!tpu.dma_semaphore, #tpu.memory_space<semaphore_mem>>)
    %dma_start3A_112 = arith.constant 5 : i32
    %dma_start3A_113 = arith.constant 128 : i32
    %dma_start3A_114 = tpu.memref_slice %arg6[%dma_start3A_112, %dma_start3A_113] : memref<6x512xf32, #tpu.memory_space<vmem>> -> memref<1x128xf32, #tpu.memory_space<vmem>>
    %dma_start3A_115 = tpu.memref_squeeze %dma_start3A_114 : memref<1x128xf32, #tpu.memory_space<vmem>> -> memref<128xf32, #tpu.memory_space<vmem>>
    %dma_start3A_116 = arith.constant 128 : i32
    %dma_start3A_117 = tpu.memref_slice %arg5[%dma_start3A_116] : memref<512xi32, #tpu.memory_space<vmem>> -> memref<128xi32, #tpu.memory_space<vmem>>
    %dma_start3A_118 = arith.constant 500000 : i32
    %dma_start3A_119 = tpu.memref_slice %arg3[%dma_start3A_118] : memref<600000xf32, #tpu.memory_space<hbm>> -> memref<100000xf32, #tpu.memory_space<hbm>>
    %dma_start3A_120 = arith.constant 0 : i32
    %dma_start3A_121 = tpu.memref_slice %dma_start3A_119[%dma_start3A_120] : memref<100000xf32, #tpu.memory_space<hbm>> -> memref<100000xf32, #tpu.memory_space<hbm>>
    tpu.enqueue_indirect_dma source(%dma_start3A_121 : memref<100000xf32, #tpu.memory_space<hbm>>) target(%dma_start3A_115 : memref<128xf32, #tpu.memory_space<vmem>>) offsets(%dma_start3A_117 : memref<128xi32, #tpu.memory_space<vmem>>) semaphore(%arg8 : memref<!tpu.dma_semaphore, #tpu.memory_space<semaphore_mem>>)
    %dma_start3A_122 = arith.constant 0 : i32
    %dma_start3A_123 = arith.constant 256 : i32
    %dma_start3A_124 = tpu.memref_slice %arg6[%dma_start3A_122, %dma_start3A_123] : memref<6x512xf32, #tpu.memory_space<vmem>> -> memref<1x128xf32, #tpu.memory_space<vmem>>
    %dma_start3A_125 = tpu.memref_squeeze %dma_start3A_124 : memref<1x128xf32, #tpu.memory_space<vmem>> -> memref<128xf32, #tpu.memory_space<vmem>>
    %dma_start3A_126 = arith.constant 256 : i32
    %dma_start3A_127 = tpu.memref_slice %arg5[%dma_start3A_126] : memref<512xi32, #tpu.memory_space<vmem>> -> memref<128xi32, #tpu.memory_space<vmem>>
    %dma_start3A_128 = arith.constant 0 : i32
    %dma_start3A_129 = tpu.memref_slice %arg3[%dma_start3A_128] : memref<600000xf32, #tpu.memory_space<hbm>> -> memref<100000xf32, #tpu.memory_space<hbm>>
    %dma_start3A_130 = arith.constant 0 : i32
    %dma_start3A_131 = tpu.memref_slice %dma_start3A_129[%dma_start3A_130] : memref<100000xf32, #tpu.memory_space<hbm>> -> memref<100000xf32, #tpu.memory_space<hbm>>
    tpu.enqueue_indirect_dma source(%dma_start3A_131 : memref<100000xf32, #tpu.memory_space<hbm>>) target(%dma_start3A_125 : memref<128xf32, #tpu.memory_space<vmem>>) offsets(%dma_start3A_127 : memref<128xi32, #tpu.memory_space<vmem>>) semaphore(%arg8 : memref<!tpu.dma_semaphore, #tpu.memory_space<semaphore_mem>>)
    %dma_start3A_132 = arith.constant 1 : i32
    %dma_start3A_133 = arith.constant 256 : i32
    %dma_start3A_134 = tpu.memref_slice %arg6[%dma_start3A_132, %dma_start3A_133] : memref<6x512xf32, #tpu.memory_space<vmem>> -> memref<1x128xf32, #tpu.memory_space<vmem>>
    %dma_start3A_135 = tpu.memref_squeeze %dma_start3A_134 : memref<1x128xf32, #tpu.memory_space<vmem>> -> memref<128xf32, #tpu.memory_space<vmem>>
    %dma_start3A_136 = arith.constant 256 : i32
    %dma_start3A_137 = tpu.memref_slice %arg5[%dma_start3A_136] : memref<512xi32, #tpu.memory_space<vmem>> -> memref<128xi32, #tpu.memory_space<vmem>>
    %dma_start3A_138 = arith.constant 100000 : i32
    %dma_start3A_139 = tpu.memref_slice %arg3[%dma_start3A_138] : memref<600000xf32, #tpu.memory_space<hbm>> -> memref<100000xf32, #tpu.memory_space<hbm>>
    %dma_start3A_140 = arith.constant 0 : i32
    %dma_start3A_141 = tpu.memref_slice %dma_start3A_139[%dma_start3A_140] : memref<100000xf32, #tpu.memory_space<hbm>> -> memref<100000xf32, #tpu.memory_space<hbm>>
    tpu.enqueue_indirect_dma source(%dma_start3A_141 : memref<100000xf32, #tpu.memory_space<hbm>>) target(%dma_start3A_135 : memref<128xf32, #tpu.memory_space<vmem>>) offsets(%dma_start3A_137 : memref<128xi32, #tpu.memory_space<vmem>>) semaphore(%arg8 : memref<!tpu.dma_semaphore, #tpu.memory_space<semaphore_mem>>)
    %dma_start3A_142 = arith.constant 2 : i32
    %dma_start3A_143 = arith.constant 256 : i32
    %dma_start3A_144 = tpu.memref_slice %arg6[%dma_start3A_142, %dma_start3A_143] : memref<6x512xf32, #tpu.memory_space<vmem>> -> memref<1x128xf32, #tpu.memory_space<vmem>>
    %dma_start3A_145 = tpu.memref_squeeze %dma_start3A_144 : memref<1x128xf32, #tpu.memory_space<vmem>> -> memref<128xf32, #tpu.memory_space<vmem>>
    %dma_start3A_146 = arith.constant 256 : i32
    %dma_start3A_147 = tpu.memref_slice %arg5[%dma_start3A_146] : memref<512xi32, #tpu.memory_space<vmem>> -> memref<128xi32, #tpu.memory_space<vmem>>
    %dma_start3A_148 = arith.constant 200000 : i32
    %dma_start3A_149 = tpu.memref_slice %arg3[%dma_start3A_148] : memref<600000xf32, #tpu.memory_space<hbm>> -> memref<100000xf32, #tpu.memory_space<hbm>>
    %dma_start3A_150 = arith.constant 0 : i32
    %dma_start3A_151 = tpu.memref_slice %dma_start3A_149[%dma_start3A_150] : memref<100000xf32, #tpu.memory_space<hbm>> -> memref<100000xf32, #tpu.memory_space<hbm>>
    tpu.enqueue_indirect_dma source(%dma_start3A_151 : memref<100000xf32, #tpu.memory_space<hbm>>) target(%dma_start3A_145 : memref<128xf32, #tpu.memory_space<vmem>>) offsets(%dma_start3A_147 : memref<128xi32, #tpu.memory_space<vmem>>) semaphore(%arg8 : memref<!tpu.dma_semaphore, #tpu.memory_space<semaphore_mem>>)
    %dma_start3A_152 = arith.constant 3 : i32
    %dma_start3A_153 = arith.constant 256 : i32
    %dma_start3A_154 = tpu.memref_slice %arg6[%dma_start3A_152, %dma_start3A_153] : memref<6x512xf32, #tpu.memory_space<vmem>> -> memref<1x128xf32, #tpu.memory_space<vmem>>
    %dma_start3A_155 = tpu.memref_squeeze %dma_start3A_154 : memref<1x128xf32, #tpu.memory_space<vmem>> -> memref<128xf32, #tpu.memory_space<vmem>>
    %dma_start3A_156 = arith.constant 256 : i32
    %dma_start3A_157 = tpu.memref_slice %arg5[%dma_start3A_156] : memref<512xi32, #tpu.memory_space<vmem>> -> memref<128xi32, #tpu.memory_space<vmem>>
    %dma_start3A_158 = arith.constant 300000 : i32
    %dma_start3A_159 = tpu.memref_slice %arg3[%dma_start3A_158] : memref<600000xf32, #tpu.memory_space<hbm>> -> memref<100000xf32, #tpu.memory_space<hbm>>
    %dma_start3A_160 = arith.constant 0 : i32
    %dma_start3A_161 = tpu.memref_slice %dma_start3A_159[%dma_start3A_160] : memref<100000xf32, #tpu.memory_space<hbm>> -> memref<100000xf32, #tpu.memory_space<hbm>>
    tpu.enqueue_indirect_dma source(%dma_start3A_161 : memref<100000xf32, #tpu.memory_space<hbm>>) target(%dma_start3A_155 : memref<128xf32, #tpu.memory_space<vmem>>) offsets(%dma_start3A_157 : memref<128xi32, #tpu.memory_space<vmem>>) semaphore(%arg8 : memref<!tpu.dma_semaphore, #tpu.memory_space<semaphore_mem>>)
    %dma_start3A_162 = arith.constant 4 : i32
    %dma_start3A_163 = arith.constant 256 : i32
    %dma_start3A_164 = tpu.memref_slice %arg6[%dma_start3A_162, %dma_start3A_163] : memref<6x512xf32, #tpu.memory_space<vmem>> -> memref<1x128xf32, #tpu.memory_space<vmem>>
    %dma_start3A_165 = tpu.memref_squeeze %dma_start3A_164 : memref<1x128xf32, #tpu.memory_space<vmem>> -> memref<128xf32, #tpu.memory_space<vmem>>
    %dma_start3A_166 = arith.constant 256 : i32
    %dma_start3A_167 = tpu.memref_slice %arg5[%dma_start3A_166] : memref<512xi32, #tpu.memory_space<vmem>> -> memref<128xi32, #tpu.memory_space<vmem>>
    %dma_start3A_168 = arith.constant 400000 : i32
    %dma_start3A_169 = tpu.memref_slice %arg3[%dma_start3A_168] : memref<600000xf32, #tpu.memory_space<hbm>> -> memref<100000xf32, #tpu.memory_space<hbm>>
    %dma_start3A_170 = arith.constant 0 : i32
    %dma_start3A_171 = tpu.memref_slice %dma_start3A_169[%dma_start3A_170] : memref<100000xf32, #tpu.memory_space<hbm>> -> memref<100000xf32, #tpu.memory_space<hbm>>
    tpu.enqueue_indirect_dma source(%dma_start3A_171 : memref<100000xf32, #tpu.memory_space<hbm>>) target(%dma_start3A_165 : memref<128xf32, #tpu.memory_space<vmem>>) offsets(%dma_start3A_167 : memref<128xi32, #tpu.memory_space<vmem>>) semaphore(%arg8 : memref<!tpu.dma_semaphore, #tpu.memory_space<semaphore_mem>>)
    %dma_start3A_172 = arith.constant 5 : i32
    %dma_start3A_173 = arith.constant 256 : i32
    %dma_start3A_174 = tpu.memref_slice %arg6[%dma_start3A_172, %dma_start3A_173] : memref<6x512xf32, #tpu.memory_space<vmem>> -> memref<1x128xf32, #tpu.memory_space<vmem>>
    %dma_start3A_175 = tpu.memref_squeeze %dma_start3A_174 : memref<1x128xf32, #tpu.memory_space<vmem>> -> memref<128xf32, #tpu.memory_space<vmem>>
    %dma_start3A_176 = arith.constant 256 : i32
    %dma_start3A_177 = tpu.memref_slice %arg5[%dma_start3A_176] : memref<512xi32, #tpu.memory_space<vmem>> -> memref<128xi32, #tpu.memory_space<vmem>>
    %dma_start3A_178 = arith.constant 500000 : i32
    %dma_start3A_179 = tpu.memref_slice %arg3[%dma_start3A_178] : memref<600000xf32, #tpu.memory_space<hbm>> -> memref<100000xf32, #tpu.memory_space<hbm>>
    %dma_start3A_180 = arith.constant 0 : i32
    %dma_start3A_181 = tpu.memref_slice %dma_start3A_179[%dma_start3A_180] : memref<100000xf32, #tpu.memory_space<hbm>> -> memref<100000xf32, #tpu.memory_space<hbm>>
    tpu.enqueue_indirect_dma source(%dma_start3A_181 : memref<100000xf32, #tpu.memory_space<hbm>>) target(%dma_start3A_175 : memref<128xf32, #tpu.memory_space<vmem>>) offsets(%dma_start3A_177 : memref<128xi32, #tpu.memory_space<vmem>>) semaphore(%arg8 : memref<!tpu.dma_semaphore, #tpu.memory_space<semaphore_mem>>)
    %dma_start3A_182 = arith.constant 0 : i32
    %dma_start3A_183 = arith.constant 384 : i32
    %dma_start3A_184 = tpu.memref_slice %arg6[%dma_start3A_182, %dma_start3A_183] : memref<6x512xf32, #tpu.memory_space<vmem>> -> memref<1x128xf32, #tpu.memory_space<vmem>>
    %dma_start3A_185 = tpu.memref_squeeze %dma_start3A_184 : memref<1x128xf32, #tpu.memory_space<vmem>> -> memref<128xf32, #tpu.memory_space<vmem>>
    %dma_start3A_186 = arith.constant 384 : i32
    %dma_start3A_187 = tpu.memref_slice %arg5[%dma_start3A_186] : memref<512xi32, #tpu.memory_space<vmem>> -> memref<128xi32, #tpu.memory_space<vmem>>
    %dma_start3A_188 = arith.constant 0 : i32
    %dma_start3A_189 = tpu.memref_slice %arg3[%dma_start3A_188] : memref<600000xf32, #tpu.memory_space<hbm>> -> memref<100000xf32, #tpu.memory_space<hbm>>
    %dma_start3A_190 = arith.constant 0 : i32
    %dma_start3A_191 = tpu.memref_slice %dma_start3A_189[%dma_start3A_190] : memref<100000xf32, #tpu.memory_space<hbm>> -> memref<100000xf32, #tpu.memory_space<hbm>>
    tpu.enqueue_indirect_dma source(%dma_start3A_191 : memref<100000xf32, #tpu.memory_space<hbm>>) target(%dma_start3A_185 : memref<128xf32, #tpu.memory_space<vmem>>) offsets(%dma_start3A_187 : memref<128xi32, #tpu.memory_space<vmem>>) semaphore(%arg8 : memref<!tpu.dma_semaphore, #tpu.memory_space<semaphore_mem>>)
    %dma_start3A_192 = arith.constant 1 : i32
    %dma_start3A_193 = arith.constant 384 : i32
    %dma_start3A_194 = tpu.memref_slice %arg6[%dma_start3A_192, %dma_start3A_193] : memref<6x512xf32, #tpu.memory_space<vmem>> -> memref<1x128xf32, #tpu.memory_space<vmem>>
    %dma_start3A_195 = tpu.memref_squeeze %dma_start3A_194 : memref<1x128xf32, #tpu.memory_space<vmem>> -> memref<128xf32, #tpu.memory_space<vmem>>
    %dma_start3A_196 = arith.constant 384 : i32
    %dma_start3A_197 = tpu.memref_slice %arg5[%dma_start3A_196] : memref<512xi32, #tpu.memory_space<vmem>> -> memref<128xi32, #tpu.memory_space<vmem>>
    %dma_start3A_198 = arith.constant 100000 : i32
    %dma_start3A_199 = tpu.memref_slice %arg3[%dma_start3A_198] : memref<600000xf32, #tpu.memory_space<hbm>> -> memref<100000xf32, #tpu.memory_space<hbm>>
    %dma_start3A_200 = arith.constant 0 : i32
    %dma_start3A_201 = tpu.memref_slice %dma_start3A_199[%dma_start3A_200] : memref<100000xf32, #tpu.memory_space<hbm>> -> memref<100000xf32, #tpu.memory_space<hbm>>
    tpu.enqueue_indirect_dma source(%dma_start3A_201 : memref<100000xf32, #tpu.memory_space<hbm>>) target(%dma_start3A_195 : memref<128xf32, #tpu.memory_space<vmem>>) offsets(%dma_start3A_197 : memref<128xi32, #tpu.memory_space<vmem>>) semaphore(%arg8 : memref<!tpu.dma_semaphore, #tpu.memory_space<semaphore_mem>>)
    %dma_start3A_202 = arith.constant 2 : i32
    %dma_start3A_203 = arith.constant 384 : i32
    %dma_start3A_204 = tpu.memref_slice %arg6[%dma_start3A_202, %dma_start3A_203] : memref<6x512xf32, #tpu.memory_space<vmem>> -> memref<1x128xf32, #tpu.memory_space<vmem>>
    %dma_start3A_205 = tpu.memref_squeeze %dma_start3A_204 : memref<1x128xf32, #tpu.memory_space<vmem>> -> memref<128xf32, #tpu.memory_space<vmem>>
    %dma_start3A_206 = arith.constant 384 : i32
    %dma_start3A_207 = tpu.memref_slice %arg5[%dma_start3A_206] : memref<512xi32, #tpu.memory_space<vmem>> -> memref<128xi32, #tpu.memory_space<vmem>>
    %dma_start3A_208 = arith.constant 200000 : i32
    %dma_start3A_209 = tpu.memref_slice %arg3[%dma_start3A_208] : memref<600000xf32, #tpu.memory_space<hbm>> -> memref<100000xf32, #tpu.memory_space<hbm>>
    %dma_start3A_210 = arith.constant 0 : i32
    %dma_start3A_211 = tpu.memref_slice %dma_start3A_209[%dma_start3A_210] : memref<100000xf32, #tpu.memory_space<hbm>> -> memref<100000xf32, #tpu.memory_space<hbm>>
    tpu.enqueue_indirect_dma source(%dma_start3A_211 : memref<100000xf32, #tpu.memory_space<hbm>>) target(%dma_start3A_205 : memref<128xf32, #tpu.memory_space<vmem>>) offsets(%dma_start3A_207 : memref<128xi32, #tpu.memory_space<vmem>>) semaphore(%arg8 : memref<!tpu.dma_semaphore, #tpu.memory_space<semaphore_mem>>)
    %dma_start3A_212 = arith.constant 3 : i32
    %dma_start3A_213 = arith.constant 384 : i32
    %dma_start3A_214 = tpu.memref_slice %arg6[%dma_start3A_212, %dma_start3A_213] : memref<6x512xf32, #tpu.memory_space<vmem>> -> memref<1x128xf32, #tpu.memory_space<vmem>>
    %dma_start3A_215 = tpu.memref_squeeze %dma_start3A_214 : memref<1x128xf32, #tpu.memory_space<vmem>> -> memref<128xf32, #tpu.memory_space<vmem>>
    %dma_start3A_216 = arith.constant 384 : i32
    %dma_start3A_217 = tpu.memref_slice %arg5[%dma_start3A_216] : memref<512xi32, #tpu.memory_space<vmem>> -> memref<128xi32, #tpu.memory_space<vmem>>
    %dma_start3A_218 = arith.constant 300000 : i32
    %dma_start3A_219 = tpu.memref_slice %arg3[%dma_start3A_218] : memref<600000xf32, #tpu.memory_space<hbm>> -> memref<100000xf32, #tpu.memory_space<hbm>>
    %dma_start3A_220 = arith.constant 0 : i32
    %dma_start3A_221 = tpu.memref_slice %dma_start3A_219[%dma_start3A_220] : memref<100000xf32, #tpu.memory_space<hbm>> -> memref<100000xf32, #tpu.memory_space<hbm>>
    tpu.enqueue_indirect_dma source(%dma_start3A_221 : memref<100000xf32, #tpu.memory_space<hbm>>) target(%dma_start3A_215 : memref<128xf32, #tpu.memory_space<vmem>>) offsets(%dma_start3A_217 : memref<128xi32, #tpu.memory_space<vmem>>) semaphore(%arg8 : memref<!tpu.dma_semaphore, #tpu.memory_space<semaphore_mem>>)
    %dma_start3A_222 = arith.constant 4 : i32
    %dma_start3A_223 = arith.constant 384 : i32
    %dma_start3A_224 = tpu.memref_slice %arg6[%dma_start3A_222, %dma_start3A_223] : memref<6x512xf32, #tpu.memory_space<vmem>> -> memref<1x128xf32, #tpu.memory_space<vmem>>
    %dma_start3A_225 = tpu.memref_squeeze %dma_start3A_224 : memref<1x128xf32, #tpu.memory_space<vmem>> -> memref<128xf32, #tpu.memory_space<vmem>>
    %dma_start3A_226 = arith.constant 384 : i32
    %dma_start3A_227 = tpu.memref_slice %arg5[%dma_start3A_226] : memref<512xi32, #tpu.memory_space<vmem>> -> memref<128xi32, #tpu.memory_space<vmem>>
    %dma_start3A_228 = arith.constant 400000 : i32
    %dma_start3A_229 = tpu.memref_slice %arg3[%dma_start3A_228] : memref<600000xf32, #tpu.memory_space<hbm>> -> memref<100000xf32, #tpu.memory_space<hbm>>
    %dma_start3A_230 = arith.constant 0 : i32
    %dma_start3A_231 = tpu.memref_slice %dma_start3A_229[%dma_start3A_230] : memref<100000xf32, #tpu.memory_space<hbm>> -> memref<100000xf32, #tpu.memory_space<hbm>>
    tpu.enqueue_indirect_dma source(%dma_start3A_231 : memref<100000xf32, #tpu.memory_space<hbm>>) target(%dma_start3A_225 : memref<128xf32, #tpu.memory_space<vmem>>) offsets(%dma_start3A_227 : memref<128xi32, #tpu.memory_space<vmem>>) semaphore(%arg8 : memref<!tpu.dma_semaphore, #tpu.memory_space<semaphore_mem>>)
    %dma_start3A_232 = arith.constant 5 : i32
    %dma_start3A_233 = arith.constant 384 : i32
    %dma_start3A_234 = tpu.memref_slice %arg6[%dma_start3A_232, %dma_start3A_233] : memref<6x512xf32, #tpu.memory_space<vmem>> -> memref<1x128xf32, #tpu.memory_space<vmem>>
    %dma_start3A_235 = tpu.memref_squeeze %dma_start3A_234 : memref<1x128xf32, #tpu.memory_space<vmem>> -> memref<128xf32, #tpu.memory_space<vmem>>
    %dma_start3A_236 = arith.constant 384 : i32
    %dma_start3A_237 = tpu.memref_slice %arg5[%dma_start3A_236] : memref<512xi32, #tpu.memory_space<vmem>> -> memref<128xi32, #tpu.memory_space<vmem>>
    %dma_start3A_238 = arith.constant 500000 : i32
    %dma_start3A_239 = tpu.memref_slice %arg3[%dma_start3A_238] : memref<600000xf32, #tpu.memory_space<hbm>> -> memref<100000xf32, #tpu.memory_space<hbm>>
    %dma_start3A_240 = arith.constant 0 : i32
    %dma_start3A_241 = tpu.memref_slice %dma_start3A_239[%dma_start3A_240] : memref<100000xf32, #tpu.memory_space<hbm>> -> memref<100000xf32, #tpu.memory_space<hbm>>
    tpu.enqueue_indirect_dma source(%dma_start3A_241 : memref<100000xf32, #tpu.memory_space<hbm>>) target(%dma_start3A_235 : memref<128xf32, #tpu.memory_space<vmem>>) offsets(%dma_start3A_237 : memref<128xi32, #tpu.memory_space<vmem>>) semaphore(%arg8 : memref<!tpu.dma_semaphore, #tpu.memory_space<semaphore_mem>>)
    %dma_wait3A = arith.constant 0 : i32
    %dma_wait3A_242 = arith.constant 0 : i32
    %dma_wait3A_243 = tpu.memref_slice %arg6[%dma_wait3A, %dma_wait3A_242] : memref<6x512xf32, #tpu.memory_space<vmem>> -> memref<1x128xf32, #tpu.memory_space<vmem>>
    %dma_wait3A_244 = tpu.memref_squeeze %dma_wait3A_243 : memref<1x128xf32, #tpu.memory_space<vmem>> -> memref<128xf32, #tpu.memory_space<vmem>>
    %dma_wait3A_245 = arith.constant 0 : i32
    %dma_wait3A_246 = tpu.memref_slice %arg5[%dma_wait3A_245] : memref<512xi32, #tpu.memory_space<vmem>> -> memref<128xi32, #tpu.memory_space<vmem>>
    %dma_wait3A_247 = arith.constant 0 : i32
    %dma_wait3A_248 = tpu.memref_slice %arg3[%dma_wait3A_247] : memref<600000xf32, #tpu.memory_space<hbm>> -> memref<100000xf32, #tpu.memory_space<hbm>>
    %dma_wait3A_249 = arith.constant 0 : i32
    %dma_wait3A_250 = tpu.memref_slice %dma_wait3A_248[%dma_wait3A_249] : memref<100000xf32, #tpu.memory_space<hbm>> -> memref<100000xf32, #tpu.memory_space<hbm>>
    tpu.wait_indirect_dma semaphore(%arg8 : memref<!tpu.dma_semaphore, #tpu.memory_space<semaphore_mem>>) src(%dma_wait3A_250 : memref<100000xf32, #tpu.memory_space<hbm>>) dst(%dma_wait3A_244 : memref<128xf32, #tpu.memory_space<vmem>>)
    %dma_wait3A_251 = arith.constant 1 : i32
    %dma_wait3A_252 = arith.constant 0 : i32
    %dma_wait3A_253 = tpu.memref_slice %arg6[%dma_wait3A_251, %dma_wait3A_252] : memref<6x512xf32, #tpu.memory_space<vmem>> -> memref<1x128xf32, #tpu.memory_space<vmem>>
    %dma_wait3A_254 = tpu.memref_squeeze %dma_wait3A_253 : memref<1x128xf32, #tpu.memory_space<vmem>> -> memref<128xf32, #tpu.memory_space<vmem>>
    %dma_wait3A_255 = arith.constant 0 : i32
    %dma_wait3A_256 = tpu.memref_slice %arg5[%dma_wait3A_255] : memref<512xi32, #tpu.memory_space<vmem>> -> memref<128xi32, #tpu.memory_space<vmem>>
    %dma_wait3A_257 = arith.constant 100000 : i32
    %dma_wait3A_258 = tpu.memref_slice %arg3[%dma_wait3A_257] : memref<600000xf32, #tpu.memory_space<hbm>> -> memref<100000xf32, #tpu.memory_space<hbm>>
    %dma_wait3A_259 = arith.constant 0 : i32
    %dma_wait3A_260 = tpu.memref_slice %dma_wait3A_258[%dma_wait3A_259] : memref<100000xf32, #tpu.memory_space<hbm>> -> memref<100000xf32, #tpu.memory_space<hbm>>
    tpu.wait_indirect_dma semaphore(%arg8 : memref<!tpu.dma_semaphore, #tpu.memory_space<semaphore_mem>>) src(%dma_wait3A_260 : memref<100000xf32, #tpu.memory_space<hbm>>) dst(%dma_wait3A_254 : memref<128xf32, #tpu.memory_space<vmem>>)
    %dma_wait3A_261 = arith.constant 2 : i32
    %dma_wait3A_262 = arith.constant 0 : i32
    %dma_wait3A_263 = tpu.memref_slice %arg6[%dma_wait3A_261, %dma_wait3A_262] : memref<6x512xf32, #tpu.memory_space<vmem>> -> memref<1x128xf32, #tpu.memory_space<vmem>>
    %dma_wait3A_264 = tpu.memref_squeeze %dma_wait3A_263 : memref<1x128xf32, #tpu.memory_space<vmem>> -> memref<128xf32, #tpu.memory_space<vmem>>
    %dma_wait3A_265 = arith.constant 0 : i32
    %dma_wait3A_266 = tpu.memref_slice %arg5[%dma_wait3A_265] : memref<512xi32, #tpu.memory_space<vmem>> -> memref<128xi32, #tpu.memory_space<vmem>>
    %dma_wait3A_267 = arith.constant 200000 : i32
    %dma_wait3A_268 = tpu.memref_slice %arg3[%dma_wait3A_267] : memref<600000xf32, #tpu.memory_space<hbm>> -> memref<100000xf32, #tpu.memory_space<hbm>>
    %dma_wait3A_269 = arith.constant 0 : i32
    %dma_wait3A_270 = tpu.memref_slice %dma_wait3A_268[%dma_wait3A_269] : memref<100000xf32, #tpu.memory_space<hbm>> -> memref<100000xf32, #tpu.memory_space<hbm>>
    tpu.wait_indirect_dma semaphore(%arg8 : memref<!tpu.dma_semaphore, #tpu.memory_space<semaphore_mem>>) src(%dma_wait3A_270 : memref<100000xf32, #tpu.memory_space<hbm>>) dst(%dma_wait3A_264 : memref<128xf32, #tpu.memory_space<vmem>>)
    %dma_wait3A_271 = arith.constant 3 : i32
    %dma_wait3A_272 = arith.constant 0 : i32
    %dma_wait3A_273 = tpu.memref_slice %arg6[%dma_wait3A_271, %dma_wait3A_272] : memref<6x512xf32, #tpu.memory_space<vmem>> -> memref<1x128xf32, #tpu.memory_space<vmem>>
    %dma_wait3A_274 = tpu.memref_squeeze %dma_wait3A_273 : memref<1x128xf32, #tpu.memory_space<vmem>> -> memref<128xf32, #tpu.memory_space<vmem>>
    %dma_wait3A_275 = arith.constant 0 : i32
    %dma_wait3A_276 = tpu.memref_slice %arg5[%dma_wait3A_275] : memref<512xi32, #tpu.memory_space<vmem>> -> memref<128xi32, #tpu.memory_space<vmem>>
    %dma_wait3A_277 = arith.constant 300000 : i32
    %dma_wait3A_278 = tpu.memref_slice %arg3[%dma_wait3A_277] : memref<600000xf32, #tpu.memory_space<hbm>> -> memref<100000xf32, #tpu.memory_space<hbm>>
    %dma_wait3A_279 = arith.constant 0 : i32
    %dma_wait3A_280 = tpu.memref_slice %dma_wait3A_278[%dma_wait3A_279] : memref<100000xf32, #tpu.memory_space<hbm>> -> memref<100000xf32, #tpu.memory_space<hbm>>
    tpu.wait_indirect_dma semaphore(%arg8 : memref<!tpu.dma_semaphore, #tpu.memory_space<semaphore_mem>>) src(%dma_wait3A_280 : memref<100000xf32, #tpu.memory_space<hbm>>) dst(%dma_wait3A_274 : memref<128xf32, #tpu.memory_space<vmem>>)
    %dma_wait3A_281 = arith.constant 4 : i32
    %dma_wait3A_282 = arith.constant 0 : i32
    %dma_wait3A_283 = tpu.memref_slice %arg6[%dma_wait3A_281, %dma_wait3A_282] : memref<6x512xf32, #tpu.memory_space<vmem>> -> memref<1x128xf32, #tpu.memory_space<vmem>>
    %dma_wait3A_284 = tpu.memref_squeeze %dma_wait3A_283 : memref<1x128xf32, #tpu.memory_space<vmem>> -> memref<128xf32, #tpu.memory_space<vmem>>
    %dma_wait3A_285 = arith.constant 0 : i32
    %dma_wait3A_286 = tpu.memref_slice %arg5[%dma_wait3A_285] : memref<512xi32, #tpu.memory_space<vmem>> -> memref<128xi32, #tpu.memory_space<vmem>>
    %dma_wait3A_287 = arith.constant 400000 : i32
    %dma_wait3A_288 = tpu.memref_slice %arg3[%dma_wait3A_287] : memref<600000xf32, #tpu.memory_space<hbm>> -> memref<100000xf32, #tpu.memory_space<hbm>>
    %dma_wait3A_289 = arith.constant 0 : i32
    %dma_wait3A_290 = tpu.memref_slice %dma_wait3A_288[%dma_wait3A_289] : memref<100000xf32, #tpu.memory_space<hbm>> -> memref<100000xf32, #tpu.memory_space<hbm>>
    tpu.wait_indirect_dma semaphore(%arg8 : memref<!tpu.dma_semaphore, #tpu.memory_space<semaphore_mem>>) src(%dma_wait3A_290 : memref<100000xf32, #tpu.memory_space<hbm>>) dst(%dma_wait3A_284 : memref<128xf32, #tpu.memory_space<vmem>>)
    %dma_wait3A_291 = arith.constant 5 : i32
    %dma_wait3A_292 = arith.constant 0 : i32
    %dma_wait3A_293 = tpu.memref_slice %arg6[%dma_wait3A_291, %dma_wait3A_292] : memref<6x512xf32, #tpu.memory_space<vmem>> -> memref<1x128xf32, #tpu.memory_space<vmem>>
    %dma_wait3A_294 = tpu.memref_squeeze %dma_wait3A_293 : memref<1x128xf32, #tpu.memory_space<vmem>> -> memref<128xf32, #tpu.memory_space<vmem>>
    %dma_wait3A_295 = arith.constant 0 : i32
    %dma_wait3A_296 = tpu.memref_slice %arg5[%dma_wait3A_295] : memref<512xi32, #tpu.memory_space<vmem>> -> memref<128xi32, #tpu.memory_space<vmem>>
    %dma_wait3A_297 = arith.constant 500000 : i32
    %dma_wait3A_298 = tpu.memref_slice %arg3[%dma_wait3A_297] : memref<600000xf32, #tpu.memory_space<hbm>> -> memref<100000xf32, #tpu.memory_space<hbm>>
    %dma_wait3A_299 = arith.constant 0 : i32
    %dma_wait3A_300 = tpu.memref_slice %dma_wait3A_298[%dma_wait3A_299] : memref<100000xf32, #tpu.memory_space<hbm>> -> memref<100000xf32, #tpu.memory_space<hbm>>
    tpu.wait_indirect_dma semaphore(%arg8 : memref<!tpu.dma_semaphore, #tpu.memory_space<semaphore_mem>>) src(%dma_wait3A_300 : memref<100000xf32, #tpu.memory_space<hbm>>) dst(%dma_wait3A_294 : memref<128xf32, #tpu.memory_space<vmem>>)
    %scan3A = arith.constant 0 : i32
    %scan3A_301 = arith.constant 0 : i32
    %scan3A_302 = arith.constant 8 : i32
    %scan3A_303 = arith.addi %scan3A_301, %scan3A_302 : i32
    %scan3A_304 = arith.constant 1 : i32
    scf.for %scan3A_626 = %scan3A_301 to %scan3A_303 step %scan3A_304  : i32 {
      %mul3A_627 = arith.constant 16 : i32
      %mul3A_628 = arith.muli %scan3A_626, %mul3A_627 : i32
      %mul3A_629 = arith.constant 16 : i32
      %mul3A_630 = arith.muli %scan3A_626, %mul3A_629 : i32
      %sub3A = arith.constant 0 : i32
      %sub3A_631 = arith.subi %mul3A_630, %sub3A : i32
      %get3A = arith.constant 0 : i32
      %get3A_632 = arith.index_cast %get3A : i32 to index
      %get3A_633 = arith.index_cast %mul3A_628 : i32 to index
      %get3A_634 = tpu.vector_load %arg6[%get3A_632, %get3A_633] {strides = array<i32>} : memref<6x512xf32, #tpu.memory_space<vmem>>, vector<16xf32>,
      %get3A_635 = arith.constant 1 : i32
      %get3A_636 = arith.index_cast %get3A_635 : i32 to index
      %get3A_637 = arith.index_cast %mul3A_628 : i32 to index
      %get3A_638 = tpu.vector_load %arg6[%get3A_636, %get3A_637] {strides = array<i32>} : memref<6x512xf32, #tpu.memory_space<vmem>>, vector<16xf32>,
      %get3A_639 = arith.constant 2 : i32
      %get3A_640 = arith.index_cast %get3A_639 : i32 to index
      %get3A_641 = arith.index_cast %mul3A_628 : i32 to index
      %get3A_642 = tpu.vector_load %arg6[%get3A_640, %get3A_641] {strides = array<i32>} : memref<6x512xf32, #tpu.memory_space<vmem>>, vector<16xf32>,
      %get3A_643 = arith.constant 3 : i32
      %get3A_644 = arith.index_cast %get3A_643 : i32 to index
      %get3A_645 = arith.index_cast %mul3A_628 : i32 to index
      %get3A_646 = tpu.vector_load %arg6[%get3A_644, %get3A_645] {strides = array<i32>} : memref<6x512xf32, #tpu.memory_space<vmem>>, vector<16xf32>,
      %get3A_647 = arith.constant 4 : i32
      %get3A_648 = arith.index_cast %get3A_647 : i32 to index
      %get3A_649 = arith.index_cast %mul3A_628 : i32 to index
      %get3A_650 = tpu.vector_load %arg6[%get3A_648, %get3A_649] {strides = array<i32>} : memref<6x512xf32, #tpu.memory_space<vmem>>, vector<16xf32>,
      %get3A_651 = arith.constant 5 : i32
      %get3A_652 = arith.index_cast %get3A_651 : i32 to index
      %get3A_653 = arith.index_cast %mul3A_628 : i32 to index
      %get3A_654 = tpu.vector_load %arg6[%get3A_652, %get3A_653] {strides = array<i32>} : memref<6x512xf32, #tpu.memory_space<vmem>>, vector<16xf32>,
      %mul3A_655 = arith.mulf %get3A_646, %get3A_646 : vector<16xf32>
      %mul3A_656 = arith.mulf %get3A_650, %get3A_650 : vector<16xf32>
      %mul3A_657 = arith.mulf %get3A_654, %get3A_654 : vector<16xf32>
      %add3A_658 = arith.addf %mul3A_655, %mul3A_656 : vector<16xf32>
      %add3A_659 = arith.addf %add3A_658, %mul3A_657 : vector<16xf32>
      %max3A = arith.constant 9.99999993E-9 : f32
      %max3A_660 = vector.broadcast %max3A : f32 to vector<16xf32>
      %max3A_661 = arith.maximumf %add3A_659, %max3A_660 : vector<16xf32>
      %broadcast_in_dim3A = arith.constant -1.98412701E-4 : f32
      %broadcast_in_dim3A_662 = vector.broadcast %broadcast_in_dim3A : f32 to vector<16xf32>
      %mul3A_663 = arith.mulf %broadcast_in_dim3A_662, %max3A_661 : vector<16xf32>
      %add3A_664 = arith.constant 0.00833333377 : f32
      %add3A_665 = vector.broadcast %add3A_664 : f32 to vector<16xf32>
      %add3A_666 = arith.addf %mul3A_663, %add3A_665 : vector<16xf32>
      %mul3A_667 = arith.mulf %add3A_666, %max3A_661 : vector<16xf32>
      %add3A_668 = arith.constant -0.166666672 : f32
      %add3A_669 = vector.broadcast %add3A_668 : f32 to vector<16xf32>
      %add3A_670 = arith.addf %mul3A_667, %add3A_669 : vector<16xf32>
      %mul3A_671 = arith.mulf %add3A_670, %max3A_661 : vector<16xf32>
      %add3A_672 = arith.constant 1.000000e+00 : f32
      %add3A_673 = vector.broadcast %add3A_672 : f32 to vector<16xf32>
      %add3A_674 = arith.addf %mul3A_671, %add3A_673 : vector<16xf32>
      %broadcast_in_dim3A_675 = arith.constant -2.48015876E-5 : f32
      %broadcast_in_dim3A_676 = vector.broadcast %broadcast_in_dim3A_675 : f32 to vector<16xf32>
      %mul3A_677 = arith.mulf %broadcast_in_dim3A_676, %max3A_661 : vector<16xf32>
      %add3A_678 = arith.constant 0.00138888892 : f32
      %add3A_679 = vector.broadcast %add3A_678 : f32 to vector<16xf32>
      %add3A_680 = arith.addf %mul3A_677, %add3A_679 : vector<16xf32>
      %mul3A_681 = arith.mulf %add3A_680, %max3A_661 : vector<16xf32>
      %add3A_682 = arith.constant -0.0416666679 : f32
      %add3A_683 = vector.broadcast %add3A_682 : f32 to vector<16xf32>
      %add3A_684 = arith.addf %mul3A_681, %add3A_683 : vector<16xf32>
      %mul3A_685 = arith.mulf %add3A_684, %max3A_661 : vector<16xf32>
      %add3A_686 = arith.constant 5.000000e-01 : f32
      %add3A_687 = vector.broadcast %add3A_686 : f32 to vector<16xf32>
      %add3A_688 = arith.addf %mul3A_685, %add3A_687 : vector<16xf32>
      %mul3A_689 = arith.mulf %get3A_646, %get3A_650 : vector<16xf32>
      %mul3A_690 = arith.mulf %get3A_646, %get3A_654 : vector<16xf32>
      %mul3A_691 = arith.mulf %get3A_650, %get3A_654 : vector<16xf32>
      %mul3A_692 = arith.mulf %add3A_688, %mul3A_689 : vector<16xf32>
      %mul3A_693 = arith.mulf %add3A_688, %mul3A_690 : vector<16xf32>
      %mul3A_694 = arith.mulf %add3A_688, %mul3A_691 : vector<16xf32>
      %mul3A_695 = arith.mulf %add3A_674, %get3A_646 : vector<16xf32>
      %mul3A_696 = arith.mulf %add3A_674, %get3A_650 : vector<16xf32>
      %mul3A_697 = arith.mulf %add3A_674, %get3A_654 : vector<16xf32>
      %add3A_698 = arith.addf %mul3A_656, %mul3A_657 : vector<16xf32>
      %mul3A_699 = arith.mulf %add3A_688, %add3A_698 : vector<16xf32>
      %sub3A_700 = arith.constant 1.000000e+00 : f32
      %sub3A_701 = vector.broadcast %sub3A_700 : f32 to vector<16xf32>
      %sub3A_702 = arith.subf %sub3A_701, %mul3A_699 : vector<16xf32>
      %sub3A_703 = arith.subf %mul3A_692, %mul3A_697 : vector<16xf32>
      %add3A_704 = arith.addf %mul3A_693, %mul3A_696 : vector<16xf32>
      %add3A_705 = arith.addf %mul3A_692, %mul3A_697 : vector<16xf32>
      %add3A_706 = arith.addf %mul3A_655, %mul3A_657 : vector<16xf32>
      %mul3A_707 = arith.mulf %add3A_688, %add3A_706 : vector<16xf32>
      %sub3A_708 = arith.constant 1.000000e+00 : f32
      %sub3A_709 = vector.broadcast %sub3A_708 : f32 to vector<16xf32>
      %sub3A_710 = arith.subf %sub3A_709, %mul3A_707 : vector<16xf32>
      %sub3A_711 = arith.subf %mul3A_694, %mul3A_695 : vector<16xf32>
      %sub3A_712 = arith.subf %mul3A_693, %mul3A_696 : vector<16xf32>
      %add3A_713 = arith.addf %mul3A_694, %mul3A_695 : vector<16xf32>
      %add3A_714 = arith.addf %mul3A_655, %mul3A_656 : vector<16xf32>
      %mul3A_715 = arith.mulf %add3A_688, %add3A_714 : vector<16xf32>
      %sub3A_716 = arith.constant 1.000000e+00 : f32
      %sub3A_717 = vector.broadcast %sub3A_716 : f32 to vector<16xf32>
      %sub3A_718 = arith.subf %sub3A_717, %mul3A_715 : vector<16xf32>
      %swap3A = arith.constant 0 : i32
      %swap3A_719 = arith.constant 0 : i32
      %swap3A_720 = arith.constant 0 : i32
      %swap3A_721 = arith.index_cast %swap3A : i32 to index
      %swap3A_722 = arith.index_cast %swap3A_719 : i32 to index
      %swap3A_723 = arith.index_cast %swap3A_720 : i32 to index
      %swap3A_724 = arith.index_cast %sub3A_631 : i32 to index
      %swap3A_725 = tpu.vector_load %arg7[%swap3A_721, %swap3A_722, %swap3A_723, %swap3A_724] {strides = array<i32>} : memref<3x4x4x128xf32, #tpu.memory_space<vmem>>, vector<16xf32>,
      tpu.vector_store %arg7[%swap3A_721, %swap3A_722, %swap3A_723, %swap3A_724], %sub3A_702 {strides = array<i32>} : memref<3x4x4x128xf32, #tpu.memory_space<vmem>>, vector<16xf32>,
      %swap3A_726 = arith.constant 0 : i32
      %swap3A_727 = arith.constant 0 : i32
      %swap3A_728 = arith.constant 1 : i32
      %swap3A_729 = arith.index_cast %swap3A_726 : i32 to index
      %swap3A_730 = arith.index_cast %swap3A_727 : i32 to index
      %swap3A_731 = arith.index_cast %swap3A_728 : i32 to index
      %swap3A_732 = arith.index_cast %sub3A_631 : i32 to index
      %swap3A_733 = tpu.vector_load %arg7[%swap3A_729, %swap3A_730, %swap3A_731, %swap3A_732] {strides = array<i32>} : memref<3x4x4x128xf32, #tpu.memory_space<vmem>>, vector<16xf32>,
      tpu.vector_store %arg7[%swap3A_729, %swap3A_730, %swap3A_731, %swap3A_732], %sub3A_703 {strides = array<i32>} : memref<3x4x4x128xf32, #tpu.memory_space<vmem>>, vector<16xf32>,
      %swap3A_734 = arith.constant 0 : i32
      %swap3A_735 = arith.constant 0 : i32
      %swap3A_736 = arith.constant 2 : i32
      %swap3A_737 = arith.index_cast %swap3A_734 : i32 to index
      %swap3A_738 = arith.index_cast %swap3A_735 : i32 to index
      %swap3A_739 = arith.index_cast %swap3A_736 : i32 to index
      %swap3A_740 = arith.index_cast %sub3A_631 : i32 to index
      %swap3A_741 = tpu.vector_load %arg7[%swap3A_737, %swap3A_738, %swap3A_739, %swap3A_740] {strides = array<i32>} : memref<3x4x4x128xf32, #tpu.memory_space<vmem>>, vector<16xf32>,
      tpu.vector_store %arg7[%swap3A_737, %swap3A_738, %swap3A_739, %swap3A_740], %add3A_704 {strides = array<i32>} : memref<3x4x4x128xf32, #tpu.memory_space<vmem>>, vector<16xf32>,
      %swap3A_742 = arith.constant 0 : i32
      %swap3A_743 = arith.constant 0 : i32
      %swap3A_744 = arith.constant 3 : i32
      %swap3A_745 = arith.index_cast %swap3A_742 : i32 to index
      %swap3A_746 = arith.index_cast %swap3A_743 : i32 to index
      %swap3A_747 = arith.index_cast %swap3A_744 : i32 to index
      %swap3A_748 = arith.index_cast %sub3A_631 : i32 to index
      %swap3A_749 = tpu.vector_load %arg7[%swap3A_745, %swap3A_746, %swap3A_747, %swap3A_748] {strides = array<i32>} : memref<3x4x4x128xf32, #tpu.memory_space<vmem>>, vector<16xf32>,
      tpu.vector_store %arg7[%swap3A_745, %swap3A_746, %swap3A_747, %swap3A_748], %get3A_634 {strides = array<i32>} : memref<3x4x4x128xf32, #tpu.memory_space<vmem>>, vector<16xf32>,
      %swap3A_750 = arith.constant 1 : i32
      %swap3A_751 = arith.constant 0 : i32
      %swap3A_752 = arith.constant 0 : i32
      %swap3A_753 = arith.index_cast %swap3A_750 : i32 to index
      %swap3A_754 = arith.index_cast %swap3A_751 : i32 to index
      %swap3A_755 = arith.index_cast %swap3A_752 : i32 to index
      %swap3A_756 = arith.index_cast %sub3A_631 : i32 to index
      %swap3A_757 = tpu.vector_load %arg7[%swap3A_753, %swap3A_754, %swap3A_755, %swap3A_756] {strides = array<i32>} : memref<3x4x4x128xf32, #tpu.memory_space<vmem>>, vector<16xf32>,
      tpu.vector_store %arg7[%swap3A_753, %swap3A_754, %swap3A_755, %swap3A_756], %add3A_705 {strides = array<i32>} : memref<3x4x4x128xf32, #tpu.memory_space<vmem>>, vector<16xf32>,
      %swap3A_758 = arith.constant 1 : i32
      %swap3A_759 = arith.constant 0 : i32
      %swap3A_760 = arith.constant 1 : i32
      %swap3A_761 = arith.index_cast %swap3A_758 : i32 to index
      %swap3A_762 = arith.index_cast %swap3A_759 : i32 to index
      %swap3A_763 = arith.index_cast %swap3A_760 : i32 to index
      %swap3A_764 = arith.index_cast %sub3A_631 : i32 to index
      %swap3A_765 = tpu.vector_load %arg7[%swap3A_761, %swap3A_762, %swap3A_763, %swap3A_764] {strides = array<i32>} : memref<3x4x4x128xf32, #tpu.memory_space<vmem>>, vector<16xf32>,
      tpu.vector_store %arg7[%swap3A_761, %swap3A_762, %swap3A_763, %swap3A_764], %sub3A_710 {strides = array<i32>} : memref<3x4x4x128xf32, #tpu.memory_space<vmem>>, vector<16xf32>,
      %swap3A_766 = arith.constant 1 : i32
      %swap3A_767 = arith.constant 0 : i32
      %swap3A_768 = arith.constant 2 : i32
      %swap3A_769 = arith.index_cast %swap3A_766 : i32 to index
      %swap3A_770 = arith.index_cast %swap3A_767 : i32 to index
      %swap3A_771 = arith.index_cast %swap3A_768 : i32 to index
      %swap3A_772 = arith.index_cast %sub3A_631 : i32 to index
      %swap3A_773 = tpu.vector_load %arg7[%swap3A_769, %swap3A_770, %swap3A_771, %swap3A_772] {strides = array<i32>} : memref<3x4x4x128xf32, #tpu.memory_space<vmem>>, vector<16xf32>,
      tpu.vector_store %arg7[%swap3A_769, %swap3A_770, %swap3A_771, %swap3A_772], %sub3A_711 {strides = array<i32>} : memref<3x4x4x128xf32, #tpu.memory_space<vmem>>, vector<16xf32>,
      %swap3A_774 = arith.constant 1 : i32
      %swap3A_775 = arith.constant 0 : i32
      %swap3A_776 = arith.constant 3 : i32
      %swap3A_777 = arith.index_cast %swap3A_774 : i32 to index
      %swap3A_778 = arith.index_cast %swap3A_775 : i32 to index
      %swap3A_779 = arith.index_cast %swap3A_776 : i32 to index
      %swap3A_780 = arith.index_cast %sub3A_631 : i32 to index
      %swap3A_781 = tpu.vector_load %arg7[%swap3A_777, %swap3A_778, %swap3A_779, %swap3A_780] {strides = array<i32>} : memref<3x4x4x128xf32, #tpu.memory_space<vmem>>, vector<16xf32>,
      tpu.vector_store %arg7[%swap3A_777, %swap3A_778, %swap3A_779, %swap3A_780], %get3A_638 {strides = array<i32>} : memref<3x4x4x128xf32, #tpu.memory_space<vmem>>, vector<16xf32>,
      %swap3A_782 = arith.constant 2 : i32
      %swap3A_783 = arith.constant 0 : i32
      %swap3A_784 = arith.constant 0 : i32
      %swap3A_785 = arith.index_cast %swap3A_782 : i32 to index
      %swap3A_786 = arith.index_cast %swap3A_783 : i32 to index
      %swap3A_787 = arith.index_cast %swap3A_784 : i32 to index
      %swap3A_788 = arith.index_cast %sub3A_631 : i32 to index
      %swap3A_789 = tpu.vector_load %arg7[%swap3A_785, %swap3A_786, %swap3A_787, %swap3A_788] {strides = array<i32>} : memref<3x4x4x128xf32, #tpu.memory_space<vmem>>, vector<16xf32>,
      tpu.vector_store %arg7[%swap3A_785, %swap3A_786, %swap3A_787, %swap3A_788], %sub3A_712 {strides = array<i32>} : memref<3x4x4x128xf32, #tpu.memory_space<vmem>>, vector<16xf32>,
      %swap3A_790 = arith.constant 2 : i32
      %swap3A_791 = arith.constant 0 : i32
      %swap3A_792 = arith.constant 1 : i32
      %swap3A_793 = arith.index_cast %swap3A_790 : i32 to index
      %swap3A_794 = arith.index_cast %swap3A_791 : i32 to index
      %swap3A_795 = arith.index_cast %swap3A_792 : i32 to index
      %swap3A_796 = arith.index_cast %sub3A_631 : i32 to index
      %swap3A_797 = tpu.vector_load %arg7[%swap3A_793, %swap3A_794, %swap3A_795, %swap3A_796] {strides = array<i32>} : memref<3x4x4x128xf32, #tpu.memory_space<vmem>>, vector<16xf32>,
      tpu.vector_store %arg7[%swap3A_793, %swap3A_794, %swap3A_795, %swap3A_796], %add3A_713 {strides = array<i32>} : memref<3x4x4x128xf32, #tpu.memory_space<vmem>>, vector<16xf32>,
      %swap3A_798 = arith.constant 2 : i32
      %swap3A_799 = arith.constant 0 : i32
      %swap3A_800 = arith.constant 2 : i32
      %swap3A_801 = arith.index_cast %swap3A_798 : i32 to index
      %swap3A_802 = arith.index_cast %swap3A_799 : i32 to index
      %swap3A_803 = arith.index_cast %swap3A_800 : i32 to index
      %swap3A_804 = arith.index_cast %sub3A_631 : i32 to index
      %swap3A_805 = tpu.vector_load %arg7[%swap3A_801, %swap3A_802, %swap3A_803, %swap3A_804] {strides = array<i32>} : memref<3x4x4x128xf32, #tpu.memory_space<vmem>>, vector<16xf32>,
      tpu.vector_store %arg7[%swap3A_801, %swap3A_802, %swap3A_803, %swap3A_804], %sub3A_718 {strides = array<i32>} : memref<3x4x4x128xf32, #tpu.memory_space<vmem>>, vector<16xf32>,
      %swap3A_806 = arith.constant 2 : i32
      %swap3A_807 = arith.constant 0 : i32
      %swap3A_808 = arith.constant 3 : i32
      %swap3A_809 = arith.index_cast %swap3A_806 : i32 to index
      %swap3A_810 = arith.index_cast %swap3A_807 : i32 to index
      %swap3A_811 = arith.index_cast %swap3A_808 : i32 to index
      %swap3A_812 = arith.index_cast %sub3A_631 : i32 to index
      %swap3A_813 = tpu.vector_load %arg7[%swap3A_809, %swap3A_810, %swap3A_811, %swap3A_812] {strides = array<i32>} : memref<3x4x4x128xf32, #tpu.memory_space<vmem>>, vector<16xf32>,
      tpu.vector_store %arg7[%swap3A_809, %swap3A_810, %swap3A_811, %swap3A_812], %get3A_642 {strides = array<i32>} : memref<3x4x4x128xf32, #tpu.memory_space<vmem>>, vector<16xf32>,
    }
    %scan3A_305 = arith.constant 8 : i32
    %dma_wait3A_306 = arith.constant 0 : i32
    %dma_wait3A_307 = arith.constant 128 : i32
    %dma_wait3A_308 = tpu.memref_slice %arg6[%dma_wait3A_306, %dma_wait3A_307] : memref<6x512xf32, #tpu.memory_space<vmem>> -> memref<1x128xf32, #tpu.memory_space<vmem>>
    %dma_wait3A_309 = tpu.memref_squeeze %dma_wait3A_308 : memref<1x128xf32, #tpu.memory_space<vmem>> -> memref<128xf32, #tpu.memory_space<vmem>>
    %dma_wait3A_310 = arith.constant 128 : i32
    %dma_wait3A_311 = tpu.memref_slice %arg5[%dma_wait3A_310] : memref<512xi32, #tpu.memory_space<vmem>> -> memref<128xi32, #tpu.memory_space<vmem>>
    %dma_wait3A_312 = arith.constant 0 : i32
    %dma_wait3A_313 = tpu.memref_slice %arg3[%dma_wait3A_312] : memref<600000xf32, #tpu.memory_space<hbm>> -> memref<100000xf32, #tpu.memory_space<hbm>>
    %dma_wait3A_314 = arith.constant 0 : i32
    %dma_wait3A_315 = tpu.memref_slice %dma_wait3A_313[%dma_wait3A_314] : memref<100000xf32, #tpu.memory_space<hbm>> -> memref<100000xf32, #tpu.memory_space<hbm>>
    tpu.wait_indirect_dma semaphore(%arg8 : memref<!tpu.dma_semaphore, #tpu.memory_space<semaphore_mem>>) src(%dma_wait3A_315 : memref<100000xf32, #tpu.memory_space<hbm>>) dst(%dma_wait3A_309 : memref<128xf32, #tpu.memory_space<vmem>>)
    %dma_wait3A_316 = arith.constant 1 : i32
    %dma_wait3A_317 = arith.constant 128 : i32
    %dma_wait3A_318 = tpu.memref_slice %arg6[%dma_wait3A_316, %dma_wait3A_317] : memref<6x512xf32, #tpu.memory_space<vmem>> -> memref<1x128xf32, #tpu.memory_space<vmem>>
    %dma_wait3A_319 = tpu.memref_squeeze %dma_wait3A_318 : memref<1x128xf32, #tpu.memory_space<vmem>> -> memref<128xf32, #tpu.memory_space<vmem>>
    %dma_wait3A_320 = arith.constant 128 : i32
    %dma_wait3A_321 = tpu.memref_slice %arg5[%dma_wait3A_320] : memref<512xi32, #tpu.memory_space<vmem>> -> memref<128xi32, #tpu.memory_space<vmem>>
    %dma_wait3A_322 = arith.constant 100000 : i32
    %dma_wait3A_323 = tpu.memref_slice %arg3[%dma_wait3A_322] : memref<600000xf32, #tpu.memory_space<hbm>> -> memref<100000xf32, #tpu.memory_space<hbm>>
    %dma_wait3A_324 = arith.constant 0 : i32
    %dma_wait3A_325 = tpu.memref_slice %dma_wait3A_323[%dma_wait3A_324] : memref<100000xf32, #tpu.memory_space<hbm>> -> memref<100000xf32, #tpu.memory_space<hbm>>
    tpu.wait_indirect_dma semaphore(%arg8 : memref<!tpu.dma_semaphore, #tpu.memory_space<semaphore_mem>>) src(%dma_wait3A_325 : memref<100000xf32, #tpu.memory_space<hbm>>) dst(%dma_wait3A_319 : memref<128xf32, #tpu.memory_space<vmem>>)
    %dma_wait3A_326 = arith.constant 2 : i32
    %dma_wait3A_327 = arith.constant 128 : i32
    %dma_wait3A_328 = tpu.memref_slice %arg6[%dma_wait3A_326, %dma_wait3A_327] : memref<6x512xf32, #tpu.memory_space<vmem>> -> memref<1x128xf32, #tpu.memory_space<vmem>>
    %dma_wait3A_329 = tpu.memref_squeeze %dma_wait3A_328 : memref<1x128xf32, #tpu.memory_space<vmem>> -> memref<128xf32, #tpu.memory_space<vmem>>
    %dma_wait3A_330 = arith.constant 128 : i32
    %dma_wait3A_331 = tpu.memref_slice %arg5[%dma_wait3A_330] : memref<512xi32, #tpu.memory_space<vmem>> -> memref<128xi32, #tpu.memory_space<vmem>>
    %dma_wait3A_332 = arith.constant 200000 : i32
    %dma_wait3A_333 = tpu.memref_slice %arg3[%dma_wait3A_332] : memref<600000xf32, #tpu.memory_space<hbm>> -> memref<100000xf32, #tpu.memory_space<hbm>>
    %dma_wait3A_334 = arith.constant 0 : i32
    %dma_wait3A_335 = tpu.memref_slice %dma_wait3A_333[%dma_wait3A_334] : memref<100000xf32, #tpu.memory_space<hbm>> -> memref<100000xf32, #tpu.memory_space<hbm>>
    tpu.wait_indirect_dma semaphore(%arg8 : memref<!tpu.dma_semaphore, #tpu.memory_space<semaphore_mem>>) src(%dma_wait3A_335 : memref<100000xf32, #tpu.memory_space<hbm>>) dst(%dma_wait3A_329 : memref<128xf32, #tpu.memory_space<vmem>>)
    %dma_wait3A_336 = arith.constant 3 : i32
    %dma_wait3A_337 = arith.constant 128 : i32
    %dma_wait3A_338 = tpu.memref_slice %arg6[%dma_wait3A_336, %dma_wait3A_337] : memref<6x512xf32, #tpu.memory_space<vmem>> -> memref<1x128xf32, #tpu.memory_space<vmem>>
    %dma_wait3A_339 = tpu.memref_squeeze %dma_wait3A_338 : memref<1x128xf32, #tpu.memory_space<vmem>> -> memref<128xf32, #tpu.memory_space<vmem>>
    %dma_wait3A_340 = arith.constant 128 : i32
    %dma_wait3A_341 = tpu.memref_slice %arg5[%dma_wait3A_340] : memref<512xi32, #tpu.memory_space<vmem>> -> memref<128xi32, #tpu.memory_space<vmem>>
    %dma_wait3A_342 = arith.constant 300000 : i32
    %dma_wait3A_343 = tpu.memref_slice %arg3[%dma_wait3A_342] : memref<600000xf32, #tpu.memory_space<hbm>> -> memref<100000xf32, #tpu.memory_space<hbm>>
    %dma_wait3A_344 = arith.constant 0 : i32
    %dma_wait3A_345 = tpu.memref_slice %dma_wait3A_343[%dma_wait3A_344] : memref<100000xf32, #tpu.memory_space<hbm>> -> memref<100000xf32, #tpu.memory_space<hbm>>
    tpu.wait_indirect_dma semaphore(%arg8 : memref<!tpu.dma_semaphore, #tpu.memory_space<semaphore_mem>>) src(%dma_wait3A_345 : memref<100000xf32, #tpu.memory_space<hbm>>) dst(%dma_wait3A_339 : memref<128xf32, #tpu.memory_space<vmem>>)
    %dma_wait3A_346 = arith.constant 4 : i32
    %dma_wait3A_347 = arith.constant 128 : i32
    %dma_wait3A_348 = tpu.memref_slice %arg6[%dma_wait3A_346, %dma_wait3A_347] : memref<6x512xf32, #tpu.memory_space<vmem>> -> memref<1x128xf32, #tpu.memory_space<vmem>>
    %dma_wait3A_349 = tpu.memref_squeeze %dma_wait3A_348 : memref<1x128xf32, #tpu.memory_space<vmem>> -> memref<128xf32, #tpu.memory_space<vmem>>
    %dma_wait3A_350 = arith.constant 128 : i32
    %dma_wait3A_351 = tpu.memref_slice %arg5[%dma_wait3A_350] : memref<512xi32, #tpu.memory_space<vmem>> -> memref<128xi32, #tpu.memory_space<vmem>>
    %dma_wait3A_352 = arith.constant 400000 : i32
    %dma_wait3A_353 = tpu.memref_slice %arg3[%dma_wait3A_352] : memref<600000xf32, #tpu.memory_space<hbm>> -> memref<100000xf32, #tpu.memory_space<hbm>>
    %dma_wait3A_354 = arith.constant 0 : i32
    %dma_wait3A_355 = tpu.memref_slice %dma_wait3A_353[%dma_wait3A_354] : memref<100000xf32, #tpu.memory_space<hbm>> -> memref<100000xf32, #tpu.memory_space<hbm>>
    tpu.wait_indirect_dma semaphore(%arg8 : memref<!tpu.dma_semaphore, #tpu.memory_space<semaphore_mem>>) src(%dma_wait3A_355 : memref<100000xf32, #tpu.memory_space<hbm>>) dst(%dma_wait3A_349 : memref<128xf32, #tpu.memory_space<vmem>>)
    %dma_wait3A_356 = arith.constant 5 : i32
    %dma_wait3A_357 = arith.constant 128 : i32
    %dma_wait3A_358 = tpu.memref_slice %arg6[%dma_wait3A_356, %dma_wait3A_357] : memref<6x512xf32, #tpu.memory_space<vmem>> -> memref<1x128xf32, #tpu.memory_space<vmem>>
    %dma_wait3A_359 = tpu.memref_squeeze %dma_wait3A_358 : memref<1x128xf32, #tpu.memory_space<vmem>> -> memref<128xf32, #tpu.memory_space<vmem>>
    %dma_wait3A_360 = arith.constant 128 : i32
    %dma_wait3A_361 = tpu.memref_slice %arg5[%dma_wait3A_360] : memref<512xi32, #tpu.memory_space<vmem>> -> memref<128xi32, #tpu.memory_space<vmem>>
    %dma_wait3A_362 = arith.constant 500000 : i32
    %dma_wait3A_363 = tpu.memref_slice %arg3[%dma_wait3A_362] : memref<600000xf32, #tpu.memory_space<hbm>> -> memref<100000xf32, #tpu.memory_space<hbm>>
    %dma_wait3A_364 = arith.constant 0 : i32
    %dma_wait3A_365 = tpu.memref_slice %dma_wait3A_363[%dma_wait3A_364] : memref<100000xf32, #tpu.memory_space<hbm>> -> memref<100000xf32, #tpu.memory_space<hbm>>
    tpu.wait_indirect_dma semaphore(%arg8 : memref<!tpu.dma_semaphore, #tpu.memory_space<semaphore_mem>>) src(%dma_wait3A_365 : memref<100000xf32, #tpu.memory_space<hbm>>) dst(%dma_wait3A_359 : memref<128xf32, #tpu.memory_space<vmem>>)
    %scan3A_366 = arith.constant 0 : i32
    %scan3A_367 = arith.constant 8 : i32
    %scan3A_368 = arith.constant 8 : i32
    %scan3A_369 = arith.addi %scan3A_367, %scan3A_368 : i32
    %scan3A_370 = arith.constant 1 : i32
    scf.for %scan3A_626 = %scan3A_367 to %scan3A_369 step %scan3A_370  : i32 {
      %mul3A_627 = arith.constant 16 : i32
      %mul3A_628 = arith.muli %scan3A_626, %mul3A_627 : i32
      %mul3A_629 = arith.constant 16 : i32
      %mul3A_630 = arith.muli %scan3A_626, %mul3A_629 : i32
      %sub3A = arith.constant 128 : i32
      %sub3A_631 = arith.subi %mul3A_630, %sub3A : i32
      %get3A = arith.constant 0 : i32
      %get3A_632 = arith.index_cast %get3A : i32 to index
      %get3A_633 = arith.index_cast %mul3A_628 : i32 to index
      %get3A_634 = tpu.vector_load %arg6[%get3A_632, %get3A_633] {strides = array<i32>} : memref<6x512xf32, #tpu.memory_space<vmem>>, vector<16xf32>,
      %get3A_635 = arith.constant 1 : i32
      %get3A_636 = arith.index_cast %get3A_635 : i32 to index
      %get3A_637 = arith.index_cast %mul3A_628 : i32 to index
      %get3A_638 = tpu.vector_load %arg6[%get3A_636, %get3A_637] {strides = array<i32>} : memref<6x512xf32, #tpu.memory_space<vmem>>, vector<16xf32>,
      %get3A_639 = arith.constant 2 : i32
      %get3A_640 = arith.index_cast %get3A_639 : i32 to index
      %get3A_641 = arith.index_cast %mul3A_628 : i32 to index
      %get3A_642 = tpu.vector_load %arg6[%get3A_640, %get3A_641] {strides = array<i32>} : memref<6x512xf32, #tpu.memory_space<vmem>>, vector<16xf32>,
      %get3A_643 = arith.constant 3 : i32
      %get3A_644 = arith.index_cast %get3A_643 : i32 to index
      %get3A_645 = arith.index_cast %mul3A_628 : i32 to index
      %get3A_646 = tpu.vector_load %arg6[%get3A_644, %get3A_645] {strides = array<i32>} : memref<6x512xf32, #tpu.memory_space<vmem>>, vector<16xf32>,
      %get3A_647 = arith.constant 4 : i32
      %get3A_648 = arith.index_cast %get3A_647 : i32 to index
      %get3A_649 = arith.index_cast %mul3A_628 : i32 to index
      %get3A_650 = tpu.vector_load %arg6[%get3A_648, %get3A_649] {strides = array<i32>} : memref<6x512xf32, #tpu.memory_space<vmem>>, vector<16xf32>,
      %get3A_651 = arith.constant 5 : i32
      %get3A_652 = arith.index_cast %get3A_651 : i32 to index
      %get3A_653 = arith.index_cast %mul3A_628 : i32 to index
      %get3A_654 = tpu.vector_load %arg6[%get3A_652, %get3A_653] {strides = array<i32>} : memref<6x512xf32, #tpu.memory_space<vmem>>, vector<16xf32>,
      %mul3A_655 = arith.mulf %get3A_646, %get3A_646 : vector<16xf32>
      %mul3A_656 = arith.mulf %get3A_650, %get3A_650 : vector<16xf32>
      %mul3A_657 = arith.mulf %get3A_654, %get3A_654 : vector<16xf32>
      %add3A_658 = arith.addf %mul3A_655, %mul3A_656 : vector<16xf32>
      %add3A_659 = arith.addf %add3A_658, %mul3A_657 : vector<16xf32>
      %max3A = arith.constant 9.99999993E-9 : f32
      %max3A_660 = vector.broadcast %max3A : f32 to vector<16xf32>
      %max3A_661 = arith.maximumf %add3A_659, %max3A_660 : vector<16xf32>
      %broadcast_in_dim3A = arith.constant -1.98412701E-4 : f32
      %broadcast_in_dim3A_662 = vector.broadcast %broadcast_in_dim3A : f32 to vector<16xf32>
      %mul3A_663 = arith.mulf %broadcast_in_dim3A_662, %max3A_661 : vector<16xf32>
      %add3A_664 = arith.constant 0.00833333377 : f32
      %add3A_665 = vector.broadcast %add3A_664 : f32 to vector<16xf32>
      %add3A_666 = arith.addf %mul3A_663, %add3A_665 : vector<16xf32>
      %mul3A_667 = arith.mulf %add3A_666, %max3A_661 : vector<16xf32>
      %add3A_668 = arith.constant -0.166666672 : f32
      %add3A_669 = vector.broadcast %add3A_668 : f32 to vector<16xf32>
      %add3A_670 = arith.addf %mul3A_667, %add3A_669 : vector<16xf32>
      %mul3A_671 = arith.mulf %add3A_670, %max3A_661 : vector<16xf32>
      %add3A_672 = arith.constant 1.000000e+00 : f32
      %add3A_673 = vector.broadcast %add3A_672 : f32 to vector<16xf32>
      %add3A_674 = arith.addf %mul3A_671, %add3A_673 : vector<16xf32>
      %broadcast_in_dim3A_675 = arith.constant -2.48015876E-5 : f32
      %broadcast_in_dim3A_676 = vector.broadcast %broadcast_in_dim3A_675 : f32 to vector<16xf32>
      %mul3A_677 = arith.mulf %broadcast_in_dim3A_676, %max3A_661 : vector<16xf32>
      %add3A_678 = arith.constant 0.00138888892 : f32
      %add3A_679 = vector.broadcast %add3A_678 : f32 to vector<16xf32>
      %add3A_680 = arith.addf %mul3A_677, %add3A_679 : vector<16xf32>
      %mul3A_681 = arith.mulf %add3A_680, %max3A_661 : vector<16xf32>
      %add3A_682 = arith.constant -0.0416666679 : f32
      %add3A_683 = vector.broadcast %add3A_682 : f32 to vector<16xf32>
      %add3A_684 = arith.addf %mul3A_681, %add3A_683 : vector<16xf32>
      %mul3A_685 = arith.mulf %add3A_684, %max3A_661 : vector<16xf32>
      %add3A_686 = arith.constant 5.000000e-01 : f32
      %add3A_687 = vector.broadcast %add3A_686 : f32 to vector<16xf32>
      %add3A_688 = arith.addf %mul3A_685, %add3A_687 : vector<16xf32>
      %mul3A_689 = arith.mulf %get3A_646, %get3A_650 : vector<16xf32>
      %mul3A_690 = arith.mulf %get3A_646, %get3A_654 : vector<16xf32>
      %mul3A_691 = arith.mulf %get3A_650, %get3A_654 : vector<16xf32>
      %mul3A_692 = arith.mulf %add3A_688, %mul3A_689 : vector<16xf32>
      %mul3A_693 = arith.mulf %add3A_688, %mul3A_690 : vector<16xf32>
      %mul3A_694 = arith.mulf %add3A_688, %mul3A_691 : vector<16xf32>
      %mul3A_695 = arith.mulf %add3A_674, %get3A_646 : vector<16xf32>
      %mul3A_696 = arith.mulf %add3A_674, %get3A_650 : vector<16xf32>
      %mul3A_697 = arith.mulf %add3A_674, %get3A_654 : vector<16xf32>
      %add3A_698 = arith.addf %mul3A_656, %mul3A_657 : vector<16xf32>
      %mul3A_699 = arith.mulf %add3A_688, %add3A_698 : vector<16xf32>
      %sub3A_700 = arith.constant 1.000000e+00 : f32
      %sub3A_701 = vector.broadcast %sub3A_700 : f32 to vector<16xf32>
      %sub3A_702 = arith.subf %sub3A_701, %mul3A_699 : vector<16xf32>
      %sub3A_703 = arith.subf %mul3A_692, %mul3A_697 : vector<16xf32>
      %add3A_704 = arith.addf %mul3A_693, %mul3A_696 : vector<16xf32>
      %add3A_705 = arith.addf %mul3A_692, %mul3A_697 : vector<16xf32>
      %add3A_706 = arith.addf %mul3A_655, %mul3A_657 : vector<16xf32>
      %mul3A_707 = arith.mulf %add3A_688, %add3A_706 : vector<16xf32>
      %sub3A_708 = arith.constant 1.000000e+00 : f32
      %sub3A_709 = vector.broadcast %sub3A_708 : f32 to vector<16xf32>
      %sub3A_710 = arith.subf %sub3A_709, %mul3A_707 : vector<16xf32>
      %sub3A_711 = arith.subf %mul3A_694, %mul3A_695 : vector<16xf32>
      %sub3A_712 = arith.subf %mul3A_693, %mul3A_696 : vector<16xf32>
      %add3A_713 = arith.addf %mul3A_694, %mul3A_695 : vector<16xf32>
      %add3A_714 = arith.addf %mul3A_655, %mul3A_656 : vector<16xf32>
      %mul3A_715 = arith.mulf %add3A_688, %add3A_714 : vector<16xf32>
      %sub3A_716 = arith.constant 1.000000e+00 : f32
      %sub3A_717 = vector.broadcast %sub3A_716 : f32 to vector<16xf32>
      %sub3A_718 = arith.subf %sub3A_717, %mul3A_715 : vector<16xf32>
      %swap3A = arith.constant 0 : i32
      %swap3A_719 = arith.constant 1 : i32
      %swap3A_720 = arith.constant 0 : i32
      %swap3A_721 = arith.index_cast %swap3A : i32 to index
      %swap3A_722 = arith.index_cast %swap3A_719 : i32 to index
      %swap3A_723 = arith.index_cast %swap3A_720 : i32 to index
      %swap3A_724 = arith.index_cast %sub3A_631 : i32 to index
      %swap3A_725 = tpu.vector_load %arg7[%swap3A_721, %swap3A_722, %swap3A_723, %swap3A_724] {strides = array<i32>} : memref<3x4x4x128xf32, #tpu.memory_space<vmem>>, vector<16xf32>,
      tpu.vector_store %arg7[%swap3A_721, %swap3A_722, %swap3A_723, %swap3A_724], %sub3A_702 {strides = array<i32>} : memref<3x4x4x128xf32, #tpu.memory_space<vmem>>, vector<16xf32>,
      %swap3A_726 = arith.constant 0 : i32
      %swap3A_727 = arith.constant 1 : i32
      %swap3A_728 = arith.constant 1 : i32
      %swap3A_729 = arith.index_cast %swap3A_726 : i32 to index
      %swap3A_730 = arith.index_cast %swap3A_727 : i32 to index
      %swap3A_731 = arith.index_cast %swap3A_728 : i32 to index
      %swap3A_732 = arith.index_cast %sub3A_631 : i32 to index
      %swap3A_733 = tpu.vector_load %arg7[%swap3A_729, %swap3A_730, %swap3A_731, %swap3A_732] {strides = array<i32>} : memref<3x4x4x128xf32, #tpu.memory_space<vmem>>, vector<16xf32>,
      tpu.vector_store %arg7[%swap3A_729, %swap3A_730, %swap3A_731, %swap3A_732], %sub3A_703 {strides = array<i32>} : memref<3x4x4x128xf32, #tpu.memory_space<vmem>>, vector<16xf32>,
      %swap3A_734 = arith.constant 0 : i32
      %swap3A_735 = arith.constant 1 : i32
      %swap3A_736 = arith.constant 2 : i32
      %swap3A_737 = arith.index_cast %swap3A_734 : i32 to index
      %swap3A_738 = arith.index_cast %swap3A_735 : i32 to index
      %swap3A_739 = arith.index_cast %swap3A_736 : i32 to index
      %swap3A_740 = arith.index_cast %sub3A_631 : i32 to index
      %swap3A_741 = tpu.vector_load %arg7[%swap3A_737, %swap3A_738, %swap3A_739, %swap3A_740] {strides = array<i32>} : memref<3x4x4x128xf32, #tpu.memory_space<vmem>>, vector<16xf32>,
      tpu.vector_store %arg7[%swap3A_737, %swap3A_738, %swap3A_739, %swap3A_740], %add3A_704 {strides = array<i32>} : memref<3x4x4x128xf32, #tpu.memory_space<vmem>>, vector<16xf32>,
      %swap3A_742 = arith.constant 0 : i32
      %swap3A_743 = arith.constant 1 : i32
      %swap3A_744 = arith.constant 3 : i32
      %swap3A_745 = arith.index_cast %swap3A_742 : i32 to index
      %swap3A_746 = arith.index_cast %swap3A_743 : i32 to index
      %swap3A_747 = arith.index_cast %swap3A_744 : i32 to index
      %swap3A_748 = arith.index_cast %sub3A_631 : i32 to index
      %swap3A_749 = tpu.vector_load %arg7[%swap3A_745, %swap3A_746, %swap3A_747, %swap3A_748] {strides = array<i32>} : memref<3x4x4x128xf32, #tpu.memory_space<vmem>>, vector<16xf32>,
      tpu.vector_store %arg7[%swap3A_745, %swap3A_746, %swap3A_747, %swap3A_748], %get3A_634 {strides = array<i32>} : memref<3x4x4x128xf32, #tpu.memory_space<vmem>>, vector<16xf32>,
      %swap3A_750 = arith.constant 1 : i32
      %swap3A_751 = arith.constant 1 : i32
      %swap3A_752 = arith.constant 0 : i32
      %swap3A_753 = arith.index_cast %swap3A_750 : i32 to index
      %swap3A_754 = arith.index_cast %swap3A_751 : i32 to index
      %swap3A_755 = arith.index_cast %swap3A_752 : i32 to index
      %swap3A_756 = arith.index_cast %sub3A_631 : i32 to index
      %swap3A_757 = tpu.vector_load %arg7[%swap3A_753, %swap3A_754, %swap3A_755, %swap3A_756] {strides = array<i32>} : memref<3x4x4x128xf32, #tpu.memory_space<vmem>>, vector<16xf32>,
      tpu.vector_store %arg7[%swap3A_753, %swap3A_754, %swap3A_755, %swap3A_756], %add3A_705 {strides = array<i32>} : memref<3x4x4x128xf32, #tpu.memory_space<vmem>>, vector<16xf32>,
      %swap3A_758 = arith.constant 1 : i32
      %swap3A_759 = arith.constant 1 : i32
      %swap3A_760 = arith.constant 1 : i32
      %swap3A_761 = arith.index_cast %swap3A_758 : i32 to index
      %swap3A_762 = arith.index_cast %swap3A_759 : i32 to index
      %swap3A_763 = arith.index_cast %swap3A_760 : i32 to index
      %swap3A_764 = arith.index_cast %sub3A_631 : i32 to index
      %swap3A_765 = tpu.vector_load %arg7[%swap3A_761, %swap3A_762, %swap3A_763, %swap3A_764] {strides = array<i32>} : memref<3x4x4x128xf32, #tpu.memory_space<vmem>>, vector<16xf32>,
      tpu.vector_store %arg7[%swap3A_761, %swap3A_762, %swap3A_763, %swap3A_764], %sub3A_710 {strides = array<i32>} : memref<3x4x4x128xf32, #tpu.memory_space<vmem>>, vector<16xf32>,
      %swap3A_766 = arith.constant 1 : i32
      %swap3A_767 = arith.constant 1 : i32
      %swap3A_768 = arith.constant 2 : i32
      %swap3A_769 = arith.index_cast %swap3A_766 : i32 to index
      %swap3A_770 = arith.index_cast %swap3A_767 : i32 to index
      %swap3A_771 = arith.index_cast %swap3A_768 : i32 to index
      %swap3A_772 = arith.index_cast %sub3A_631 : i32 to index
      %swap3A_773 = tpu.vector_load %arg7[%swap3A_769, %swap3A_770, %swap3A_771, %swap3A_772] {strides = array<i32>} : memref<3x4x4x128xf32, #tpu.memory_space<vmem>>, vector<16xf32>,
      tpu.vector_store %arg7[%swap3A_769, %swap3A_770, %swap3A_771, %swap3A_772], %sub3A_711 {strides = array<i32>} : memref<3x4x4x128xf32, #tpu.memory_space<vmem>>, vector<16xf32>,
      %swap3A_774 = arith.constant 1 : i32
      %swap3A_775 = arith.constant 1 : i32
      %swap3A_776 = arith.constant 3 : i32
      %swap3A_777 = arith.index_cast %swap3A_774 : i32 to index
      %swap3A_778 = arith.index_cast %swap3A_775 : i32 to index
      %swap3A_779 = arith.index_cast %swap3A_776 : i32 to index
      %swap3A_780 = arith.index_cast %sub3A_631 : i32 to index
      %swap3A_781 = tpu.vector_load %arg7[%swap3A_777, %swap3A_778, %swap3A_779, %swap3A_780] {strides = array<i32>} : memref<3x4x4x128xf32, #tpu.memory_space<vmem>>, vector<16xf32>,
      tpu.vector_store %arg7[%swap3A_777, %swap3A_778, %swap3A_779, %swap3A_780], %get3A_638 {strides = array<i32>} : memref<3x4x4x128xf32, #tpu.memory_space<vmem>>, vector<16xf32>,
      %swap3A_782 = arith.constant 2 : i32
      %swap3A_783 = arith.constant 1 : i32
      %swap3A_784 = arith.constant 0 : i32
      %swap3A_785 = arith.index_cast %swap3A_782 : i32 to index
      %swap3A_786 = arith.index_cast %swap3A_783 : i32 to index
      %swap3A_787 = arith.index_cast %swap3A_784 : i32 to index
      %swap3A_788 = arith.index_cast %sub3A_631 : i32 to index
      %swap3A_789 = tpu.vector_load %arg7[%swap3A_785, %swap3A_786, %swap3A_787, %swap3A_788] {strides = array<i32>} : memref<3x4x4x128xf32, #tpu.memory_space<vmem>>, vector<16xf32>,
      tpu.vector_store %arg7[%swap3A_785, %swap3A_786, %swap3A_787, %swap3A_788], %sub3A_712 {strides = array<i32>} : memref<3x4x4x128xf32, #tpu.memory_space<vmem>>, vector<16xf32>,
      %swap3A_790 = arith.constant 2 : i32
      %swap3A_791 = arith.constant 1 : i32
      %swap3A_792 = arith.constant 1 : i32
      %swap3A_793 = arith.index_cast %swap3A_790 : i32 to index
      %swap3A_794 = arith.index_cast %swap3A_791 : i32 to index
      %swap3A_795 = arith.index_cast %swap3A_792 : i32 to index
      %swap3A_796 = arith.index_cast %sub3A_631 : i32 to index
      %swap3A_797 = tpu.vector_load %arg7[%swap3A_793, %swap3A_794, %swap3A_795, %swap3A_796] {strides = array<i32>} : memref<3x4x4x128xf32, #tpu.memory_space<vmem>>, vector<16xf32>,
      tpu.vector_store %arg7[%swap3A_793, %swap3A_794, %swap3A_795, %swap3A_796], %add3A_713 {strides = array<i32>} : memref<3x4x4x128xf32, #tpu.memory_space<vmem>>, vector<16xf32>,
      %swap3A_798 = arith.constant 2 : i32
      %swap3A_799 = arith.constant 1 : i32
      %swap3A_800 = arith.constant 2 : i32
      %swap3A_801 = arith.index_cast %swap3A_798 : i32 to index
      %swap3A_802 = arith.index_cast %swap3A_799 : i32 to index
      %swap3A_803 = arith.index_cast %swap3A_800 : i32 to index
      %swap3A_804 = arith.index_cast %sub3A_631 : i32 to index
      %swap3A_805 = tpu.vector_load %arg7[%swap3A_801, %swap3A_802, %swap3A_803, %swap3A_804] {strides = array<i32>} : memref<3x4x4x128xf32, #tpu.memory_space<vmem>>, vector<16xf32>,
      tpu.vector_store %arg7[%swap3A_801, %swap3A_802, %swap3A_803, %swap3A_804], %sub3A_718 {strides = array<i32>} : memref<3x4x4x128xf32, #tpu.memory_space<vmem>>, vector<16xf32>,
      %swap3A_806 = arith.constant 2 : i32
      %swap3A_807 = arith.constant 1 : i32
      %swap3A_808 = arith.constant 3 : i32
      %swap3A_809 = arith.index_cast %swap3A_806 : i32 to index
      %swap3A_810 = arith.index_cast %swap3A_807 : i32 to index
      %swap3A_811 = arith.index_cast %swap3A_808 : i32 to index
      %swap3A_812 = arith.index_cast %sub3A_631 : i32 to index
      %swap3A_813 = tpu.vector_load %arg7[%swap3A_809, %swap3A_810, %swap3A_811, %swap3A_812] {strides = array<i32>} : memref<3x4x4x128xf32, #tpu.memory_space<vmem>>, vector<16xf32>,
      tpu.vector_store %arg7[%swap3A_809, %swap3A_810, %swap3A_811, %swap3A_812], %get3A_642 {strides = array<i32>} : memref<3x4x4x128xf32, #tpu.memory_space<vmem>>, vector<16xf32>,
    }
    %scan3A_371 = arith.constant 8 : i32
    %dma_wait3A_372 = arith.constant 0 : i32
    %dma_wait3A_373 = arith.constant 256 : i32
    %dma_wait3A_374 = tpu.memref_slice %arg6[%dma_wait3A_372, %dma_wait3A_373] : memref<6x512xf32, #tpu.memory_space<vmem>> -> memref<1x128xf32, #tpu.memory_space<vmem>>
    %dma_wait3A_375 = tpu.memref_squeeze %dma_wait3A_374 : memref<1x128xf32, #tpu.memory_space<vmem>> -> memref<128xf32, #tpu.memory_space<vmem>>
    %dma_wait3A_376 = arith.constant 256 : i32
    %dma_wait3A_377 = tpu.memref_slice %arg5[%dma_wait3A_376] : memref<512xi32, #tpu.memory_space<vmem>> -> memref<128xi32, #tpu.memory_space<vmem>>
    %dma_wait3A_378 = arith.constant 0 : i32
    %dma_wait3A_379 = tpu.memref_slice %arg3[%dma_wait3A_378] : memref<600000xf32, #tpu.memory_space<hbm>> -> memref<100000xf32, #tpu.memory_space<hbm>>
    %dma_wait3A_380 = arith.constant 0 : i32
    %dma_wait3A_381 = tpu.memref_slice %dma_wait3A_379[%dma_wait3A_380] : memref<100000xf32, #tpu.memory_space<hbm>> -> memref<100000xf32, #tpu.memory_space<hbm>>
    tpu.wait_indirect_dma semaphore(%arg8 : memref<!tpu.dma_semaphore, #tpu.memory_space<semaphore_mem>>) src(%dma_wait3A_381 : memref<100000xf32, #tpu.memory_space<hbm>>) dst(%dma_wait3A_375 : memref<128xf32, #tpu.memory_space<vmem>>)
    %dma_wait3A_382 = arith.constant 1 : i32
    %dma_wait3A_383 = arith.constant 256 : i32
    %dma_wait3A_384 = tpu.memref_slice %arg6[%dma_wait3A_382, %dma_wait3A_383] : memref<6x512xf32, #tpu.memory_space<vmem>> -> memref<1x128xf32, #tpu.memory_space<vmem>>
    %dma_wait3A_385 = tpu.memref_squeeze %dma_wait3A_384 : memref<1x128xf32, #tpu.memory_space<vmem>> -> memref<128xf32, #tpu.memory_space<vmem>>
    %dma_wait3A_386 = arith.constant 256 : i32
    %dma_wait3A_387 = tpu.memref_slice %arg5[%dma_wait3A_386] : memref<512xi32, #tpu.memory_space<vmem>> -> memref<128xi32, #tpu.memory_space<vmem>>
    %dma_wait3A_388 = arith.constant 100000 : i32
    %dma_wait3A_389 = tpu.memref_slice %arg3[%dma_wait3A_388] : memref<600000xf32, #tpu.memory_space<hbm>> -> memref<100000xf32, #tpu.memory_space<hbm>>
    %dma_wait3A_390 = arith.constant 0 : i32
    %dma_wait3A_391 = tpu.memref_slice %dma_wait3A_389[%dma_wait3A_390] : memref<100000xf32, #tpu.memory_space<hbm>> -> memref<100000xf32, #tpu.memory_space<hbm>>
    tpu.wait_indirect_dma semaphore(%arg8 : memref<!tpu.dma_semaphore, #tpu.memory_space<semaphore_mem>>) src(%dma_wait3A_391 : memref<100000xf32, #tpu.memory_space<hbm>>) dst(%dma_wait3A_385 : memref<128xf32, #tpu.memory_space<vmem>>)
    %dma_wait3A_392 = arith.constant 2 : i32
    %dma_wait3A_393 = arith.constant 256 : i32
    %dma_wait3A_394 = tpu.memref_slice %arg6[%dma_wait3A_392, %dma_wait3A_393] : memref<6x512xf32, #tpu.memory_space<vmem>> -> memref<1x128xf32, #tpu.memory_space<vmem>>
    %dma_wait3A_395 = tpu.memref_squeeze %dma_wait3A_394 : memref<1x128xf32, #tpu.memory_space<vmem>> -> memref<128xf32, #tpu.memory_space<vmem>>
    %dma_wait3A_396 = arith.constant 256 : i32
    %dma_wait3A_397 = tpu.memref_slice %arg5[%dma_wait3A_396] : memref<512xi32, #tpu.memory_space<vmem>> -> memref<128xi32, #tpu.memory_space<vmem>>
    %dma_wait3A_398 = arith.constant 200000 : i32
    %dma_wait3A_399 = tpu.memref_slice %arg3[%dma_wait3A_398] : memref<600000xf32, #tpu.memory_space<hbm>> -> memref<100000xf32, #tpu.memory_space<hbm>>
    %dma_wait3A_400 = arith.constant 0 : i32
    %dma_wait3A_401 = tpu.memref_slice %dma_wait3A_399[%dma_wait3A_400] : memref<100000xf32, #tpu.memory_space<hbm>> -> memref<100000xf32, #tpu.memory_space<hbm>>
    tpu.wait_indirect_dma semaphore(%arg8 : memref<!tpu.dma_semaphore, #tpu.memory_space<semaphore_mem>>) src(%dma_wait3A_401 : memref<100000xf32, #tpu.memory_space<hbm>>) dst(%dma_wait3A_395 : memref<128xf32, #tpu.memory_space<vmem>>)
    %dma_wait3A_402 = arith.constant 3 : i32
    %dma_wait3A_403 = arith.constant 256 : i32
    %dma_wait3A_404 = tpu.memref_slice %arg6[%dma_wait3A_402, %dma_wait3A_403] : memref<6x512xf32, #tpu.memory_space<vmem>> -> memref<1x128xf32, #tpu.memory_space<vmem>>
    %dma_wait3A_405 = tpu.memref_squeeze %dma_wait3A_404 : memref<1x128xf32, #tpu.memory_space<vmem>> -> memref<128xf32, #tpu.memory_space<vmem>>
    %dma_wait3A_406 = arith.constant 256 : i32
    %dma_wait3A_407 = tpu.memref_slice %arg5[%dma_wait3A_406] : memref<512xi32, #tpu.memory_space<vmem>> -> memref<128xi32, #tpu.memory_space<vmem>>
    %dma_wait3A_408 = arith.constant 300000 : i32
    %dma_wait3A_409 = tpu.memref_slice %arg3[%dma_wait3A_408] : memref<600000xf32, #tpu.memory_space<hbm>> -> memref<100000xf32, #tpu.memory_space<hbm>>
    %dma_wait3A_410 = arith.constant 0 : i32
    %dma_wait3A_411 = tpu.memref_slice %dma_wait3A_409[%dma_wait3A_410] : memref<100000xf32, #tpu.memory_space<hbm>> -> memref<100000xf32, #tpu.memory_space<hbm>>
    tpu.wait_indirect_dma semaphore(%arg8 : memref<!tpu.dma_semaphore, #tpu.memory_space<semaphore_mem>>) src(%dma_wait3A_411 : memref<100000xf32, #tpu.memory_space<hbm>>) dst(%dma_wait3A_405 : memref<128xf32, #tpu.memory_space<vmem>>)
    %dma_wait3A_412 = arith.constant 4 : i32
    %dma_wait3A_413 = arith.constant 256 : i32
    %dma_wait3A_414 = tpu.memref_slice %arg6[%dma_wait3A_412, %dma_wait3A_413] : memref<6x512xf32, #tpu.memory_space<vmem>> -> memref<1x128xf32, #tpu.memory_space<vmem>>
    %dma_wait3A_415 = tpu.memref_squeeze %dma_wait3A_414 : memref<1x128xf32, #tpu.memory_space<vmem>> -> memref<128xf32, #tpu.memory_space<vmem>>
    %dma_wait3A_416 = arith.constant 256 : i32
    %dma_wait3A_417 = tpu.memref_slice %arg5[%dma_wait3A_416] : memref<512xi32, #tpu.memory_space<vmem>> -> memref<128xi32, #tpu.memory_space<vmem>>
    %dma_wait3A_418 = arith.constant 400000 : i32
    %dma_wait3A_419 = tpu.memref_slice %arg3[%dma_wait3A_418] : memref<600000xf32, #tpu.memory_space<hbm>> -> memref<100000xf32, #tpu.memory_space<hbm>>
    %dma_wait3A_420 = arith.constant 0 : i32
    %dma_wait3A_421 = tpu.memref_slice %dma_wait3A_419[%dma_wait3A_420] : memref<100000xf32, #tpu.memory_space<hbm>> -> memref<100000xf32, #tpu.memory_space<hbm>>
    tpu.wait_indirect_dma semaphore(%arg8 : memref<!tpu.dma_semaphore, #tpu.memory_space<semaphore_mem>>) src(%dma_wait3A_421 : memref<100000xf32, #tpu.memory_space<hbm>>) dst(%dma_wait3A_415 : memref<128xf32, #tpu.memory_space<vmem>>)
    %dma_wait3A_422 = arith.constant 5 : i32
    %dma_wait3A_423 = arith.constant 256 : i32
    %dma_wait3A_424 = tpu.memref_slice %arg6[%dma_wait3A_422, %dma_wait3A_423] : memref<6x512xf32, #tpu.memory_space<vmem>> -> memref<1x128xf32, #tpu.memory_space<vmem>>
    %dma_wait3A_425 = tpu.memref_squeeze %dma_wait3A_424 : memref<1x128xf32, #tpu.memory_space<vmem>> -> memref<128xf32, #tpu.memory_space<vmem>>
    %dma_wait3A_426 = arith.constant 256 : i32
    %dma_wait3A_427 = tpu.memref_slice %arg5[%dma_wait3A_426] : memref<512xi32, #tpu.memory_space<vmem>> -> memref<128xi32, #tpu.memory_space<vmem>>
    %dma_wait3A_428 = arith.constant 500000 : i32
    %dma_wait3A_429 = tpu.memref_slice %arg3[%dma_wait3A_428] : memref<600000xf32, #tpu.memory_space<hbm>> -> memref<100000xf32, #tpu.memory_space<hbm>>
    %dma_wait3A_430 = arith.constant 0 : i32
    %dma_wait3A_431 = tpu.memref_slice %dma_wait3A_429[%dma_wait3A_430] : memref<100000xf32, #tpu.memory_space<hbm>> -> memref<100000xf32, #tpu.memory_space<hbm>>
    tpu.wait_indirect_dma semaphore(%arg8 : memref<!tpu.dma_semaphore, #tpu.memory_space<semaphore_mem>>) src(%dma_wait3A_431 : memref<100000xf32, #tpu.memory_space<hbm>>) dst(%dma_wait3A_425 : memref<128xf32, #tpu.memory_space<vmem>>)
    %scan3A_432 = arith.constant 0 : i32
    %scan3A_433 = arith.constant 16 : i32
    %scan3A_434 = arith.constant 8 : i32
    %scan3A_435 = arith.addi %scan3A_433, %scan3A_434 : i32
    %scan3A_436 = arith.constant 1 : i32
    scf.for %scan3A_626 = %scan3A_433 to %scan3A_435 step %scan3A_436  : i32 {
      %mul3A_627 = arith.constant 16 : i32
      %mul3A_628 = arith.muli %scan3A_626, %mul3A_627 : i32
      %mul3A_629 = arith.constant 16 : i32
      %mul3A_630 = arith.muli %scan3A_626, %mul3A_629 : i32
      %sub3A = arith.constant 256 : i32
      %sub3A_631 = arith.subi %mul3A_630, %sub3A : i32
      %get3A = arith.constant 0 : i32
      %get3A_632 = arith.index_cast %get3A : i32 to index
      %get3A_633 = arith.index_cast %mul3A_628 : i32 to index
      %get3A_634 = tpu.vector_load %arg6[%get3A_632, %get3A_633] {strides = array<i32>} : memref<6x512xf32, #tpu.memory_space<vmem>>, vector<16xf32>,
      %get3A_635 = arith.constant 1 : i32
      %get3A_636 = arith.index_cast %get3A_635 : i32 to index
      %get3A_637 = arith.index_cast %mul3A_628 : i32 to index
      %get3A_638 = tpu.vector_load %arg6[%get3A_636, %get3A_637] {strides = array<i32>} : memref<6x512xf32, #tpu.memory_space<vmem>>, vector<16xf32>,
      %get3A_639 = arith.constant 2 : i32
      %get3A_640 = arith.index_cast %get3A_639 : i32 to index
      %get3A_641 = arith.index_cast %mul3A_628 : i32 to index
      %get3A_642 = tpu.vector_load %arg6[%get3A_640, %get3A_641] {strides = array<i32>} : memref<6x512xf32, #tpu.memory_space<vmem>>, vector<16xf32>,
      %get3A_643 = arith.constant 3 : i32
      %get3A_644 = arith.index_cast %get3A_643 : i32 to index
      %get3A_645 = arith.index_cast %mul3A_628 : i32 to index
      %get3A_646 = tpu.vector_load %arg6[%get3A_644, %get3A_645] {strides = array<i32>} : memref<6x512xf32, #tpu.memory_space<vmem>>, vector<16xf32>,
      %get3A_647 = arith.constant 4 : i32
      %get3A_648 = arith.index_cast %get3A_647 : i32 to index
      %get3A_649 = arith.index_cast %mul3A_628 : i32 to index
      %get3A_650 = tpu.vector_load %arg6[%get3A_648, %get3A_649] {strides = array<i32>} : memref<6x512xf32, #tpu.memory_space<vmem>>, vector<16xf32>,
      %get3A_651 = arith.constant 5 : i32
      %get3A_652 = arith.index_cast %get3A_651 : i32 to index
      %get3A_653 = arith.index_cast %mul3A_628 : i32 to index
      %get3A_654 = tpu.vector_load %arg6[%get3A_652, %get3A_653] {strides = array<i32>} : memref<6x512xf32, #tpu.memory_space<vmem>>, vector<16xf32>,
      %mul3A_655 = arith.mulf %get3A_646, %get3A_646 : vector<16xf32>
      %mul3A_656 = arith.mulf %get3A_650, %get3A_650 : vector<16xf32>
      %mul3A_657 = arith.mulf %get3A_654, %get3A_654 : vector<16xf32>
      %add3A_658 = arith.addf %mul3A_655, %mul3A_656 : vector<16xf32>
      %add3A_659 = arith.addf %add3A_658, %mul3A_657 : vector<16xf32>
      %max3A = arith.constant 9.99999993E-9 : f32
      %max3A_660 = vector.broadcast %max3A : f32 to vector<16xf32>
      %max3A_661 = arith.maximumf %add3A_659, %max3A_660 : vector<16xf32>
      %broadcast_in_dim3A = arith.constant -1.98412701E-4 : f32
      %broadcast_in_dim3A_662 = vector.broadcast %broadcast_in_dim3A : f32 to vector<16xf32>
      %mul3A_663 = arith.mulf %broadcast_in_dim3A_662, %max3A_661 : vector<16xf32>
      %add3A_664 = arith.constant 0.00833333377 : f32
      %add3A_665 = vector.broadcast %add3A_664 : f32 to vector<16xf32>
      %add3A_666 = arith.addf %mul3A_663, %add3A_665 : vector<16xf32>
      %mul3A_667 = arith.mulf %add3A_666, %max3A_661 : vector<16xf32>
      %add3A_668 = arith.constant -0.166666672 : f32
      %add3A_669 = vector.broadcast %add3A_668 : f32 to vector<16xf32>
      %add3A_670 = arith.addf %mul3A_667, %add3A_669 : vector<16xf32>
      %mul3A_671 = arith.mulf %add3A_670, %max3A_661 : vector<16xf32>
      %add3A_672 = arith.constant 1.000000e+00 : f32
      %add3A_673 = vector.broadcast %add3A_672 : f32 to vector<16xf32>
      %add3A_674 = arith.addf %mul3A_671, %add3A_673 : vector<16xf32>
      %broadcast_in_dim3A_675 = arith.constant -2.48015876E-5 : f32
      %broadcast_in_dim3A_676 = vector.broadcast %broadcast_in_dim3A_675 : f32 to vector<16xf32>
      %mul3A_677 = arith.mulf %broadcast_in_dim3A_676, %max3A_661 : vector<16xf32>
      %add3A_678 = arith.constant 0.00138888892 : f32
      %add3A_679 = vector.broadcast %add3A_678 : f32 to vector<16xf32>
      %add3A_680 = arith.addf %mul3A_677, %add3A_679 : vector<16xf32>
      %mul3A_681 = arith.mulf %add3A_680, %max3A_661 : vector<16xf32>
      %add3A_682 = arith.constant -0.0416666679 : f32
      %add3A_683 = vector.broadcast %add3A_682 : f32 to vector<16xf32>
      %add3A_684 = arith.addf %mul3A_681, %add3A_683 : vector<16xf32>
      %mul3A_685 = arith.mulf %add3A_684, %max3A_661 : vector<16xf32>
      %add3A_686 = arith.constant 5.000000e-01 : f32
      %add3A_687 = vector.broadcast %add3A_686 : f32 to vector<16xf32>
      %add3A_688 = arith.addf %mul3A_685, %add3A_687 : vector<16xf32>
      %mul3A_689 = arith.mulf %get3A_646, %get3A_650 : vector<16xf32>
      %mul3A_690 = arith.mulf %get3A_646, %get3A_654 : vector<16xf32>
      %mul3A_691 = arith.mulf %get3A_650, %get3A_654 : vector<16xf32>
      %mul3A_692 = arith.mulf %add3A_688, %mul3A_689 : vector<16xf32>
      %mul3A_693 = arith.mulf %add3A_688, %mul3A_690 : vector<16xf32>
      %mul3A_694 = arith.mulf %add3A_688, %mul3A_691 : vector<16xf32>
      %mul3A_695 = arith.mulf %add3A_674, %get3A_646 : vector<16xf32>
      %mul3A_696 = arith.mulf %add3A_674, %get3A_650 : vector<16xf32>
      %mul3A_697 = arith.mulf %add3A_674, %get3A_654 : vector<16xf32>
      %add3A_698 = arith.addf %mul3A_656, %mul3A_657 : vector<16xf32>
      %mul3A_699 = arith.mulf %add3A_688, %add3A_698 : vector<16xf32>
      %sub3A_700 = arith.constant 1.000000e+00 : f32
      %sub3A_701 = vector.broadcast %sub3A_700 : f32 to vector<16xf32>
      %sub3A_702 = arith.subf %sub3A_701, %mul3A_699 : vector<16xf32>
      %sub3A_703 = arith.subf %mul3A_692, %mul3A_697 : vector<16xf32>
      %add3A_704 = arith.addf %mul3A_693, %mul3A_696 : vector<16xf32>
      %add3A_705 = arith.addf %mul3A_692, %mul3A_697 : vector<16xf32>
      %add3A_706 = arith.addf %mul3A_655, %mul3A_657 : vector<16xf32>
      %mul3A_707 = arith.mulf %add3A_688, %add3A_706 : vector<16xf32>
      %sub3A_708 = arith.constant 1.000000e+00 : f32
      %sub3A_709 = vector.broadcast %sub3A_708 : f32 to vector<16xf32>
      %sub3A_710 = arith.subf %sub3A_709, %mul3A_707 : vector<16xf32>
      %sub3A_711 = arith.subf %mul3A_694, %mul3A_695 : vector<16xf32>
      %sub3A_712 = arith.subf %mul3A_693, %mul3A_696 : vector<16xf32>
      %add3A_713 = arith.addf %mul3A_694, %mul3A_695 : vector<16xf32>
      %add3A_714 = arith.addf %mul3A_655, %mul3A_656 : vector<16xf32>
      %mul3A_715 = arith.mulf %add3A_688, %add3A_714 : vector<16xf32>
      %sub3A_716 = arith.constant 1.000000e+00 : f32
      %sub3A_717 = vector.broadcast %sub3A_716 : f32 to vector<16xf32>
      %sub3A_718 = arith.subf %sub3A_717, %mul3A_715 : vector<16xf32>
      %swap3A = arith.constant 0 : i32
      %swap3A_719 = arith.constant 2 : i32
      %swap3A_720 = arith.constant 0 : i32
      %swap3A_721 = arith.index_cast %swap3A : i32 to index
      %swap3A_722 = arith.index_cast %swap3A_719 : i32 to index
      %swap3A_723 = arith.index_cast %swap3A_720 : i32 to index
      %swap3A_724 = arith.index_cast %sub3A_631 : i32 to index
      %swap3A_725 = tpu.vector_load %arg7[%swap3A_721, %swap3A_722, %swap3A_723, %swap3A_724] {strides = array<i32>} : memref<3x4x4x128xf32, #tpu.memory_space<vmem>>, vector<16xf32>,
      tpu.vector_store %arg7[%swap3A_721, %swap3A_722, %swap3A_723, %swap3A_724], %sub3A_702 {strides = array<i32>} : memref<3x4x4x128xf32, #tpu.memory_space<vmem>>, vector<16xf32>,
      %swap3A_726 = arith.constant 0 : i32
      %swap3A_727 = arith.constant 2 : i32
      %swap3A_728 = arith.constant 1 : i32
      %swap3A_729 = arith.index_cast %swap3A_726 : i32 to index
      %swap3A_730 = arith.index_cast %swap3A_727 : i32 to index
      %swap3A_731 = arith.index_cast %swap3A_728 : i32 to index
      %swap3A_732 = arith.index_cast %sub3A_631 : i32 to index
      %swap3A_733 = tpu.vector_load %arg7[%swap3A_729, %swap3A_730, %swap3A_731, %swap3A_732] {strides = array<i32>} : memref<3x4x4x128xf32, #tpu.memory_space<vmem>>, vector<16xf32>,
      tpu.vector_store %arg7[%swap3A_729, %swap3A_730, %swap3A_731, %swap3A_732], %sub3A_703 {strides = array<i32>} : memref<3x4x4x128xf32, #tpu.memory_space<vmem>>, vector<16xf32>,
      %swap3A_734 = arith.constant 0 : i32
      %swap3A_735 = arith.constant 2 : i32
      %swap3A_736 = arith.constant 2 : i32
      %swap3A_737 = arith.index_cast %swap3A_734 : i32 to index
      %swap3A_738 = arith.index_cast %swap3A_735 : i32 to index
      %swap3A_739 = arith.index_cast %swap3A_736 : i32 to index
      %swap3A_740 = arith.index_cast %sub3A_631 : i32 to index
      %swap3A_741 = tpu.vector_load %arg7[%swap3A_737, %swap3A_738, %swap3A_739, %swap3A_740] {strides = array<i32>} : memref<3x4x4x128xf32, #tpu.memory_space<vmem>>, vector<16xf32>,
      tpu.vector_store %arg7[%swap3A_737, %swap3A_738, %swap3A_739, %swap3A_740], %add3A_704 {strides = array<i32>} : memref<3x4x4x128xf32, #tpu.memory_space<vmem>>, vector<16xf32>,
      %swap3A_742 = arith.constant 0 : i32
      %swap3A_743 = arith.constant 2 : i32
      %swap3A_744 = arith.constant 3 : i32
      %swap3A_745 = arith.index_cast %swap3A_742 : i32 to index
      %swap3A_746 = arith.index_cast %swap3A_743 : i32 to index
      %swap3A_747 = arith.index_cast %swap3A_744 : i32 to index
      %swap3A_748 = arith.index_cast %sub3A_631 : i32 to index
      %swap3A_749 = tpu.vector_load %arg7[%swap3A_745, %swap3A_746, %swap3A_747, %swap3A_748] {strides = array<i32>} : memref<3x4x4x128xf32, #tpu.memory_space<vmem>>, vector<16xf32>,
      tpu.vector_store %arg7[%swap3A_745, %swap3A_746, %swap3A_747, %swap3A_748], %get3A_634 {strides = array<i32>} : memref<3x4x4x128xf32, #tpu.memory_space<vmem>>, vector<16xf32>,
      %swap3A_750 = arith.constant 1 : i32
      %swap3A_751 = arith.constant 2 : i32
      %swap3A_752 = arith.constant 0 : i32
      %swap3A_753 = arith.index_cast %swap3A_750 : i32 to index
      %swap3A_754 = arith.index_cast %swap3A_751 : i32 to index
      %swap3A_755 = arith.index_cast %swap3A_752 : i32 to index
      %swap3A_756 = arith.index_cast %sub3A_631 : i32 to index
      %swap3A_757 = tpu.vector_load %arg7[%swap3A_753, %swap3A_754, %swap3A_755, %swap3A_756] {strides = array<i32>} : memref<3x4x4x128xf32, #tpu.memory_space<vmem>>, vector<16xf32>,
      tpu.vector_store %arg7[%swap3A_753, %swap3A_754, %swap3A_755, %swap3A_756], %add3A_705 {strides = array<i32>} : memref<3x4x4x128xf32, #tpu.memory_space<vmem>>, vector<16xf32>,
      %swap3A_758 = arith.constant 1 : i32
      %swap3A_759 = arith.constant 2 : i32
      %swap3A_760 = arith.constant 1 : i32
      %swap3A_761 = arith.index_cast %swap3A_758 : i32 to index
      %swap3A_762 = arith.index_cast %swap3A_759 : i32 to index
      %swap3A_763 = arith.index_cast %swap3A_760 : i32 to index
      %swap3A_764 = arith.index_cast %sub3A_631 : i32 to index
      %swap3A_765 = tpu.vector_load %arg7[%swap3A_761, %swap3A_762, %swap3A_763, %swap3A_764] {strides = array<i32>} : memref<3x4x4x128xf32, #tpu.memory_space<vmem>>, vector<16xf32>,
      tpu.vector_store %arg7[%swap3A_761, %swap3A_762, %swap3A_763, %swap3A_764], %sub3A_710 {strides = array<i32>} : memref<3x4x4x128xf32, #tpu.memory_space<vmem>>, vector<16xf32>,
      %swap3A_766 = arith.constant 1 : i32
      %swap3A_767 = arith.constant 2 : i32
      %swap3A_768 = arith.constant 2 : i32
      %swap3A_769 = arith.index_cast %swap3A_766 : i32 to index
      %swap3A_770 = arith.index_cast %swap3A_767 : i32 to index
      %swap3A_771 = arith.index_cast %swap3A_768 : i32 to index
      %swap3A_772 = arith.index_cast %sub3A_631 : i32 to index
      %swap3A_773 = tpu.vector_load %arg7[%swap3A_769, %swap3A_770, %swap3A_771, %swap3A_772] {strides = array<i32>} : memref<3x4x4x128xf32, #tpu.memory_space<vmem>>, vector<16xf32>,
      tpu.vector_store %arg7[%swap3A_769, %swap3A_770, %swap3A_771, %swap3A_772], %sub3A_711 {strides = array<i32>} : memref<3x4x4x128xf32, #tpu.memory_space<vmem>>, vector<16xf32>,
      %swap3A_774 = arith.constant 1 : i32
      %swap3A_775 = arith.constant 2 : i32
      %swap3A_776 = arith.constant 3 : i32
      %swap3A_777 = arith.index_cast %swap3A_774 : i32 to index
      %swap3A_778 = arith.index_cast %swap3A_775 : i32 to index
      %swap3A_779 = arith.index_cast %swap3A_776 : i32 to index
      %swap3A_780 = arith.index_cast %sub3A_631 : i32 to index
      %swap3A_781 = tpu.vector_load %arg7[%swap3A_777, %swap3A_778, %swap3A_779, %swap3A_780] {strides = array<i32>} : memref<3x4x4x128xf32, #tpu.memory_space<vmem>>, vector<16xf32>,
      tpu.vector_store %arg7[%swap3A_777, %swap3A_778, %swap3A_779, %swap3A_780], %get3A_638 {strides = array<i32>} : memref<3x4x4x128xf32, #tpu.memory_space<vmem>>, vector<16xf32>,
      %swap3A_782 = arith.constant 2 : i32
      %swap3A_783 = arith.constant 2 : i32
      %swap3A_784 = arith.constant 0 : i32
      %swap3A_785 = arith.index_cast %swap3A_782 : i32 to index
      %swap3A_786 = arith.index_cast %swap3A_783 : i32 to index
      %swap3A_787 = arith.index_cast %swap3A_784 : i32 to index
      %swap3A_788 = arith.index_cast %sub3A_631 : i32 to index
      %swap3A_789 = tpu.vector_load %arg7[%swap3A_785, %swap3A_786, %swap3A_787, %swap3A_788] {strides = array<i32>} : memref<3x4x4x128xf32, #tpu.memory_space<vmem>>, vector<16xf32>,
      tpu.vector_store %arg7[%swap3A_785, %swap3A_786, %swap3A_787, %swap3A_788], %sub3A_712 {strides = array<i32>} : memref<3x4x4x128xf32, #tpu.memory_space<vmem>>, vector<16xf32>,
      %swap3A_790 = arith.constant 2 : i32
      %swap3A_791 = arith.constant 2 : i32
      %swap3A_792 = arith.constant 1 : i32
      %swap3A_793 = arith.index_cast %swap3A_790 : i32 to index
      %swap3A_794 = arith.index_cast %swap3A_791 : i32 to index
      %swap3A_795 = arith.index_cast %swap3A_792 : i32 to index
      %swap3A_796 = arith.index_cast %sub3A_631 : i32 to index
      %swap3A_797 = tpu.vector_load %arg7[%swap3A_793, %swap3A_794, %swap3A_795, %swap3A_796] {strides = array<i32>} : memref<3x4x4x128xf32, #tpu.memory_space<vmem>>, vector<16xf32>,
      tpu.vector_store %arg7[%swap3A_793, %swap3A_794, %swap3A_795, %swap3A_796], %add3A_713 {strides = array<i32>} : memref<3x4x4x128xf32, #tpu.memory_space<vmem>>, vector<16xf32>,
      %swap3A_798 = arith.constant 2 : i32
      %swap3A_799 = arith.constant 2 : i32
      %swap3A_800 = arith.constant 2 : i32
      %swap3A_801 = arith.index_cast %swap3A_798 : i32 to index
      %swap3A_802 = arith.index_cast %swap3A_799 : i32 to index
      %swap3A_803 = arith.index_cast %swap3A_800 : i32 to index
      %swap3A_804 = arith.index_cast %sub3A_631 : i32 to index
      %swap3A_805 = tpu.vector_load %arg7[%swap3A_801, %swap3A_802, %swap3A_803, %swap3A_804] {strides = array<i32>} : memref<3x4x4x128xf32, #tpu.memory_space<vmem>>, vector<16xf32>,
      tpu.vector_store %arg7[%swap3A_801, %swap3A_802, %swap3A_803, %swap3A_804], %sub3A_718 {strides = array<i32>} : memref<3x4x4x128xf32, #tpu.memory_space<vmem>>, vector<16xf32>,
      %swap3A_806 = arith.constant 2 : i32
      %swap3A_807 = arith.constant 2 : i32
      %swap3A_808 = arith.constant 3 : i32
      %swap3A_809 = arith.index_cast %swap3A_806 : i32 to index
      %swap3A_810 = arith.index_cast %swap3A_807 : i32 to index
      %swap3A_811 = arith.index_cast %swap3A_808 : i32 to index
      %swap3A_812 = arith.index_cast %sub3A_631 : i32 to index
      %swap3A_813 = tpu.vector_load %arg7[%swap3A_809, %swap3A_810, %swap3A_811, %swap3A_812] {strides = array<i32>} : memref<3x4x4x128xf32, #tpu.memory_space<vmem>>, vector<16xf32>,
      tpu.vector_store %arg7[%swap3A_809, %swap3A_810, %swap3A_811, %swap3A_812], %get3A_642 {strides = array<i32>} : memref<3x4x4x128xf32, #tpu.memory_space<vmem>>, vector<16xf32>,
    }
    %scan3A_437 = arith.constant 8 : i32
    %dma_wait3A_438 = arith.constant 0 : i32
    %dma_wait3A_439 = arith.constant 384 : i32
    %dma_wait3A_440 = tpu.memref_slice %arg6[%dma_wait3A_438, %dma_wait3A_439] : memref<6x512xf32, #tpu.memory_space<vmem>> -> memref<1x128xf32, #tpu.memory_space<vmem>>
    %dma_wait3A_441 = tpu.memref_squeeze %dma_wait3A_440 : memref<1x128xf32, #tpu.memory_space<vmem>> -> memref<128xf32, #tpu.memory_space<vmem>>
    %dma_wait3A_442 = arith.constant 384 : i32
    %dma_wait3A_443 = tpu.memref_slice %arg5[%dma_wait3A_442] : memref<512xi32, #tpu.memory_space<vmem>> -> memref<128xi32, #tpu.memory_space<vmem>>
    %dma_wait3A_444 = arith.constant 0 : i32
    %dma_wait3A_445 = tpu.memref_slice %arg3[%dma_wait3A_444] : memref<600000xf32, #tpu.memory_space<hbm>> -> memref<100000xf32, #tpu.memory_space<hbm>>
    %dma_wait3A_446 = arith.constant 0 : i32
    %dma_wait3A_447 = tpu.memref_slice %dma_wait3A_445[%dma_wait3A_446] : memref<100000xf32, #tpu.memory_space<hbm>> -> memref<100000xf32, #tpu.memory_space<hbm>>
    tpu.wait_indirect_dma semaphore(%arg8 : memref<!tpu.dma_semaphore, #tpu.memory_space<semaphore_mem>>) src(%dma_wait3A_447 : memref<100000xf32, #tpu.memory_space<hbm>>) dst(%dma_wait3A_441 : memref<128xf32, #tpu.memory_space<vmem>>)
    %dma_wait3A_448 = arith.constant 1 : i32
    %dma_wait3A_449 = arith.constant 384 : i32
    %dma_wait3A_450 = tpu.memref_slice %arg6[%dma_wait3A_448, %dma_wait3A_449] : memref<6x512xf32, #tpu.memory_space<vmem>> -> memref<1x128xf32, #tpu.memory_space<vmem>>
    %dma_wait3A_451 = tpu.memref_squeeze %dma_wait3A_450 : memref<1x128xf32, #tpu.memory_space<vmem>> -> memref<128xf32, #tpu.memory_space<vmem>>
    %dma_wait3A_452 = arith.constant 384 : i32
    %dma_wait3A_453 = tpu.memref_slice %arg5[%dma_wait3A_452] : memref<512xi32, #tpu.memory_space<vmem>> -> memref<128xi32, #tpu.memory_space<vmem>>
    %dma_wait3A_454 = arith.constant 100000 : i32
    %dma_wait3A_455 = tpu.memref_slice %arg3[%dma_wait3A_454] : memref<600000xf32, #tpu.memory_space<hbm>> -> memref<100000xf32, #tpu.memory_space<hbm>>
    %dma_wait3A_456 = arith.constant 0 : i32
    %dma_wait3A_457 = tpu.memref_slice %dma_wait3A_455[%dma_wait3A_456] : memref<100000xf32, #tpu.memory_space<hbm>> -> memref<100000xf32, #tpu.memory_space<hbm>>
    tpu.wait_indirect_dma semaphore(%arg8 : memref<!tpu.dma_semaphore, #tpu.memory_space<semaphore_mem>>) src(%dma_wait3A_457 : memref<100000xf32, #tpu.memory_space<hbm>>) dst(%dma_wait3A_451 : memref<128xf32, #tpu.memory_space<vmem>>)
    %dma_wait3A_458 = arith.constant 2 : i32
    %dma_wait3A_459 = arith.constant 384 : i32
    %dma_wait3A_460 = tpu.memref_slice %arg6[%dma_wait3A_458, %dma_wait3A_459] : memref<6x512xf32, #tpu.memory_space<vmem>> -> memref<1x128xf32, #tpu.memory_space<vmem>>
    %dma_wait3A_461 = tpu.memref_squeeze %dma_wait3A_460 : memref<1x128xf32, #tpu.memory_space<vmem>> -> memref<128xf32, #tpu.memory_space<vmem>>
    %dma_wait3A_462 = arith.constant 384 : i32
    %dma_wait3A_463 = tpu.memref_slice %arg5[%dma_wait3A_462] : memref<512xi32, #tpu.memory_space<vmem>> -> memref<128xi32, #tpu.memory_space<vmem>>
    %dma_wait3A_464 = arith.constant 200000 : i32
    %dma_wait3A_465 = tpu.memref_slice %arg3[%dma_wait3A_464] : memref<600000xf32, #tpu.memory_space<hbm>> -> memref<100000xf32, #tpu.memory_space<hbm>>
    %dma_wait3A_466 = arith.constant 0 : i32
    %dma_wait3A_467 = tpu.memref_slice %dma_wait3A_465[%dma_wait3A_466] : memref<100000xf32, #tpu.memory_space<hbm>> -> memref<100000xf32, #tpu.memory_space<hbm>>
    tpu.wait_indirect_dma semaphore(%arg8 : memref<!tpu.dma_semaphore, #tpu.memory_space<semaphore_mem>>) src(%dma_wait3A_467 : memref<100000xf32, #tpu.memory_space<hbm>>) dst(%dma_wait3A_461 : memref<128xf32, #tpu.memory_space<vmem>>)
    %dma_wait3A_468 = arith.constant 3 : i32
    %dma_wait3A_469 = arith.constant 384 : i32
    %dma_wait3A_470 = tpu.memref_slice %arg6[%dma_wait3A_468, %dma_wait3A_469] : memref<6x512xf32, #tpu.memory_space<vmem>> -> memref<1x128xf32, #tpu.memory_space<vmem>>
    %dma_wait3A_471 = tpu.memref_squeeze %dma_wait3A_470 : memref<1x128xf32, #tpu.memory_space<vmem>> -> memref<128xf32, #tpu.memory_space<vmem>>
    %dma_wait3A_472 = arith.constant 384 : i32
    %dma_wait3A_473 = tpu.memref_slice %arg5[%dma_wait3A_472] : memref<512xi32, #tpu.memory_space<vmem>> -> memref<128xi32, #tpu.memory_space<vmem>>
    %dma_wait3A_474 = arith.constant 300000 : i32
    %dma_wait3A_475 = tpu.memref_slice %arg3[%dma_wait3A_474] : memref<600000xf32, #tpu.memory_space<hbm>> -> memref<100000xf32, #tpu.memory_space<hbm>>
    %dma_wait3A_476 = arith.constant 0 : i32
    %dma_wait3A_477 = tpu.memref_slice %dma_wait3A_475[%dma_wait3A_476] : memref<100000xf32, #tpu.memory_space<hbm>> -> memref<100000xf32, #tpu.memory_space<hbm>>
    tpu.wait_indirect_dma semaphore(%arg8 : memref<!tpu.dma_semaphore, #tpu.memory_space<semaphore_mem>>) src(%dma_wait3A_477 : memref<100000xf32, #tpu.memory_space<hbm>>) dst(%dma_wait3A_471 : memref<128xf32, #tpu.memory_space<vmem>>)
    %dma_wait3A_478 = arith.constant 4 : i32
    %dma_wait3A_479 = arith.constant 384 : i32
    %dma_wait3A_480 = tpu.memref_slice %arg6[%dma_wait3A_478, %dma_wait3A_479] : memref<6x512xf32, #tpu.memory_space<vmem>> -> memref<1x128xf32, #tpu.memory_space<vmem>>
    %dma_wait3A_481 = tpu.memref_squeeze %dma_wait3A_480 : memref<1x128xf32, #tpu.memory_space<vmem>> -> memref<128xf32, #tpu.memory_space<vmem>>
    %dma_wait3A_482 = arith.constant 384 : i32
    %dma_wait3A_483 = tpu.memref_slice %arg5[%dma_wait3A_482] : memref<512xi32, #tpu.memory_space<vmem>> -> memref<128xi32, #tpu.memory_space<vmem>>
    %dma_wait3A_484 = arith.constant 400000 : i32
    %dma_wait3A_485 = tpu.memref_slice %arg3[%dma_wait3A_484] : memref<600000xf32, #tpu.memory_space<hbm>> -> memref<100000xf32, #tpu.memory_space<hbm>>
    %dma_wait3A_486 = arith.constant 0 : i32
    %dma_wait3A_487 = tpu.memref_slice %dma_wait3A_485[%dma_wait3A_486] : memref<100000xf32, #tpu.memory_space<hbm>> -> memref<100000xf32, #tpu.memory_space<hbm>>
    tpu.wait_indirect_dma semaphore(%arg8 : memref<!tpu.dma_semaphore, #tpu.memory_space<semaphore_mem>>) src(%dma_wait3A_487 : memref<100000xf32, #tpu.memory_space<hbm>>) dst(%dma_wait3A_481 : memref<128xf32, #tpu.memory_space<vmem>>)
    %dma_wait3A_488 = arith.constant 5 : i32
    %dma_wait3A_489 = arith.constant 384 : i32
    %dma_wait3A_490 = tpu.memref_slice %arg6[%dma_wait3A_488, %dma_wait3A_489] : memref<6x512xf32, #tpu.memory_space<vmem>> -> memref<1x128xf32, #tpu.memory_space<vmem>>
    %dma_wait3A_491 = tpu.memref_squeeze %dma_wait3A_490 : memref<1x128xf32, #tpu.memory_space<vmem>> -> memref<128xf32, #tpu.memory_space<vmem>>
    %dma_wait3A_492 = arith.constant 384 : i32
    %dma_wait3A_493 = tpu.memref_slice %arg5[%dma_wait3A_492] : memref<512xi32, #tpu.memory_space<vmem>> -> memref<128xi32, #tpu.memory_space<vmem>>
    %dma_wait3A_494 = arith.constant 500000 : i32
    %dma_wait3A_495 = tpu.memref_slice %arg3[%dma_wait3A_494] : memref<600000xf32, #tpu.memory_space<hbm>> -> memref<100000xf32, #tpu.memory_space<hbm>>
    %dma_wait3A_496 = arith.constant 0 : i32
    %dma_wait3A_497 = tpu.memref_slice %dma_wait3A_495[%dma_wait3A_496] : memref<100000xf32, #tpu.memory_space<hbm>> -> memref<100000xf32, #tpu.memory_space<hbm>>
    tpu.wait_indirect_dma semaphore(%arg8 : memref<!tpu.dma_semaphore, #tpu.memory_space<semaphore_mem>>) src(%dma_wait3A_497 : memref<100000xf32, #tpu.memory_space<hbm>>) dst(%dma_wait3A_491 : memref<128xf32, #tpu.memory_space<vmem>>)
    %scan3A_498 = arith.constant 0 : i32
    %scan3A_499 = arith.constant 24 : i32
    %scan3A_500 = arith.constant 8 : i32
    %scan3A_501 = arith.addi %scan3A_499, %scan3A_500 : i32
    %scan3A_502 = arith.constant 1 : i32
    scf.for %scan3A_626 = %scan3A_499 to %scan3A_501 step %scan3A_502  : i32 {
      %mul3A_627 = arith.constant 16 : i32
      %mul3A_628 = arith.muli %scan3A_626, %mul3A_627 : i32
      %mul3A_629 = arith.constant 16 : i32
      %mul3A_630 = arith.muli %scan3A_626, %mul3A_629 : i32
      %sub3A = arith.constant 384 : i32
      %sub3A_631 = arith.subi %mul3A_630, %sub3A : i32
      %get3A = arith.constant 0 : i32
      %get3A_632 = arith.index_cast %get3A : i32 to index
      %get3A_633 = arith.index_cast %mul3A_628 : i32 to index
      %get3A_634 = tpu.vector_load %arg6[%get3A_632, %get3A_633] {strides = array<i32>} : memref<6x512xf32, #tpu.memory_space<vmem>>, vector<16xf32>,
      %get3A_635 = arith.constant 1 : i32
      %get3A_636 = arith.index_cast %get3A_635 : i32 to index
      %get3A_637 = arith.index_cast %mul3A_628 : i32 to index
      %get3A_638 = tpu.vector_load %arg6[%get3A_636, %get3A_637] {strides = array<i32>} : memref<6x512xf32, #tpu.memory_space<vmem>>, vector<16xf32>,
      %get3A_639 = arith.constant 2 : i32
      %get3A_640 = arith.index_cast %get3A_639 : i32 to index
      %get3A_641 = arith.index_cast %mul3A_628 : i32 to index
      %get3A_642 = tpu.vector_load %arg6[%get3A_640, %get3A_641] {strides = array<i32>} : memref<6x512xf32, #tpu.memory_space<vmem>>, vector<16xf32>,
      %get3A_643 = arith.constant 3 : i32
      %get3A_644 = arith.index_cast %get3A_643 : i32 to index
      %get3A_645 = arith.index_cast %mul3A_628 : i32 to index
      %get3A_646 = tpu.vector_load %arg6[%get3A_644, %get3A_645] {strides = array<i32>} : memref<6x512xf32, #tpu.memory_space<vmem>>, vector<16xf32>,
      %get3A_647 = arith.constant 4 : i32
      %get3A_648 = arith.index_cast %get3A_647 : i32 to index
      %get3A_649 = arith.index_cast %mul3A_628 : i32 to index
      %get3A_650 = tpu.vector_load %arg6[%get3A_648, %get3A_649] {strides = array<i32>} : memref<6x512xf32, #tpu.memory_space<vmem>>, vector<16xf32>,
      %get3A_651 = arith.constant 5 : i32
      %get3A_652 = arith.index_cast %get3A_651 : i32 to index
      %get3A_653 = arith.index_cast %mul3A_628 : i32 to index
      %get3A_654 = tpu.vector_load %arg6[%get3A_652, %get3A_653] {strides = array<i32>} : memref<6x512xf32, #tpu.memory_space<vmem>>, vector<16xf32>,
      %mul3A_655 = arith.mulf %get3A_646, %get3A_646 : vector<16xf32>
      %mul3A_656 = arith.mulf %get3A_650, %get3A_650 : vector<16xf32>
      %mul3A_657 = arith.mulf %get3A_654, %get3A_654 : vector<16xf32>
      %add3A_658 = arith.addf %mul3A_655, %mul3A_656 : vector<16xf32>
      %add3A_659 = arith.addf %add3A_658, %mul3A_657 : vector<16xf32>
      %max3A = arith.constant 9.99999993E-9 : f32
      %max3A_660 = vector.broadcast %max3A : f32 to vector<16xf32>
      %max3A_661 = arith.maximumf %add3A_659, %max3A_660 : vector<16xf32>
      %broadcast_in_dim3A = arith.constant -1.98412701E-4 : f32
      %broadcast_in_dim3A_662 = vector.broadcast %broadcast_in_dim3A : f32 to vector<16xf32>
      %mul3A_663 = arith.mulf %broadcast_in_dim3A_662, %max3A_661 : vector<16xf32>
      %add3A_664 = arith.constant 0.00833333377 : f32
      %add3A_665 = vector.broadcast %add3A_664 : f32 to vector<16xf32>
      %add3A_666 = arith.addf %mul3A_663, %add3A_665 : vector<16xf32>
      %mul3A_667 = arith.mulf %add3A_666, %max3A_661 : vector<16xf32>
      %add3A_668 = arith.constant -0.166666672 : f32
      %add3A_669 = vector.broadcast %add3A_668 : f32 to vector<16xf32>
      %add3A_670 = arith.addf %mul3A_667, %add3A_669 : vector<16xf32>
      %mul3A_671 = arith.mulf %add3A_670, %max3A_661 : vector<16xf32>
      %add3A_672 = arith.constant 1.000000e+00 : f32
      %add3A_673 = vector.broadcast %add3A_672 : f32 to vector<16xf32>
      %add3A_674 = arith.addf %mul3A_671, %add3A_673 : vector<16xf32>
      %broadcast_in_dim3A_675 = arith.constant -2.48015876E-5 : f32
      %broadcast_in_dim3A_676 = vector.broadcast %broadcast_in_dim3A_675 : f32 to vector<16xf32>
      %mul3A_677 = arith.mulf %broadcast_in_dim3A_676, %max3A_661 : vector<16xf32>
      %add3A_678 = arith.constant 0.00138888892 : f32
      %add3A_679 = vector.broadcast %add3A_678 : f32 to vector<16xf32>
      %add3A_680 = arith.addf %mul3A_677, %add3A_679 : vector<16xf32>
      %mul3A_681 = arith.mulf %add3A_680, %max3A_661 : vector<16xf32>
      %add3A_682 = arith.constant -0.0416666679 : f32
      %add3A_683 = vector.broadcast %add3A_682 : f32 to vector<16xf32>
      %add3A_684 = arith.addf %mul3A_681, %add3A_683 : vector<16xf32>
      %mul3A_685 = arith.mulf %add3A_684, %max3A_661 : vector<16xf32>
      %add3A_686 = arith.constant 5.000000e-01 : f32
      %add3A_687 = vector.broadcast %add3A_686 : f32 to vector<16xf32>
      %add3A_688 = arith.addf %mul3A_685, %add3A_687 : vector<16xf32>
      %mul3A_689 = arith.mulf %get3A_646, %get3A_650 : vector<16xf32>
      %mul3A_690 = arith.mulf %get3A_646, %get3A_654 : vector<16xf32>
      %mul3A_691 = arith.mulf %get3A_650, %get3A_654 : vector<16xf32>
      %mul3A_692 = arith.mulf %add3A_688, %mul3A_689 : vector<16xf32>
      %mul3A_693 = arith.mulf %add3A_688, %mul3A_690 : vector<16xf32>
      %mul3A_694 = arith.mulf %add3A_688, %mul3A_691 : vector<16xf32>
      %mul3A_695 = arith.mulf %add3A_674, %get3A_646 : vector<16xf32>
      %mul3A_696 = arith.mulf %add3A_674, %get3A_650 : vector<16xf32>
      %mul3A_697 = arith.mulf %add3A_674, %get3A_654 : vector<16xf32>
      %add3A_698 = arith.addf %mul3A_656, %mul3A_657 : vector<16xf32>
      %mul3A_699 = arith.mulf %add3A_688, %add3A_698 : vector<16xf32>
      %sub3A_700 = arith.constant 1.000000e+00 : f32
      %sub3A_701 = vector.broadcast %sub3A_700 : f32 to vector<16xf32>
      %sub3A_702 = arith.subf %sub3A_701, %mul3A_699 : vector<16xf32>
      %sub3A_703 = arith.subf %mul3A_692, %mul3A_697 : vector<16xf32>
      %add3A_704 = arith.addf %mul3A_693, %mul3A_696 : vector<16xf32>
      %add3A_705 = arith.addf %mul3A_692, %mul3A_697 : vector<16xf32>
      %add3A_706 = arith.addf %mul3A_655, %mul3A_657 : vector<16xf32>
      %mul3A_707 = arith.mulf %add3A_688, %add3A_706 : vector<16xf32>
      %sub3A_708 = arith.constant 1.000000e+00 : f32
      %sub3A_709 = vector.broadcast %sub3A_708 : f32 to vector<16xf32>
      %sub3A_710 = arith.subf %sub3A_709, %mul3A_707 : vector<16xf32>
      %sub3A_711 = arith.subf %mul3A_694, %mul3A_695 : vector<16xf32>
      %sub3A_712 = arith.subf %mul3A_693, %mul3A_696 : vector<16xf32>
      %add3A_713 = arith.addf %mul3A_694, %mul3A_695 : vector<16xf32>
      %add3A_714 = arith.addf %mul3A_655, %mul3A_656 : vector<16xf32>
      %mul3A_715 = arith.mulf %add3A_688, %add3A_714 : vector<16xf32>
      %sub3A_716 = arith.constant 1.000000e+00 : f32
      %sub3A_717 = vector.broadcast %sub3A_716 : f32 to vector<16xf32>
      %sub3A_718 = arith.subf %sub3A_717, %mul3A_715 : vector<16xf32>
      %swap3A = arith.constant 0 : i32
      %swap3A_719 = arith.constant 3 : i32
      %swap3A_720 = arith.constant 0 : i32
      %swap3A_721 = arith.index_cast %swap3A : i32 to index
      %swap3A_722 = arith.index_cast %swap3A_719 : i32 to index
      %swap3A_723 = arith.index_cast %swap3A_720 : i32 to index
      %swap3A_724 = arith.index_cast %sub3A_631 : i32 to index
      %swap3A_725 = tpu.vector_load %arg7[%swap3A_721, %swap3A_722, %swap3A_723, %swap3A_724] {strides = array<i32>} : memref<3x4x4x128xf32, #tpu.memory_space<vmem>>, vector<16xf32>,
      tpu.vector_store %arg7[%swap3A_721, %swap3A_722, %swap3A_723, %swap3A_724], %sub3A_702 {strides = array<i32>} : memref<3x4x4x128xf32, #tpu.memory_space<vmem>>, vector<16xf32>,
      %swap3A_726 = arith.constant 0 : i32
      %swap3A_727 = arith.constant 3 : i32
      %swap3A_728 = arith.constant 1 : i32
      %swap3A_729 = arith.index_cast %swap3A_726 : i32 to index
      %swap3A_730 = arith.index_cast %swap3A_727 : i32 to index
      %swap3A_731 = arith.index_cast %swap3A_728 : i32 to index
      %swap3A_732 = arith.index_cast %sub3A_631 : i32 to index
      %swap3A_733 = tpu.vector_load %arg7[%swap3A_729, %swap3A_730, %swap3A_731, %swap3A_732] {strides = array<i32>} : memref<3x4x4x128xf32, #tpu.memory_space<vmem>>, vector<16xf32>,
      tpu.vector_store %arg7[%swap3A_729, %swap3A_730, %swap3A_731, %swap3A_732], %sub3A_703 {strides = array<i32>} : memref<3x4x4x128xf32, #tpu.memory_space<vmem>>, vector<16xf32>,
      %swap3A_734 = arith.constant 0 : i32
      %swap3A_735 = arith.constant 3 : i32
      %swap3A_736 = arith.constant 2 : i32
      %swap3A_737 = arith.index_cast %swap3A_734 : i32 to index
      %swap3A_738 = arith.index_cast %swap3A_735 : i32 to index
      %swap3A_739 = arith.index_cast %swap3A_736 : i32 to index
      %swap3A_740 = arith.index_cast %sub3A_631 : i32 to index
      %swap3A_741 = tpu.vector_load %arg7[%swap3A_737, %swap3A_738, %swap3A_739, %swap3A_740] {strides = array<i32>} : memref<3x4x4x128xf32, #tpu.memory_space<vmem>>, vector<16xf32>,
      tpu.vector_store %arg7[%swap3A_737, %swap3A_738, %swap3A_739, %swap3A_740], %add3A_704 {strides = array<i32>} : memref<3x4x4x128xf32, #tpu.memory_space<vmem>>, vector<16xf32>,
      %swap3A_742 = arith.constant 0 : i32
      %swap3A_743 = arith.constant 3 : i32
      %swap3A_744 = arith.constant 3 : i32
      %swap3A_745 = arith.index_cast %swap3A_742 : i32 to index
      %swap3A_746 = arith.index_cast %swap3A_743 : i32 to index
      %swap3A_747 = arith.index_cast %swap3A_744 : i32 to index
      %swap3A_748 = arith.index_cast %sub3A_631 : i32 to index
      %swap3A_749 = tpu.vector_load %arg7[%swap3A_745, %swap3A_746, %swap3A_747, %swap3A_748] {strides = array<i32>} : memref<3x4x4x128xf32, #tpu.memory_space<vmem>>, vector<16xf32>,
      tpu.vector_store %arg7[%swap3A_745, %swap3A_746, %swap3A_747, %swap3A_748], %get3A_634 {strides = array<i32>} : memref<3x4x4x128xf32, #tpu.memory_space<vmem>>, vector<16xf32>,
      %swap3A_750 = arith.constant 1 : i32
      %swap3A_751 = arith.constant 3 : i32
      %swap3A_752 = arith.constant 0 : i32
      %swap3A_753 = arith.index_cast %swap3A_750 : i32 to index
      %swap3A_754 = arith.index_cast %swap3A_751 : i32 to index
      %swap3A_755 = arith.index_cast %swap3A_752 : i32 to index
      %swap3A_756 = arith.index_cast %sub3A_631 : i32 to index
      %swap3A_757 = tpu.vector_load %arg7[%swap3A_753, %swap3A_754, %swap3A_755, %swap3A_756] {strides = array<i32>} : memref<3x4x4x128xf32, #tpu.memory_space<vmem>>, vector<16xf32>,
      tpu.vector_store %arg7[%swap3A_753, %swap3A_754, %swap3A_755, %swap3A_756], %add3A_705 {strides = array<i32>} : memref<3x4x4x128xf32, #tpu.memory_space<vmem>>, vector<16xf32>,
      %swap3A_758 = arith.constant 1 : i32
      %swap3A_759 = arith.constant 3 : i32
      %swap3A_760 = arith.constant 1 : i32
      %swap3A_761 = arith.index_cast %swap3A_758 : i32 to index
      %swap3A_762 = arith.index_cast %swap3A_759 : i32 to index
      %swap3A_763 = arith.index_cast %swap3A_760 : i32 to index
      %swap3A_764 = arith.index_cast %sub3A_631 : i32 to index
      %swap3A_765 = tpu.vector_load %arg7[%swap3A_761, %swap3A_762, %swap3A_763, %swap3A_764] {strides = array<i32>} : memref<3x4x4x128xf32, #tpu.memory_space<vmem>>, vector<16xf32>,
      tpu.vector_store %arg7[%swap3A_761, %swap3A_762, %swap3A_763, %swap3A_764], %sub3A_710 {strides = array<i32>} : memref<3x4x4x128xf32, #tpu.memory_space<vmem>>, vector<16xf32>,
      %swap3A_766 = arith.constant 1 : i32
      %swap3A_767 = arith.constant 3 : i32
      %swap3A_768 = arith.constant 2 : i32
      %swap3A_769 = arith.index_cast %swap3A_766 : i32 to index
      %swap3A_770 = arith.index_cast %swap3A_767 : i32 to index
      %swap3A_771 = arith.index_cast %swap3A_768 : i32 to index
      %swap3A_772 = arith.index_cast %sub3A_631 : i32 to index
      %swap3A_773 = tpu.vector_load %arg7[%swap3A_769, %swap3A_770, %swap3A_771, %swap3A_772] {strides = array<i32>} : memref<3x4x4x128xf32, #tpu.memory_space<vmem>>, vector<16xf32>,
      tpu.vector_store %arg7[%swap3A_769, %swap3A_770, %swap3A_771, %swap3A_772], %sub3A_711 {strides = array<i32>} : memref<3x4x4x128xf32, #tpu.memory_space<vmem>>, vector<16xf32>,
      %swap3A_774 = arith.constant 1 : i32
      %swap3A_775 = arith.constant 3 : i32
      %swap3A_776 = arith.constant 3 : i32
      %swap3A_777 = arith.index_cast %swap3A_774 : i32 to index
      %swap3A_778 = arith.index_cast %swap3A_775 : i32 to index
      %swap3A_779 = arith.index_cast %swap3A_776 : i32 to index
      %swap3A_780 = arith.index_cast %sub3A_631 : i32 to index
      %swap3A_781 = tpu.vector_load %arg7[%swap3A_777, %swap3A_778, %swap3A_779, %swap3A_780] {strides = array<i32>} : memref<3x4x4x128xf32, #tpu.memory_space<vmem>>, vector<16xf32>,
      tpu.vector_store %arg7[%swap3A_777, %swap3A_778, %swap3A_779, %swap3A_780], %get3A_638 {strides = array<i32>} : memref<3x4x4x128xf32, #tpu.memory_space<vmem>>, vector<16xf32>,
      %swap3A_782 = arith.constant 2 : i32
      %swap3A_783 = arith.constant 3 : i32
      %swap3A_784 = arith.constant 0 : i32
      %swap3A_785 = arith.index_cast %swap3A_782 : i32 to index
      %swap3A_786 = arith.index_cast %swap3A_783 : i32 to index
      %swap3A_787 = arith.index_cast %swap3A_784 : i32 to index
      %swap3A_788 = arith.index_cast %sub3A_631 : i32 to index
      %swap3A_789 = tpu.vector_load %arg7[%swap3A_785, %swap3A_786, %swap3A_787, %swap3A_788] {strides = array<i32>} : memref<3x4x4x128xf32, #tpu.memory_space<vmem>>, vector<16xf32>,
      tpu.vector_store %arg7[%swap3A_785, %swap3A_786, %swap3A_787, %swap3A_788], %sub3A_712 {strides = array<i32>} : memref<3x4x4x128xf32, #tpu.memory_space<vmem>>, vector<16xf32>,
      %swap3A_790 = arith.constant 2 : i32
      %swap3A_791 = arith.constant 3 : i32
      %swap3A_792 = arith.constant 1 : i32
      %swap3A_793 = arith.index_cast %swap3A_790 : i32 to index
      %swap3A_794 = arith.index_cast %swap3A_791 : i32 to index
      %swap3A_795 = arith.index_cast %swap3A_792 : i32 to index
      %swap3A_796 = arith.index_cast %sub3A_631 : i32 to index
      %swap3A_797 = tpu.vector_load %arg7[%swap3A_793, %swap3A_794, %swap3A_795, %swap3A_796] {strides = array<i32>} : memref<3x4x4x128xf32, #tpu.memory_space<vmem>>, vector<16xf32>,
      tpu.vector_store %arg7[%swap3A_793, %swap3A_794, %swap3A_795, %swap3A_796], %add3A_713 {strides = array<i32>} : memref<3x4x4x128xf32, #tpu.memory_space<vmem>>, vector<16xf32>,
      %swap3A_798 = arith.constant 2 : i32
      %swap3A_799 = arith.constant 3 : i32
      %swap3A_800 = arith.constant 2 : i32
      %swap3A_801 = arith.index_cast %swap3A_798 : i32 to index
      %swap3A_802 = arith.index_cast %swap3A_799 : i32 to index
      %swap3A_803 = arith.index_cast %swap3A_800 : i32 to index
      %swap3A_804 = arith.index_cast %sub3A_631 : i32 to index
      %swap3A_805 = tpu.vector_load %arg7[%swap3A_801, %swap3A_802, %swap3A_803, %swap3A_804] {strides = array<i32>} : memref<3x4x4x128xf32, #tpu.memory_space<vmem>>, vector<16xf32>,
      tpu.vector_store %arg7[%swap3A_801, %swap3A_802, %swap3A_803, %swap3A_804], %sub3A_718 {strides = array<i32>} : memref<3x4x4x128xf32, #tpu.memory_space<vmem>>, vector<16xf32>,
      %swap3A_806 = arith.constant 2 : i32
      %swap3A_807 = arith.constant 3 : i32
      %swap3A_808 = arith.constant 3 : i32
      %swap3A_809 = arith.index_cast %swap3A_806 : i32 to index
      %swap3A_810 = arith.index_cast %swap3A_807 : i32 to index
      %swap3A_811 = arith.index_cast %swap3A_808 : i32 to index
      %swap3A_812 = arith.index_cast %sub3A_631 : i32 to index
      %swap3A_813 = tpu.vector_load %arg7[%swap3A_809, %swap3A_810, %swap3A_811, %swap3A_812] {strides = array<i32>} : memref<3x4x4x128xf32, #tpu.memory_space<vmem>>, vector<16xf32>,
      tpu.vector_store %arg7[%swap3A_809, %swap3A_810, %swap3A_811, %swap3A_812], %get3A_642 {strides = array<i32>} : memref<3x4x4x128xf32, #tpu.memory_space<vmem>>, vector<16xf32>,
    }
    %scan3A_503 = arith.constant 8 : i32
    %mul3A_504 = arith.constant 4 : i32
    %mul3A_505 = arith.muli %add3A, %mul3A_504 : i32
    %dma_start3A_506 = arith.constant 0 : i32
    %dma_start3A_507 = arith.constant 0 : i32
    %dma_start3A_508 = arith.constant 0 : i32
    %dma_start3A_509 = arith.constant 0 : i32
    %dma_start3A_510 = arith.constant 0 : i32
    %dma_start3A_511 = tpu.memref_slice %arg7[%dma_start3A_506, %dma_start3A_508, %dma_start3A_509, %dma_start3A_510] : memref<3x4x4x128xf32, #tpu.memory_space<vmem>> -> memref<1x4x4x128xf32, #tpu.memory_space<vmem>>
    %dma_start3A_512 = tpu.memref_squeeze %dma_start3A_511 : memref<1x4x4x128xf32, #tpu.memory_space<vmem>> -> memref<4x4x128xf32, #tpu.memory_space<vmem>>
    %dma_start3A_513 = arith.constant 0 : i32
    %dma_start3A_514 = arith.constant 0 : i32
    %dma_start3A_515 = tpu.memref_slice %arg4[%dma_start3A_507, %mul3A_505, %dma_start3A_513, %dma_start3A_514] : memref<3x128x4x128xf32, #tpu.memory_space<hbm>> -> memref<1x4x4x128xf32, #tpu.memory_space<hbm>>
    %dma_start3A_516 = tpu.memref_squeeze %dma_start3A_515 : memref<1x4x4x128xf32, #tpu.memory_space<hbm>> -> memref<4x4x128xf32, #tpu.memory_space<hbm>>
    %dma_start3A_517 = arith.constant 0 : i32
    %dma_start3A_518 = arith.constant 0 : i32
    %dma_start3A_519 = tpu.memref_slice %arg4[%dma_start3A_507, %mul3A_505, %dma_start3A_517, %dma_start3A_518] : memref<3x128x4x128xf32, #tpu.memory_space<hbm>> -> memref<1x4x4x128xf32, #tpu.memory_space<hbm>>
    %dma_start3A_520 = tpu.memref_squeeze %dma_start3A_519 : memref<1x4x4x128xf32, #tpu.memory_space<hbm>> -> memref<4x4x128xf32, #tpu.memory_space<hbm>>
    %dma_start3A_521 = arith.constant 0 : i32
    %dma_start3A_522 = arith.constant 0 : i32
    %dma_start3A_523 = arith.constant 0 : i32
    %dma_start3A_524 = tpu.memref_slice %arg7[%dma_start3A_506, %dma_start3A_521, %dma_start3A_522, %dma_start3A_523] : memref<3x4x4x128xf32, #tpu.memory_space<vmem>> -> memref<1x4x4x128xf32, #tpu.memory_space<vmem>>
    %dma_start3A_525 = tpu.memref_squeeze %dma_start3A_524 : memref<1x4x4x128xf32, #tpu.memory_space<vmem>> -> memref<4x4x128xf32, #tpu.memory_space<vmem>>
    tpu.enqueue_dma source(%dma_start3A_525 : memref<4x4x128xf32, #tpu.memory_space<vmem>>) target(%dma_start3A_520 : memref<4x4x128xf32, #tpu.memory_space<hbm>>) target_semaphore(%arg9 : memref<!tpu.dma_semaphore, #tpu.memory_space<semaphore_mem>>)
    %dma_start3A_526 = arith.constant 1 : i32
    %dma_start3A_527 = arith.constant 1 : i32
    %dma_start3A_528 = arith.constant 0 : i32
    %dma_start3A_529 = arith.constant 0 : i32
    %dma_start3A_530 = arith.constant 0 : i32
    %dma_start3A_531 = tpu.memref_slice %arg7[%dma_start3A_526, %dma_start3A_528, %dma_start3A_529, %dma_start3A_530] : memref<3x4x4x128xf32, #tpu.memory_space<vmem>> -> memref<1x4x4x128xf32, #tpu.memory_space<vmem>>
    %dma_start3A_532 = tpu.memref_squeeze %dma_start3A_531 : memref<1x4x4x128xf32, #tpu.memory_space<vmem>> -> memref<4x4x128xf32, #tpu.memory_space<vmem>>
    %dma_start3A_533 = arith.constant 0 : i32
    %dma_start3A_534 = arith.constant 0 : i32
    %dma_start3A_535 = tpu.memref_slice %arg4[%dma_start3A_527, %mul3A_505, %dma_start3A_533, %dma_start3A_534] : memref<3x128x4x128xf32, #tpu.memory_space<hbm>> -> memref<1x4x4x128xf32, #tpu.memory_space<hbm>>
    %dma_start3A_536 = tpu.memref_squeeze %dma_start3A_535 : memref<1x4x4x128xf32, #tpu.memory_space<hbm>> -> memref<4x4x128xf32, #tpu.memory_space<hbm>>
    %dma_start3A_537 = arith.constant 0 : i32
    %dma_start3A_538 = arith.constant 0 : i32
    %dma_start3A_539 = tpu.memref_slice %arg4[%dma_start3A_527, %mul3A_505, %dma_start3A_537, %dma_start3A_538] : memref<3x128x4x128xf32, #tpu.memory_space<hbm>> -> memref<1x4x4x128xf32, #tpu.memory_space<hbm>>
    %dma_start3A_540 = tpu.memref_squeeze %dma_start3A_539 : memref<1x4x4x128xf32, #tpu.memory_space<hbm>> -> memref<4x4x128xf32, #tpu.memory_space<hbm>>
    %dma_start3A_541 = arith.constant 0 : i32
    %dma_start3A_542 = arith.constant 0 : i32
    %dma_start3A_543 = arith.constant 0 : i32
    %dma_start3A_544 = tpu.memref_slice %arg7[%dma_start3A_526, %dma_start3A_541, %dma_start3A_542, %dma_start3A_543] : memref<3x4x4x128xf32, #tpu.memory_space<vmem>> -> memref<1x4x4x128xf32, #tpu.memory_space<vmem>>
    %dma_start3A_545 = tpu.memref_squeeze %dma_start3A_544 : memref<1x4x4x128xf32, #tpu.memory_space<vmem>> -> memref<4x4x128xf32, #tpu.memory_space<vmem>>
    tpu.enqueue_dma source(%dma_start3A_545 : memref<4x4x128xf32, #tpu.memory_space<vmem>>) target(%dma_start3A_540 : memref<4x4x128xf32, #tpu.memory_space<hbm>>) target_semaphore(%arg9 : memref<!tpu.dma_semaphore, #tpu.memory_space<semaphore_mem>>)
    %dma_start3A_546 = arith.constant 2 : i32
    %dma_start3A_547 = arith.constant 2 : i32
    %dma_start3A_548 = arith.constant 0 : i32
    %dma_start3A_549 = arith.constant 0 : i32
    %dma_start3A_550 = arith.constant 0 : i32
    %dma_start3A_551 = tpu.memref_slice %arg7[%dma_start3A_546, %dma_start3A_548, %dma_start3A_549, %dma_start3A_550] : memref<3x4x4x128xf32, #tpu.memory_space<vmem>> -> memref<1x4x4x128xf32, #tpu.memory_space<vmem>>
    %dma_start3A_552 = tpu.memref_squeeze %dma_start3A_551 : memref<1x4x4x128xf32, #tpu.memory_space<vmem>> -> memref<4x4x128xf32, #tpu.memory_space<vmem>>
    %dma_start3A_553 = arith.constant 0 : i32
    %dma_start3A_554 = arith.constant 0 : i32
    %dma_start3A_555 = tpu.memref_slice %arg4[%dma_start3A_547, %mul3A_505, %dma_start3A_553, %dma_start3A_554] : memref<3x128x4x128xf32, #tpu.memory_space<hbm>> -> memref<1x4x4x128xf32, #tpu.memory_space<hbm>>
    %dma_start3A_556 = tpu.memref_squeeze %dma_start3A_555 : memref<1x4x4x128xf32, #tpu.memory_space<hbm>> -> memref<4x4x128xf32, #tpu.memory_space<hbm>>
    %dma_start3A_557 = arith.constant 0 : i32
    %dma_start3A_558 = arith.constant 0 : i32
    %dma_start3A_559 = tpu.memref_slice %arg4[%dma_start3A_547, %mul3A_505, %dma_start3A_557, %dma_start3A_558] : memref<3x128x4x128xf32, #tpu.memory_space<hbm>> -> memref<1x4x4x128xf32, #tpu.memory_space<hbm>>
    %dma_start3A_560 = tpu.memref_squeeze %dma_start3A_559 : memref<1x4x4x128xf32, #tpu.memory_space<hbm>> -> memref<4x4x128xf32, #tpu.memory_space<hbm>>
    %dma_start3A_561 = arith.constant 0 : i32
    %dma_start3A_562 = arith.constant 0 : i32
    %dma_start3A_563 = arith.constant 0 : i32
    %dma_start3A_564 = tpu.memref_slice %arg7[%dma_start3A_546, %dma_start3A_561, %dma_start3A_562, %dma_start3A_563] : memref<3x4x4x128xf32, #tpu.memory_space<vmem>> -> memref<1x4x4x128xf32, #tpu.memory_space<vmem>>
    %dma_start3A_565 = tpu.memref_squeeze %dma_start3A_564 : memref<1x4x4x128xf32, #tpu.memory_space<vmem>> -> memref<4x4x128xf32, #tpu.memory_space<vmem>>
    tpu.enqueue_dma source(%dma_start3A_565 : memref<4x4x128xf32, #tpu.memory_space<vmem>>) target(%dma_start3A_560 : memref<4x4x128xf32, #tpu.memory_space<hbm>>) target_semaphore(%arg9 : memref<!tpu.dma_semaphore, #tpu.memory_space<semaphore_mem>>)
    %dma_wait3A_566 = arith.constant 0 : i32
    %dma_wait3A_567 = arith.constant 0 : i32
    %dma_wait3A_568 = arith.constant 0 : i32
    %dma_wait3A_569 = arith.constant 0 : i32
    %dma_wait3A_570 = arith.constant 0 : i32
    %dma_wait3A_571 = tpu.memref_slice %arg7[%dma_wait3A_566, %dma_wait3A_568, %dma_wait3A_569, %dma_wait3A_570] : memref<3x4x4x128xf32, #tpu.memory_space<vmem>> -> memref<1x4x4x128xf32, #tpu.memory_space<vmem>>
    %dma_wait3A_572 = tpu.memref_squeeze %dma_wait3A_571 : memref<1x4x4x128xf32, #tpu.memory_space<vmem>> -> memref<4x4x128xf32, #tpu.memory_space<vmem>>
    %dma_wait3A_573 = arith.constant 0 : i32
    %dma_wait3A_574 = arith.constant 0 : i32
    %dma_wait3A_575 = tpu.memref_slice %arg4[%dma_wait3A_567, %mul3A_505, %dma_wait3A_573, %dma_wait3A_574] : memref<3x128x4x128xf32, #tpu.memory_space<hbm>> -> memref<1x4x4x128xf32, #tpu.memory_space<hbm>>
    %dma_wait3A_576 = tpu.memref_squeeze %dma_wait3A_575 : memref<1x4x4x128xf32, #tpu.memory_space<hbm>> -> memref<4x4x128xf32, #tpu.memory_space<hbm>>
    %dma_wait3A_577 = arith.constant 0 : i32
    %dma_wait3A_578 = arith.constant 0 : i32
    %dma_wait3A_579 = tpu.memref_slice %arg4[%dma_wait3A_567, %mul3A_505, %dma_wait3A_577, %dma_wait3A_578] : memref<3x128x4x128xf32, #tpu.memory_space<hbm>> -> memref<1x4x4x128xf32, #tpu.memory_space<hbm>>
    %dma_wait3A_580 = tpu.memref_squeeze %dma_wait3A_579 : memref<1x4x4x128xf32, #tpu.memory_space<hbm>> -> memref<4x4x128xf32, #tpu.memory_space<hbm>>
    %dma_wait3A_581 = arith.constant 0 : i32
    %dma_wait3A_582 = arith.constant 0 : i32
    %dma_wait3A_583 = arith.constant 0 : i32
    %dma_wait3A_584 = tpu.memref_slice %arg7[%dma_wait3A_566, %dma_wait3A_581, %dma_wait3A_582, %dma_wait3A_583] : memref<3x4x4x128xf32, #tpu.memory_space<vmem>> -> memref<1x4x4x128xf32, #tpu.memory_space<vmem>>
    %dma_wait3A_585 = tpu.memref_squeeze %dma_wait3A_584 : memref<1x4x4x128xf32, #tpu.memory_space<vmem>> -> memref<4x4x128xf32, #tpu.memory_space<vmem>>
    tpu.wait_dma2 semaphore(%arg9 : memref<!tpu.dma_semaphore, #tpu.memory_space<semaphore_mem>>) src(%dma_wait3A_585 : memref<4x4x128xf32, #tpu.memory_space<vmem>>) dst(%dma_wait3A_580 : memref<4x4x128xf32, #tpu.memory_space<hbm>>)
    %dma_wait3A_586 = arith.constant 1 : i32
    %dma_wait3A_587 = arith.constant 1 : i32
    %dma_wait3A_588 = arith.constant 0 : i32
    %dma_wait3A_589 = arith.constant 0 : i32
    %dma_wait3A_590 = arith.constant 0 : i32
    %dma_wait3A_591 = tpu.memref_slice %arg7[%dma_wait3A_586, %dma_wait3A_588, %dma_wait3A_589, %dma_wait3A_590] : memref<3x4x4x128xf32, #tpu.memory_space<vmem>> -> memref<1x4x4x128xf32, #tpu.memory_space<vmem>>
    %dma_wait3A_592 = tpu.memref_squeeze %dma_wait3A_591 : memref<1x4x4x128xf32, #tpu.memory_space<vmem>> -> memref<4x4x128xf32, #tpu.memory_space<vmem>>
    %dma_wait3A_593 = arith.constant 0 : i32
    %dma_wait3A_594 = arith.constant 0 : i32
    %dma_wait3A_595 = tpu.memref_slice %arg4[%dma_wait3A_587, %mul3A_505, %dma_wait3A_593, %dma_wait3A_594] : memref<3x128x4x128xf32, #tpu.memory_space<hbm>> -> memref<1x4x4x128xf32, #tpu.memory_space<hbm>>
    %dma_wait3A_596 = tpu.memref_squeeze %dma_wait3A_595 : memref<1x4x4x128xf32, #tpu.memory_space<hbm>> -> memref<4x4x128xf32, #tpu.memory_space<hbm>>
    %dma_wait3A_597 = arith.constant 0 : i32
    %dma_wait3A_598 = arith.constant 0 : i32
    %dma_wait3A_599 = tpu.memref_slice %arg4[%dma_wait3A_587, %mul3A_505, %dma_wait3A_597, %dma_wait3A_598] : memref<3x128x4x128xf32, #tpu.memory_space<hbm>> -> memref<1x4x4x128xf32, #tpu.memory_space<hbm>>
    %dma_wait3A_600 = tpu.memref_squeeze %dma_wait3A_599 : memref<1x4x4x128xf32, #tpu.memory_space<hbm>> -> memref<4x4x128xf32, #tpu.memory_space<hbm>>
    %dma_wait3A_601 = arith.constant 0 : i32
    %dma_wait3A_602 = arith.constant 0 : i32
    %dma_wait3A_603 = arith.constant 0 : i32
    %dma_wait3A_604 = tpu.memref_slice %arg7[%dma_wait3A_586, %dma_wait3A_601, %dma_wait3A_602, %dma_wait3A_603] : memref<3x4x4x128xf32, #tpu.memory_space<vmem>> -> memref<1x4x4x128xf32, #tpu.memory_space<vmem>>
    %dma_wait3A_605 = tpu.memref_squeeze %dma_wait3A_604 : memref<1x4x4x128xf32, #tpu.memory_space<vmem>> -> memref<4x4x128xf32, #tpu.memory_space<vmem>>
    tpu.wait_dma2 semaphore(%arg9 : memref<!tpu.dma_semaphore, #tpu.memory_space<semaphore_mem>>) src(%dma_wait3A_605 : memref<4x4x128xf32, #tpu.memory_space<vmem>>) dst(%dma_wait3A_600 : memref<4x4x128xf32, #tpu.memory_space<hbm>>)
    %dma_wait3A_606 = arith.constant 2 : i32
    %dma_wait3A_607 = arith.constant 2 : i32
    %dma_wait3A_608 = arith.constant 0 : i32
    %dma_wait3A_609 = arith.constant 0 : i32
    %dma_wait3A_610 = arith.constant 0 : i32
    %dma_wait3A_611 = tpu.memref_slice %arg7[%dma_wait3A_606, %dma_wait3A_608, %dma_wait3A_609, %dma_wait3A_610] : memref<3x4x4x128xf32, #tpu.memory_space<vmem>> -> memref<1x4x4x128xf32, #tpu.memory_space<vmem>>
    %dma_wait3A_612 = tpu.memref_squeeze %dma_wait3A_611 : memref<1x4x4x128xf32, #tpu.memory_space<vmem>> -> memref<4x4x128xf32, #tpu.memory_space<vmem>>
    %dma_wait3A_613 = arith.constant 0 : i32
    %dma_wait3A_614 = arith.constant 0 : i32
    %dma_wait3A_615 = tpu.memref_slice %arg4[%dma_wait3A_607, %mul3A_505, %dma_wait3A_613, %dma_wait3A_614] : memref<3x128x4x128xf32, #tpu.memory_space<hbm>> -> memref<1x4x4x128xf32, #tpu.memory_space<hbm>>
    %dma_wait3A_616 = tpu.memref_squeeze %dma_wait3A_615 : memref<1x4x4x128xf32, #tpu.memory_space<hbm>> -> memref<4x4x128xf32, #tpu.memory_space<hbm>>
    %dma_wait3A_617 = arith.constant 0 : i32
    %dma_wait3A_618 = arith.constant 0 : i32
    %dma_wait3A_619 = tpu.memref_slice %arg4[%dma_wait3A_607, %mul3A_505, %dma_wait3A_617, %dma_wait3A_618] : memref<3x128x4x128xf32, #tpu.memory_space<hbm>> -> memref<1x4x4x128xf32, #tpu.memory_space<hbm>>
    %dma_wait3A_620 = tpu.memref_squeeze %dma_wait3A_619 : memref<1x4x4x128xf32, #tpu.memory_space<hbm>> -> memref<4x4x128xf32, #tpu.memory_space<hbm>>
    %dma_wait3A_621 = arith.constant 0 : i32
    %dma_wait3A_622 = arith.constant 0 : i32
    %dma_wait3A_623 = arith.constant 0 : i32
    %dma_wait3A_624 = tpu.memref_slice %arg7[%dma_wait3A_606, %dma_wait3A_621, %dma_wait3A_622, %dma_wait3A_623] : memref<3x4x4x128xf32, #tpu.memory_space<vmem>> -> memref<1x4x4x128xf32, #tpu.memory_space<vmem>>
    %dma_wait3A_625 = tpu.memref_squeeze %dma_wait3A_624 : memref<1x4x4x128xf32, #tpu.memory_space<vmem>> -> memref<4x4x128xf32, #tpu.memory_space<vmem>>
    tpu.wait_dma2 semaphore(%arg9 : memref<!tpu.dma_semaphore, #tpu.memory_space<semaphore_mem>>) src(%dma_wait3A_625 : memref<4x4x128xf32, #tpu.memory_space<vmem>>) dst(%dma_wait3A_620 : memref<4x4x128xf32, #tpu.memory_space<hbm>>)
    return
  }
}

</mosaic_0001>

<sc_bundles>
// kernel: kernel.3.cloned.1.call-start
scs
__scs_entry_jumppad:
0x0: {  	(pc) =	sbr.rel $0x88, $3  }
0x1: {  	(tag) =	ssettag $0x0;
	lr =	simm.s32 $0x1  }
0x2: {  	[smem:$0x3F9F] =	sst lr;
	_ =	strace $0xD0000000  }
0x3: {  	_ = 	snop  }
0x4: {  	_ = 	snop  }
0x5: {  	_ = 	snop  }
0x6: {  	_ = 	snop  }
0x7: {  	_ = 	snop  }
__scs_overlays_trampoline_lowered:
0x8: {  	[smem:$0x3FAE] =	sst s0  }
0x9: {  	[smem:$0x3FAF] =	sst s1  }
0xa: {  	[smem:$0x3FB0] =	sst s2  }
0xb: {  	[smem:$0x3FB1] =	sst s3  }
0xc: {  	[smem:$0x3FB2] =	sst s4  }
0xd: {  	[smem:$0x3FB3] =	sst s5  }
0xe: {  	[smem:$0x3FB4] =	sst s6  }
0xf: {  	[smem:$0x3FB5] =	sst s7  }
0x10: {  	[smem:$0x3FB6] =	sst s8  }
0x11: {  	[smem:$0x3FB7] =	sst s9;
	s0 =	simm.s32 @!p0 $0x0  }
0x12: {  	s1 =	sld [smem:$0x3F9D];
	s0 =	simm.s32 @p0 $0x1  }
0x13: {  	[smem:$0x3FB8] =	sst s0;
	s0 =	simm.s32 @!p1 $0x0  }
0x14: {  	s2 =	sld [smem:$0x3F9C];
	s0 =	simm.s32 @p1 $0x1  }
0x15: {  	[smem:$0x3FB9] =	sst s0;
	s0 =	simm.s32 @!p2 $0x0  }
0x16: {  	s3 =	sld [smem:$0x3FDB];
	s0 =	simm.s32 @p2 $0x1  }
0x17: {  	s4 =	simm.s32 $0x1BF5;
	[smem:$0x3FBB] =	sst s0  }
0x18: {  	s0 =	sld [smem:$0x3F9E];
	_ =	swait.ge [sflag:s4], $0x0  }
0x19: {  	s7 =	sld [smem:$0x3F9F]  }
0x1a: {  	s8 =	sadd.s32 $0xFFFFE003, lr  }
0x1b: {  	s9 =	sadd.s32 $0xFFFFFEF7, lr;
	s5 =	simm.s32 $0xFFFFFFFF;
	p2 =	slt.u32 s8, $0xFFFFF086  }
0x1c: {  	p1 =	slt.u32 s9, $0xF7A;
	s5 =	simm.s32 @!p2 $0x0  }
0x1d: {  	s5 =	simm.s32 @p1 $0x1;
	p0 =	seq.s32 s7, s2  }
0x1e: {  	s7 =	smul.u32 @!p0 $0xF7A, s2;
	p2 =	seq.s32 @!p0 s5, $0x0  }
0x1f: {  	s9 =	smul.u32 $0xF7A, s1;
	s8 =	simm.s32 @!p0 $0x1BF5;
	p2 =	por !p2, p0  }
0x20: {  	[sflag:s8] =	ssyncset.s32 @!p0 $0xFFFFF086;
	s6 =	sadd.s32 @!p0 s3, s7;
	s7 =	simm.s32 @!p0 $0x108  }
0x21: {  	s3 =	sadd.s32 s3, s9;
	s6 =	sadd.s32 @!p0 $0x88, s6;
	s7 =	simm.s32 @p2 $0x1082  }
0x22: {  	[simem:s7], [sflag:s8] =	dma.local @!p0 [hbm:s6], $0xF7A  }
0x23: {  	s9 =	sor.u32 $0xD0000000, s2;
	s6 =	simm.s32 $0x108;
	_ =	swait.ge @!p0 [sflag:s8], $0x0  }
0x24: {  	s3 =	sadd.s32 $0x88, s3;
	s6 =	simm.s32 @!p1 $0x1082;
	[sflag:s4] =	ssyncset.s32 $0xFFFFF086  }
0x25: {  	[simem:s6], [sflag:s4] =	dma.local [hbm:s3], $0xF7A  }
0x26: {  	[smem:$0x3F9F] =	sst s1;
	(tag) =	ssettag s2;
	_ =	strace s9  }
0x27: {  	s1 =	sld [smem:$0x3FAF]  }
0x28: {  	s2 =	sld [smem:$0x3FB0]  }
0x29: {  	s4 =	sld [smem:$0x3FB2]  }
0x2a: {  	p0 =	seq.s32 s5, $0x0;
	s5 =	sld [smem:$0x3FB3]  }
0x2b: {  	s6 =	sld [smem:$0x3FB4]  }
0x2c: {  	s7 =	sld [smem:$0x3FB5]  }
0x2d: {  	s3 =	simm.s32 $0x108;
	s8 =	sld [smem:$0x3FB6]  }
0x2e: {  	s3 =	simm.s32 @!p0 $0x1082;
	s9 =	sld [smem:$0x3FB7]  }
0x2f: {  	lr =	sadd.s32 s0, s3;
	s0 =	sld [smem:$0x3FAE]  }
0x30: {  	s3 =	sld [smem:$0x3FB1]  }
0x31: {  	[smem:$0x3FBA] =	sst s10  }
0x32: {  	s10 =	sld [smem:$0x3FB8];
	_ =	sdelay $0x3  }
0x33: {  	p0 =	seq.s32 s10, $0x1;
	s10 =	sld [smem:$0x3FBA];
	_ =	sdelay $0x3  }
0x34: {  	[smem:$0x3FBA] =	sst s10  }
0x35: {  	s10 =	sld [smem:$0x3FB9];
	_ =	sdelay $0x3  }
0x36: {  	p1 =	seq.s32 s10, $0x1;
	s10 =	sld [smem:$0x3FBA];
	_ =	sdelay $0x3  }
0x37: {  	[smem:$0x3FBA] =	sst s10  }
0x38: {  	s10 =	sld [smem:$0x3FBB]  }
0x39: {  	_ = 	snop;
	(pc) =	sbr.ind lr, $3  }
0x3a: {  	_ = 	snop  }
0x3b: {  	_ = 	snop  }
0x3c: {  	p2 =	seq.s32 s10, $0x1;
	s10 =	sld [smem:$0x3FBA]  }
0x3d: {  	_ =	shalt  }
0x3e: {  	_ =	shalt  }
0x3f: {  	_ =	shalt  }
0x40: {  	_ =	shalt  }
0x41: {  	_ =	shalt  }
0x42: {  	_ =	shalt  }
0x43: {  	_ =	shalt  }
0x44: {  	_ =	shalt  }
0x45: {  	_ =	shalt  }
0x46: {  	_ =	shalt  }
0x47: {  	_ =	shalt  }
0x48: {  	_ =	shalt  }
0x49: {  	_ =	shalt  }
0x4a: {  	_ =	shalt  }
0x4b: {  	_ =	shalt  }
0x4c: {  	_ =	shalt  }
0x4d: {  	_ =	shalt  }
0x4e: {  	_ =	shalt  }
0x4f: {  	_ =	shalt  }
0x50: {  	_ =	shalt  }
0x51: {  	_ =	shalt  }
0x52: {  	_ =	shalt  }
0x53: {  	_ =	shalt  }
0x54: {  	_ =	shalt  }
0x55: {  	_ =	shalt  }
0x56: {  	_ =	shalt  }
0x57: {  	_ =	shalt  }
0x58: {  	_ =	shalt  }
0x59: {  	_ =	shalt  }
0x5a: {  	_ =	shalt  }
0x5b: {  	_ =	shalt  }
0x5c: {  	_ =	shalt  }
0x5d: {  	_ =	shalt  }
0x5e: {  	_ =	shalt  }
0x5f: {  	_ =	shalt  }
0x60: {  	_ =	shalt  }
0x61: {  	_ =	shalt  }
0x62: {  	_ =	shalt  }
0x63: {  	_ =	shalt  }
0x64: {  	_ =	shalt  }
0x65: {  	_ =	shalt  }
0x66: {  	_ =	shalt  }
0x67: {  	_ =	shalt  }
0x68: {  	_ =	shalt  }
0x69: {  	_ =	shalt  }
0x6a: {  	_ =	shalt  }
0x6b: {  	_ =	shalt  }
0x6c: {  	_ =	shalt  }
0x6d: {  	_ =	shalt  }
0x6e: {  	_ =	shalt  }
0x6f: {  	_ =	shalt  }
0x70: {  	_ =	shalt  }
0x71: {  	_ =	shalt  }
0x72: {  	_ =	shalt  }
0x73: {  	_ =	shalt  }
0x74: {  	_ =	shalt  }
0x75: {  	_ =	shalt  }
0x76: {  	_ =	shalt  }
0x77: {  	_ =	shalt  }
0x78: {  	_ =	shalt  }
0x79: {  	_ =	shalt  }
0x7a: {  	_ =	shalt  }
0x7b: {  	_ =	shalt  }
0x7c: {  	_ =	shalt  }
0x7d: {  	_ =	shalt  }
0x7e: {  	_ =	shalt  }
0x7f: {  	_ =	shalt  }
0x80: {  	_ =	shalt  }
0x81: {  	_ =	shalt  }
0x82: {  	_ =	shalt  }
0x83: {  	_ =	shalt  }
0x84: {  	_ =	shalt  }
0x85: {  	_ =	shalt  }
0x86: {  	_ =	shalt  }
0x87: {  	_ =	shalt  }
.Lfunc_end0:
.L_simem_size_0:
called_computation_lowered:
.L_overlay_start_0:
0x88: {  	s2 =	sld [smem:$0x3FD9]  }
0x89: {  	s3 =	sld [smem:$0x3FFE];
	_ =	sdelay $0x1  }
0x8a: {  	s1 =	srdreg.scid  }
0x8b: {  	s0 =	sand.u32 $0x1, s1  }
0x8c: {  	s17 =	sshll.u32 s0, $0xA;
	s2 =	sadd.s32 s3, s2  }
0x8d: {  	s2 =	sadd.s32 s2, s17  }
0x8e: {  	[smem:$0x3FC6] =	sst s2  }
0x8f: {  	_ = 	snop  }
0x90: {  	s2 =	sld [smem:$0x3FC9]  }
0x91: {  	s18 =	sld [smem:$0x3FD0];
	(tm) =	ssettm $0x1  }
0x92: {  	s4 =	sld [smem:$0x3FFB];
	_ =	sdelay $0x3  }
0x93: {  	_ =	strace s4  }
0x94: {  	s4 =	sld [smem:$0x3FFC];
	_ =	sdelay $0x3  }
0x95: {  	_ =	strace s4  }
0x96: {  	s4 =	sld [smem:$0x3FFD];
	_ =	sdelay $0x3  }
0x97: {  	_ =	strace s4  }
0x98: {  	_ =	strace $0x8FFFFFFF  }
0x99: {  	s19 =	sld [smem:$0x3FDB];
	_ =	sdelay $0x1  }
0x9a: {  	s5 =	simm.s32 $_scs_section_size  }
0x9b: {  	s6 =	simm.s32 $_size__tile_overlayer_lowered;
	s7 =	simm.s32 $_tile_overlayer_lowered  }
0x9c: {  	s22 =	simm.s32 $0x1BFF;
	s21 =	sshll.u32 s7, $0x1;
	s4 =	sadd.s32 s5, s19  }
0x9d: {  	s8 =	simm.s32 $0x0;
	s20 =	sshll.u32 s6, $0x1;
	s6 =	sadd.s32 s21, s4  }
0x9e: {  	[timem:s8], [sflag:s22] =	dma.local [hbm:s6], s20  }
0x9f: {  	_ =	swait.ge [sflag:s22], s20  }
0xa0: {  	s5 =	ssub.s32 $0x0, s20;
	[sflag:s22] =	ssyncset.done $0x0  }
0xa1: {  	[sflag:s22] =	ssyncadd.s32 s5;
	_ =	sdelay $0x1  }
0xa2: {  	s23 =	simm.s32 $0x1B8B  }
0xa3: {  	_ =	swait.ge [sflag:s23], $0x1  }
0xa4: {  	[sflag:s23] =	ssyncset.done $0x0  }
0xa5: {  	s25 =	simm.s32 $0x1B8E;
	s24 =	sld [smem:$0x3FFE];
	[sflag:s23] =	ssyncadd.s32 $0xFFFFFFFF  }
0xa6: {  	s26 =	simm.s32 $execute0_lowered;
	[smem:$0x3FD2] =	sst s25  }
0xa7: {  	s6 =	sshll.u32 s26, $0x1;
	_ =	strace $0x80000046;
	[dreg:$0x1] =	wrdreg $0xFFFFFFFF  }
0xa8: {  	s28 =	simm.s32 $_size_execute0_lowered;
	s4 =	sadd.s32 s4, s6;
	[dreg:$0x0] =	wrdreg $0x0  }
0xa9: {  	s6 =	sshll.u32 s28, $0x1;
	[dreg:$0x2] =	wrdreg s4  }
0xaa: {  	[dreg:$0x3] =	wrdreg s6  }
0xab: {  	[dreg:$0x4] =	wrdreg $0xC0  }
0xac: {  	_ =	task [dreg:s8], $0x5FFFF  }
0xad: {  	[dreg:$0x1] =	wrdreg $0xFFFFFFFF  }
0xae: {  	[dreg:$0x0] =	wrdreg $0x60  }
0xaf: {  	[dreg:$0x2] =	wrdreg s2  }
0xb0: {  	[dreg:$0x3] =	wrdreg s24  }
0xb1: {  	[dreg:$0x4] =	wrdreg s18  }
0xb2: {  	[dreg:$0x5] =	wrdreg $0x9  }
0xb3: {  	_ =	task.clear_ibuf [dreg:s8], $0x6FFFF;
	_ =	strace $0x90000046  }
0xb4: {  	s29 =	simm.s32 $0x9;
	_ =	strace $0x80000048  }
0xb5: {  	_ =	swait.ge [sflag:s29], $0x1  }
0xb6: {  	[sflag:s29] =	ssyncadd.s32 $0xFFFFFFFF  }
0xb7: {  	_ =	strace $0x90000048  }
0xb8: {  	_ =	sfence  }
0xb9: {  	s30 =	sld [smem:$0x0];
	_ =	sdelay $0x2  }
0xba: {  	s31 =	sshll.u32 s1, $0xD;
	s1 =	sshrl.u32 s1, $0x2  }
0xbb: {  	s3 =	sand.u32 $0x4000, s31;
	s1 =	sadd.s32 s1, s30  }
0xbc: {  	s0 =	sor.u32 s3, s0;
	s1 =	sshll.u32 s1, $0x11  }
0xbd: {  	s0 =	sor.u32 s1, s0  }
0xbe: {  	s0 =	sadd.s32 $0x8F2B, s0  }
0xbf: {  	[sflag:s0] =	ssyncadd.remote.s32 $0x1  }
0xc0: {  	_ =	sfence.sel $0xFFFF  }
0xc1: {  	[dreg:$0x0] =	wrdreg $0xFFFFFFFF;
	(pc) =	sbr.abs _section_cstart, $3  }
0xc2: {  	[dreg:$0x1] =	wrdreg $0xFFFFFFFF  }
0xc3: {  	_ =	task.clear_ibuf [dreg:s8], $0x2FFFF;
	_ =	strace $0x9FFFFFFF  }
0xc4: {  	(tm) =	ssettm $0x7FFFFFFF  }
0xc5: {  	_ =	shalt  }
tec
execute0_lowered:
.L_overlay_start_1:
0x0: {  	(tag) =	ssettag $0x1  }
0x1: {  	s0 =	rddreg [dreg:$0x0]  }
0x2: {  	s1 =	rddreg [dreg:$0x1]  }
0x3: {  	s8 =	rddreg [dreg:$0x2];
	s3 =	srdreg.scid;
	s2 =	simm.s32 $0x0  }
0x4: {  	s5 =	stileid.u32;
	s14 =	simm.s32 $0x3;
	s15 =	simm.s32 $0x80  }
0x5: {  	s29 =	simm.s32 $0x100;
	s18 =	simm.s32 $0x180;
	s21 =	simm.s32 $0x780  }
0x6: {  	s22 =	simm.s32 $0x980;
	s23 =	simm.s32 $0xB80;
	s24 =	simm.s32 $0xD80  }
0x7: {  	s28 =	simm.s32 $0x1600;
	s30 =	simm.s32 $0x1E00;
	s31 =	simm.s32 $0x2  }
0x8: {  	s3 =	sand.u32 $0x1, s3;
	[smem:$0x7FF] =	sst s2;
	s5 =	sshll.u32 s5, $0x1  }
0x9: {  	s9 =	sadd.s32 $0xC750, s1;
	s10 =	sadd.s32 $0xF824, s1;
	s4 =	ssub.s32 $0x2, s3  }
0xa: {  	_ =	strace $0x80000047;
	s7 =	sor.u32 s3, s5;
	s3 =	sadd.s32 $0x400, s1  }
0xb: {  	s5 =	sadd.s32 $0x34D4, s1;
	s6 =	sshrl.u32 s4, $0x1;
	s25 =	sshll.u32 s7, $0x6  }
0xc: {  	s26 =	sshll.u32 s7, $0x8;
	s7 =	sadd.s32 $0x967C, s1;
	s13 =	ssub.s32 s4, s6  }
0xd: {  	s4 =	sadd.s32 s0, s25;
	s6 =	sadd.s32 $0x65A8, s1;
	s8 =	sadd.s32 s8, s26  }
0xe: {  	s25 =	simm.s32 $0x1;
	s26 =	simm.s32 $0xE00;
	s0 =	simm.s32 $0x0  }
0xf: {  	s11 =	sadd.s32 $0x2000, s8;
	s12 =	sadd.s32 $0x4000, s8;
	s13 =	smax.u32 s13, $0x1  }
.LBB2_1:
0x10: {  	[tilespmem:s2], [sflag:$0x3] =	stream.linear.gather [hbm4b:s4+s2], $0x200, $0x38;
	[tilespmem:$0x2600] =	vst v63  }
0x11: {  	_ =	swait.ge [sflag:s14], $0x200  }
0x12: {  	[sflag:s14] =	ssyncset.done $0x0  }
0x13: {  	s1 =	simm.s32 $0x200;
	[sflag:s14] =	ssyncadd.s32 $0xFFFFFE00  }
0x14: {  	[tilespmem:s1], [sflag:$0x1] =	stream.indirect.gather [hbm4b:s3+s15], $0x1, s2, s15, $0xb8;
	[tilespmem:$0x2600] =	vst v63  }
0x15: {  	s17 =	simm.s32 $0x400  }
0x16: {  	[tilespmem:s17], [sflag:$0x1] =	stream.indirect.gather [hbm4b:s5+s15], $0x1, s2, s15, $0xb8;
	[tilespmem:$0x2600] =	vst v63  }
0x17: {  	s19 =	simm.s32 $0x600  }
0x18: {  	[tilespmem:s19], [sflag:$0x1] =	stream.indirect.gather [hbm4b:s6+s15], $0x1, s2, s15, $0xb8;
	[tilespmem:$0x2600] =	vst v63  }
0x19: {  	s20 =	simm.s32 $0x800  }
0x1a: {  	[tilespmem:s20], [sflag:$0x1] =	stream.indirect.gather [hbm4b:s7+s15], $0x1, s2, s15, $0xb8;
	[tilespmem:$0x2600] =	vst v63  }
0x1b: {  	s16 =	simm.s32 $0xA00  }
0x1c: {  	[tilespmem:s16], [sflag:$0x1] =	stream.indirect.gather [hbm4b:s9+s15], $0x1, s2, s15, $0xb8;
	[tilespmem:$0x2600] =	vst v63  }
0x1d: {  	s17 =	simm.s32 $0xC00  }
0x1e: {  	[tilespmem:s17], [sflag:$0x1] =	stream.indirect.gather [hbm4b:s10+s15], $0x1, s2, s15, $0xb8;
	[tilespmem:$0x2600] =	vst v63  }
0x1f: {  	s19 =	simm.s32 $0x280  }
0x20: {  	[tilespmem:s19], [sflag:$0x1] =	stream.indirect.gather [hbm4b:s3+s15], $0x1, s15, s15, $0xb8;
	[tilespmem:$0x2600] =	vst v63  }
0x21: {  	s20 =	simm.s32 $0x480  }
0x22: {  	[tilespmem:s20], [sflag:$0x1] =	stream.indirect.gather [hbm4b:s5+s15], $0x1, s15, s15, $0xb8;
	[tilespmem:$0x2600] =	vst v63  }
0x23: {  	s16 =	simm.s32 $0x680  }
0x24: {  	[tilespmem:s16], [sflag:$0x1] =	stream.indirect.gather [hbm4b:s6+s15], $0x1, s15, s15, $0xb8;
	[tilespmem:$0x2600] =	vst v63  }
0x25: {  	s17 =	simm.s32 $0x880  }
0x26: {  	[tilespmem:s17], [sflag:$0x1] =	stream.indirect.gather [hbm4b:s7+s15], $0x1, s15, s15, $0xb8;
	[tilespmem:$0x2600] =	vst v63  }
0x27: {  	s19 =	simm.s32 $0xA80  }
0x28: {  	[tilespmem:s19], [sflag:$0x1] =	stream.indirect.gather [hbm4b:s9+s15], $0x1, s15, s15, $0xb8;
	[tilespmem:$0x2600] =	vst v63  }
0x29: {  	s20 =	simm.s32 $0xC80  }
0x2a: {  	[tilespmem:s20], [sflag:$0x1] =	stream.indirect.gather [hbm4b:s10+s15], $0x1, s15, s15, $0xb8;
	[tilespmem:$0x2600] =	vst v63  }
0x2b: {  	s16 =	simm.s32 $0x300  }
0x2c: {  	[tilespmem:s16], [sflag:$0x1] =	stream.indirect.gather [hbm4b:s3+s15], $0x1, s29, s15, $0xb8;
	[tilespmem:$0x2600] =	vst v63  }
0x2d: {  	s17 =	simm.s32 $0x500  }
0x2e: {  	[tilespmem:s17], [sflag:$0x1] =	stream.indirect.gather [hbm4b:s5+s15], $0x1, s29, s15, $0xb8;
	[tilespmem:$0x2600] =	vst v63  }
0x2f: {  	s19 =	simm.s32 $0x700  }
0x30: {  	[tilespmem:s19], [sflag:$0x1] =	stream.indirect.gather [hbm4b:s6+s15], $0x1, s29, s15, $0xb8;
	[tilespmem:$0x2600] =	vst v63  }
0x31: {  	s20 =	simm.s32 $0x900  }
0x32: {  	[tilespmem:s20], [sflag:$0x1] =	stream.indirect.gather [hbm4b:s7+s15], $0x1, s29, s15, $0xb8;
	[tilespmem:$0x2600] =	vst v63  }
0x33: {  	s16 =	simm.s32 $0xB00  }
0x34: {  	[tilespmem:s16], [sflag:$0x1] =	stream.indirect.gather [hbm4b:s9+s15], $0x1, s29, s15, $0xb8;
	[tilespmem:$0x2600] =	vst v63  }
0x35: {  	s17 =	simm.s32 $0xD00  }
0x36: {  	[tilespmem:s17], [sflag:$0x1] =	stream.indirect.gather [hbm4b:s10+s15], $0x1, s29, s15, $0xb8;
	[tilespmem:$0x2600] =	vst v63  }
0x37: {  	s19 =	simm.s32 $0x380  }
0x38: {  	[tilespmem:s19], [sflag:$0x1] =	stream.indirect.gather [hbm4b:s3+s15], $0x1, s18, s15, $0xb8;
	[tilespmem:$0x2600] =	vst v63  }
0x39: {  	s20 =	simm.s32 $0x580  }
0x3a: {  	[tilespmem:s20], [sflag:$0x1] =	stream.indirect.gather [hbm4b:s5+s15], $0x1, s18, s15, $0xb8;
	[tilespmem:$0x2600] =	vst v63  }
0x3b: {  	_ = 	snop  }
0x3c: {  	[tilespmem:s21], [sflag:$0x1] =	stream.indirect.gather [hbm4b:s6+s15], $0x1, s18, s15, $0xb8;
	[tilespmem:$0x2600] =	vst v63  }
0x3d: {  	_ = 	snop  }
0x3e: {  	[tilespmem:s22], [sflag:$0x1] =	stream.indirect.gather [hbm4b:s7+s15], $0x1, s18, s15, $0xb8;
	[tilespmem:$0x2600] =	vst v63  }
0x3f: {  	_ = 	snop  }
0x40: {  	[tilespmem:s23], [sflag:$0x1] =	stream.indirect.gather [hbm4b:s9+s15], $0x1, s18, s15, $0xb8;
	[tilespmem:$0x2600] =	vst v63  }
0x41: {  	_ = 	snop  }
0x42: {  	[tilespmem:s24], [sflag:$0x1] =	stream.indirect.gather [hbm4b:s10+s15], $0x1, s18, s15, $0xb8;
	[tilespmem:$0x2600] =	vst v63  }
0x43: {  	_ =	swait.ge [sflag:s25], $0x80  }
0x44: {  	[sflag:s25] =	ssyncset.done $0x0  }
0x45: {  	[sflag:s25] =	ssyncadd.s32 $0xFFFFFF80  }
0x46: {  	_ =	swait.ge [sflag:s25], $0x80  }
0x47: {  	[sflag:s25] =	ssyncset.done $0x0  }
0x48: {  	[sflag:s25] =	ssyncadd.s32 $0xFFFFFF80  }
0x49: {  	_ =	swait.ge [sflag:s25], $0x80  }
0x4a: {  	[sflag:s25] =	ssyncset.done $0x0  }
0x4b: {  	[sflag:s25] =	ssyncadd.s32 $0xFFFFFF80  }
0x4c: {  	_ =	swait.ge [sflag:s25], $0x80  }
0x4d: {  	[sflag:s25] =	ssyncset.done $0x0  }
0x4e: {  	[sflag:s25] =	ssyncadd.s32 $0xFFFFFF80  }
0x4f: {  	_ =	swait.ge [sflag:s25], $0x80  }
0x50: {  	[sflag:s25] =	ssyncset.done $0x0  }
0x51: {  	[sflag:s25] =	ssyncadd.s32 $0xFFFFFF80  }
0x52: {  	_ =	swait.ge [sflag:s25], $0x80  }
0x53: {  	[sflag:s25] =	ssyncset.done $0x0  }
0x54: {  	s17 =	simm.s32 $0x0;
	[sflag:s25] =	ssyncadd.s32 $0xFFFFFF80  }
0x55: {  	v0 =	vld [tilespmem:s17+$0x200]  }
0x56: {  	v1 =	vld [tilespmem:s17+$0x400]  }
0x57: {  	v2 =	vld [tilespmem:s17+$0x600]  }
0x58: {  	v18 =	vld [tilespmem:s17+$0xA00]  }
0x59: {  	v21 =	vld [tilespmem:s17+$0x800]  }
0x5a: {  	[tilespmem:s17+$0xF80] =	vst v0  }
0x5b: {  	v23 =	vld [tilespmem:s17+$0xC00];
	[tilespmem:s17+$0x1780] =	vst v1  }
0x5c: {  	s16 =	simm.s32 $0x10;
	[tilespmem:s17+$0x1F80] =	vst v2  }
0x5d: {  	v3 =	vld [tilespmem:s16+$0xA00]  }
0x5e: {  	v0 =	vmul.f32 v18, v18;
	v2 =	vmul.f32 v21, v21;
	v11 =	vld [tilespmem:s16+$0x800]  }
0x5f: {  	v6 =	vld [tilespmem:s16+$0x400]  }
0x60: {  	v4 =	vmul.f32 v23, v23;
	v1 =	vld [tilespmem:s16+$0x200];
	v27 =	vadd.f32 v0, v2  }
0x61: {  	v8 =	vld [tilespmem:s16+$0x600]  }
0x62: {  	v5 =	vld [tilespmem:s16+$0xC00];
	v7 =	vadd.f32 v4, v27;
	_ =	sdelay $0x1  }
0x63: {  	v25 =	vmul.f32 v18, v21;
	v7 =	vmax.f32 v7, $9.999999930e-09;
	[tilespmem:s16+$0x1780] =	vst v6;
	v6 =	vmul.f32 v3, v3  }
0x64: {  	[tilespmem:s16+$0xF80] =	vst v1;
	v10 =	vmul.f32 v11, v11;
	v1 =	vmul.f32 $-1.984127010e-04, v7  }
0x65: {  	s1 =	simm.s32 $0x20;
	v30 =	vadd.f32 v4, v0;
	v20 =	vadd.f32 v4, v2;
	[tilespmem:s16+$0x1F80] =	vst v8;
	v0 =	vmul.f32 $-2.480158760e-05, v7  }
0x66: {  	v13 =	vmul.f32 v5, v5;
	v2 =	vld [tilespmem:s1+$0xC00];
	v8 =	vadd.f32 v6, v10;
	v9 =	vadd.f32 $8.333333770e-03, v1  }
0x67: {  	v31 =	vmul.f32 v23, v18;
	v16 =	vmul.f32 v23, v21;
	v12 =	vadd.f32 $1.388888920e-03, v0;
	v0 =	vld [tilespmem:s1+$0xA00]  }
0x68: {  	v14 =	vadd.f32 v13, v6;
	v1 =	vld [tilespmem:s1+$0x800];
	v6 =	vadd.f32 v13, v8;
	v9 =	vmul.f32 v9, v7  }
0x69: {  	v15 =	vmul.f32 v3, v11;
	v4 =	vmul.f32 v12, v7  }
0x6a: {  	v29 =	vld [tilespmem:s1+$0x400];
	v12 =	vmul.f32 v5, v3;
	v19 =	vmax.f32 v6, $9.999999930e-09;
	v17 =	vadd.f32 $-1.666666720e-01, v9  }
0x6b: {  	v6 =	vmul.f32 v2, v2;
	v9 =	vmul.f32 v5, v11;
	v22 =	vadd.f32 $-4.166666790e-02, v4  }
0x6c: {  	v28 =	vmul.f32 v0, v0;
	v24 =	vmul.f32 v17, v7  }
0x6d: {  	v26 =	vld [tilespmem:s1+$0x200];
	v4 =	vmul.f32 v1, v1;
	v7 =	vmul.f32 v22, v7  }
0x6e: {  	v32 =	vld [tilespmem:s1+$0x600];
	v34 =	vmul.f32 $-2.480158760e-05, v19;
	v17 =	vadd.f32 v13, v10;
	v33 =	vadd.f32 $1.000000000e+00, v24  }
0x6f: {  	[tilespmem:s1+$0x1780] =	vst v29;
	v29 =	vmul.f32 $-1.984127010e-04, v19;
	v10 =	vadd.f32 v28, v4;
	v24 =	vadd.f32 $5.000000000e-01, v7  }
0x70: {  	v13 =	vmul.f32 v0, v1;
	v7 =	vadd.f32 v6, v28;
	v21 =	vmul.f32 v33, v21  }
0x71: {  	v22 =	vmul.f32 v33, v18;
	v18 =	vadd.f32 v6, v10;
	v25 =	vmul.f32 v24, v25  }
0x72: {  	[tilespmem:s1+$0xF80] =	vst v26;
	v28 =	vadd.f32 $1.388888920e-03, v34;
	v26 =	vmul.f32 v33, v23;
	v27 =	vmul.f32 v24, v27  }
0x73: {  	s19 =	simm.s32 $0xC0;
	[tilespmem:s1+$0x1F80] =	vst v32;
	v23 =	vmul.f32 v24, v31;
	v30 =	vmul.f32 v24, v30;
	v18 =	vmax.f32 v18, $9.999999930e-09  }
.LBB2_2:
0x74: {  	s20 =	sshra.s32 s19, $0x2;
	p0 =	sne.s32 s19, $0x1C0;
	s19 =	sadd.s32 $0x40, s19;
	v29 =	vadd.f32 $8.333333770e-03, v29;
	v31 =	vadd.f32 v26, v25;
	v36 =	vmul.f32 v24, v20;
	v32 =	vmovc v1;
	v33 =	vmovc v5  }
0x75: {  	v24 =	vmul.f32 v24, v16;
	v25 =	vsub.f32 v25, v26;
	v5 =	vmovc v2;
	v35 =	vmovc v12;
	v34 =	vld [tilespmem:s20+$0xA00];
	v30 =	vsub.f32 $1.000000000e+00, v30  }
0x76: {  	v28 =	vmul.f32 v28, v19;
	v38 =	vsub.f32 $1.000000000e+00, v27;
	v16 =	vmovc v9;
	v1 =	vld [tilespmem:s20+$0x800];
	v26 =	vmul.f32 v29, v19;
	[tilespmem:s17+$0x1600] =	vst v31  }
0x77: {  	v20 =	vmovc v17;
	v12 =	vmul.f32 v5, v0;
	v29 =	vsub.f32 $1.000000000e+00, v36;
	v31 =	vadd.f32 v21, v23;
	v2 =	vld [tilespmem:s20+$0xC00];
	[tilespmem:s17+$0xE00] =	vst v30  }
0x78: {  	v27 =	vmovc v15;
	v9 =	vmul.f32 v5, v32;
	v30 =	vld [tilespmem:s20+$0x200];
	v17 =	vadd.f32 $-1.666666720e-01, v26;
	v26 =	vadd.f32 v22, v24;
	[tilespmem:s17+$0x1F00] =	vst v38  }
0x79: {  	v15 =	vmovc v13;
	v37 =	vmovc v8;
	v8 =	vmov v10;
	v28 =	vadd.f32 $-4.166666790e-02, v28;
	v22 =	vsub.f32 v24, v22;
	v36 =	vld [tilespmem:s20+$0x400];
	[tilespmem:s17+$0x1680] =	vst v29  }
0x7a: {  	v21 =	vsub.f32 v23, v21;
	v38 =	vld [tilespmem:s20+$0x600];
	v29 =	vmul.f32 v34, v34;
	v10 =	vmul.f32 v17, v19;
	[tilespmem:s17+$0xE80] =	vst v25  }
0x7b: {  	v17 =	vadd.f32 v6, v4;
	v25 =	vmul.f32 v28, v19;
	v4 =	vmul.f32 v1, v1;
	[tilespmem:s17+$0x1E80] =	vst v31  }
0x7c: {  	v13 =	vmul.f32 v34, v1;
	v31 =	vmovc v14;
	v6 =	vmul.f32 v2, v2;
	v23 =	vadd.f32 $1.000000000e+00, v10;
	[tilespmem:s17+$0x1E00] =	vst v22  }
.Ltmp0:
0x7d: {  	v28 =	vmul.f32 $-2.480158760e-05, v18;
	v19 =	vmovc v18;
	v14 =	vmovc v7;
	v24 =	vadd.f32 $5.000000000e-01, v25;
	v10 =	vadd.f32 v29, v4;
	[tilespmem:s17+$0x1700] =	vst v21;
	(pc) =	sbr.rel @p0 .LBB2_2-.Ltmp0, $4  }
0x7e: {  	v7 =	vadd.f32 v6, v29;
	v21 =	vmul.f32 v23, v11;
	v22 =	vmul.f32 v23, v3;
	[tilespmem:s17+$0xF00] =	vst v26;
	s17 =	smov.u32 s16;
	s16 =	smov.u32 s1;
	s1 =	smov.u32 s20  }
0x7f: {  	v25 =	vmul.f32 v24, v27;
	v26 =	vmul.f32 v23, v33;
	v39 =	vadd.f32 v6, v10;
	[tilespmem:s1+$0xF80] =	vst v30  }
0x80: {  	v28 =	vadd.f32 $1.388888920e-03, v28;
	v29 =	vmul.f32 $-1.984127010e-04, v19;
	v27 =	vmul.f32 v24, v37;
	v3 =	vmovc v0;
	v0 =	vmovc v34;
	[tilespmem:s1+$0x1780] =	vst v36  }
0x81: {  	v23 =	vmul.f32 v24, v35;
	v11 =	vmovc v32;
	v30 =	vmul.f32 v24, v31;
	v18 =	vmax.f32 v39, $9.999999930e-09;
	[tilespmem:s1+$0x1F80] =	vst v38  }
0x82: {  	v29 =	vadd.f32 $8.333333770e-03, v29;
	_ =	sdelay $0x1  }
0x83: {  	v28 =	vmul.f32 v28, v19;
	v31 =	vadd.f32 v26, v25;
	v29 =	vmul.f32 v29, v19  }
0x84: {  	v20 =	vmul.f32 v24, v20;
	v25 =	vsub.f32 v25, v26;
	v26 =	vsub.f32 $1.000000000e+00, v27  }
0x85: {  	v27 =	vmul.f32 $-1.984127010e-04, v18;
	v28 =	vadd.f32 $-4.166666790e-02, v28;
	v29 =	vadd.f32 $-1.666666720e-01, v29  }
0x86: {  	v30 =	vsub.f32 $1.000000000e+00, v30;
	v20 =	vsub.f32 $1.000000000e+00, v20;
	[tilespmem:s17+$0x1F00] =	vst v26;
	v26 =	vmul.f32 $-2.480158760e-05, v18  }
0x87: {  	[tilespmem:s17+$0xE80] =	vst v25;
	v25 =	vadd.f32 $8.333333770e-03, v27;
	v29 =	vmul.f32 v29, v19;
	v19 =	vmul.f32 v28, v19  }
0x88: {  	v16 =	vmul.f32 v24, v16;
	[tilespmem:s17+$0x1680] =	vst v20;
	v20 =	vadd.f32 $1.388888920e-03, v26;
	v28 =	vadd.f32 v21, v23  }
0x89: {  	[tilespmem:s17+$0x1600] =	vst v31;
	v24 =	vadd.f32 $1.000000000e+00, v29;
	v19 =	vadd.f32 $5.000000000e-01, v19  }
0x8a: {  	[tilespmem:s17+$0xE00] =	vst v30;
	v21 =	vsub.f32 v23, v21;
	v20 =	vmul.f32 v20, v18;
	v29 =	vsub.f32 v16, v22  }
0x8b: {  	[tilespmem:s17+$0x1E80] =	vst v28;
	v16 =	vadd.f32 v22, v16;
	v15 =	vmul.f32 v19, v15;
	v5 =	vmul.f32 v24, v5  }
0x8c: {  	v22 =	vmul.f32 v25, v18;
	[tilespmem:s17+$0x1700] =	vst v21;
	v20 =	vadd.f32 $-4.166666790e-02, v20;
	v14 =	vmul.f32 v19, v14  }
0x8d: {  	v11 =	vmul.f32 v24, v11;
	[tilespmem:s17+$0x1E00] =	vst v29;
	v8 =	vmul.f32 v19, v8;
	v21 =	vadd.f32 v5, v15  }
0x8e: {  	[tilespmem:s17+$0xF00] =	vst v16;
	v16 =	vmul.f32 v19, v17;
	v17 =	vadd.f32 $-1.666666720e-01, v22;
	v14 =	vsub.f32 $1.000000000e+00, v14  }
0x8f: {  	v3 =	vmul.f32 v24, v3;
	v12 =	vmul.f32 v19, v12;
	v8 =	vsub.f32 $1.000000000e+00, v8;
	[tilespmem:s16+$0x1600] =	vst v21  }
0x90: {  	v16 =	vsub.f32 $1.000000000e+00, v16;
	[tilespmem:s16+$0xE00] =	vst v14;
	v14 =	vmul.f32 v17, v18;
	v17 =	vmul.f32 v20, v18  }
0x91: {  	v9 =	vmul.f32 v19, v9;
	v5 =	vsub.f32 v15, v5;
	v15 =	vadd.f32 v11, v12;
	[tilespmem:s16+$0x1F00] =	vst v8  }
0x92: {  	[tilespmem:s16+$0x1680] =	vst v16;
	v8 =	vadd.f32 $1.000000000e+00, v14;
	v14 =	vadd.f32 $5.000000000e-01, v17  }
0x93: {  	v16 =	vsub.f32 v9, v3;
	[tilespmem:s16+$0xE80] =	vst v5  }
0x94: {  	v5 =	vsub.f32 v12, v11;
	[tilespmem:s16+$0x1E80] =	vst v15;
	v11 =	vmul.f32 v14, v13;
	v12 =	vmul.f32 v8, v2  }
0x95: {  	v4 =	vadd.f32 v6, v4;
	v3 =	vadd.f32 v3, v9;
	[tilespmem:s16+$0x1E00] =	vst v16;
	v6 =	vmul.f32 v14, v7  }
0x96: {  	[tilespmem:s16+$0x1700] =	vst v5;
	v5 =	vmul.f32 v14, v10;
	v7 =	vadd.f32 v12, v11  }
0x97: {  	v9 =	vmul.f32 v2, v0;
	[tilespmem:s16+$0xF00] =	vst v3;
	v3 =	vmul.f32 v14, v4;
	v4 =	vsub.f32 $1.000000000e+00, v6  }
0x98: {  	v2 =	vmul.f32 v2, v1;
	v5 =	vsub.f32 $1.000000000e+00, v5;
	[tilespmem:s1+$0x1600] =	vst v7  }
0x99: {  	v1 =	vmul.f32 v8, v1;
	v6 =	vmul.f32 v14, v9;
	v3 =	vsub.f32 $1.000000000e+00, v3;
	[tilespmem:s1+$0xE00] =	vst v4  }
0x9a: {  	v0 =	vmul.f32 v8, v0;
	v2 =	vmul.f32 v14, v2;
	v4 =	vsub.f32 v11, v12;
	[tilespmem:s1+$0x1F00] =	vst v5  }
0x9b: {  	v5 =	vadd.f32 v1, v6;
	[tilespmem:s1+$0x1680] =	vst v3  }
0x9c: {  	v3 =	vsub.f32 v2, v0;
	[tilespmem:s1+$0xE80] =	vst v4  }
0x9d: {  	v1 =	vsub.f32 v6, v1;
	[tilespmem:s1+$0x1E80] =	vst v5  }
0x9e: {  	v0 =	vadd.f32 v0, v2;
	[tilespmem:s1+$0x1E00] =	vst v3  }
0x9f: {  	[tilespmem:s1+$0x1700] =	vst v1  }
0xa0: {  	[tilespmem:s1+$0xF00] =	vst v0  }
0xa1: {  	_ =	swait.ge [sflag:s25], $0x80  }
0xa2: {  	[sflag:s25] =	ssyncset.done $0x0  }
0xa3: {  	[sflag:s25] =	ssyncadd.s32 $0xFFFFFF80  }
0xa4: {  	_ =	swait.ge [sflag:s25], $0x80  }
0xa5: {  	[sflag:s25] =	ssyncset.done $0x0  }
0xa6: {  	[sflag:s25] =	ssyncadd.s32 $0xFFFFFF80  }
0xa7: {  	_ =	swait.ge [sflag:s25], $0x80  }
0xa8: {  	[sflag:s25] =	ssyncset.done $0x0  }
0xa9: {  	[sflag:s25] =	ssyncadd.s32 $0xFFFFFF80  }
0xaa: {  	_ =	swait.ge [sflag:s25], $0x80  }
0xab: {  	[sflag:s25] =	ssyncset.done $0x0  }
0xac: {  	[sflag:s25] =	ssyncadd.s32 $0xFFFFFF80  }
0xad: {  	_ =	swait.ge [sflag:s25], $0x80  }
0xae: {  	[sflag:s25] =	ssyncset.done $0x0  }
0xaf: {  	[sflag:s25] =	ssyncadd.s32 $0xFFFFFF80  }
0xb0: {  	_ =	swait.ge [sflag:s25], $0x80  }
0xb1: {  	[sflag:s25] =	ssyncset.done $0x0  }
0xb2: {  	s17 =	simm.s32 $0x0;
	[sflag:s25] =	ssyncadd.s32 $0xFFFFFF80  }
0xb3: {  	v0 =	vld [tilespmem:s17+$0x280]  }
0xb4: {  	v1 =	vld [tilespmem:s17+$0x480]  }
0xb5: {  	v2 =	vld [tilespmem:s17+$0x680]  }
0xb6: {  	v18 =	vld [tilespmem:s17+$0xA80]  }
0xb7: {  	v21 =	vld [tilespmem:s17+$0x880]  }
0xb8: {  	[tilespmem:s17+$0x1180] =	vst v0  }
0xb9: {  	v23 =	vld [tilespmem:s17+$0xC80];
	[tilespmem:s17+$0x1980] =	vst v1  }
0xba: {  	s16 =	simm.s32 $0x10;
	[tilespmem:s17+$0x2180] =	vst v2  }
0xbb: {  	v3 =	vld [tilespmem:s16+$0xA80]  }
0xbc: {  	v0 =	vmul.f32 v18, v18;
	v2 =	vmul.f32 v21, v21;
	v11 =	vld [tilespmem:s16+$0x880]  }
0xbd: {  	v6 =	vld [tilespmem:s16+$0x480]  }
0xbe: {  	v4 =	vmul.f32 v23, v23;
	v1 =	vld [tilespmem:s16+$0x280];
	v27 =	vadd.f32 v0, v2  }
0xbf: {  	v8 =	vld [tilespmem:s16+$0x680]  }
0xc0: {  	v5 =	vld [tilespmem:s16+$0xC80];
	v7 =	vadd.f32 v4, v27;
	_ =	sdelay $0x1  }
0xc1: {  	v25 =	vmul.f32 v18, v21;
	v7 =	vmax.f32 v7, $9.999999930e-09;
	[tilespmem:s16+$0x1980] =	vst v6;
	v6 =	vmul.f32 v3, v3  }
0xc2: {  	[tilespmem:s16+$0x1180] =	vst v1;
	v10 =	vmul.f32 v11, v11;
	v1 =	vmul.f32 $-1.984127010e-04, v7  }
0xc3: {  	s1 =	simm.s32 $0x20;
	v30 =	vadd.f32 v4, v0;
	v20 =	vadd.f32 v4, v2;
	[tilespmem:s16+$0x2180] =	vst v8;
	v0 =	vmul.f32 $-2.480158760e-05, v7  }
0xc4: {  	v13 =	vmul.f32 v5, v5;
	v2 =	vld [tilespmem:s1+$0xC80];
	v8 =	vadd.f32 v6, v10;
	v9 =	vadd.f32 $8.333333770e-03, v1  }
0xc5: {  	v31 =	vmul.f32 v23, v18;
	v16 =	vmul.f32 v23, v21;
	v12 =	vadd.f32 $1.388888920e-03, v0;
	v0 =	vld [tilespmem:s1+$0xA80]  }
0xc6: {  	v14 =	vadd.f32 v13, v6;
	v1 =	vld [tilespmem:s1+$0x880];
	v6 =	vadd.f32 v13, v8;
	v9 =	vmul.f32 v9, v7  }
0xc7: {  	v15 =	vmul.f32 v3, v11;
	v4 =	vmul.f32 v12, v7  }
0xc8: {  	v29 =	vld [tilespmem:s1+$0x480];
	v12 =	vmul.f32 v5, v3;
	v19 =	vmax.f32 v6, $9.999999930e-09;
	v17 =	vadd.f32 $-1.666666720e-01, v9  }
0xc9: {  	v6 =	vmul.f32 v2, v2;
	v9 =	vmul.f32 v5, v11;
	v22 =	vadd.f32 $-4.166666790e-02, v4  }
0xca: {  	v28 =	vmul.f32 v0, v0;
	v24 =	vmul.f32 v17, v7  }
0xcb: {  	v26 =	vld [tilespmem:s1+$0x280];
	v4 =	vmul.f32 v1, v1;
	v7 =	vmul.f32 v22, v7  }
0xcc: {  	v32 =	vld [tilespmem:s1+$0x680];
	v34 =	vmul.f32 $-2.480158760e-05, v19;
	v17 =	vadd.f32 v13, v10;
	v33 =	vadd.f32 $1.000000000e+00, v24  }
0xcd: {  	[tilespmem:s1+$0x1980] =	vst v29;
	v29 =	vmul.f32 $-1.984127010e-04, v19;
	v10 =	vadd.f32 v28, v4;
	v24 =	vadd.f32 $5.000000000e-01, v7  }
0xce: {  	v13 =	vmul.f32 v0, v1;
	v7 =	vadd.f32 v6, v28;
	v21 =	vmul.f32 v33, v21  }
0xcf: {  	v22 =	vmul.f32 v33, v18;
	v18 =	vadd.f32 v6, v10;
	v25 =	vmul.f32 v24, v25  }
0xd0: {  	[tilespmem:s1+$0x1180] =	vst v26;
	v28 =	vadd.f32 $1.388888920e-03, v34;
	v26 =	vmul.f32 v33, v23;
	v27 =	vmul.f32 v24, v27  }
0xd1: {  	s19 =	simm.s32 $0xC0;
	[tilespmem:s1+$0x2180] =	vst v32;
	v23 =	vmul.f32 v24, v31;
	v30 =	vmul.f32 v24, v30;
	v18 =	vmax.f32 v18, $9.999999930e-09  }
.LBB2_4:
0xd2: {  	s20 =	sshra.s32 s19, $0x2;
	p0 =	sne.s32 s19, $0x1C0;
	s19 =	sadd.s32 $0x40, s19;
	v29 =	vadd.f32 $8.333333770e-03, v29;
	v31 =	vadd.f32 v26, v25;
	v36 =	vmul.f32 v24, v20;
	v32 =	vmovc v1;
	v33 =	vmovc v5  }
0xd3: {  	v24 =	vmul.f32 v24, v16;
	v25 =	vsub.f32 v25, v26;
	v5 =	vmovc v2;
	v35 =	vmovc v12;
	v34 =	vld [tilespmem:s20+$0xA80];
	v30 =	vsub.f32 $1.000000000e+00, v30  }
0xd4: {  	v28 =	vmul.f32 v28, v19;
	v38 =	vsub.f32 $1.000000000e+00, v27;
	v16 =	vmovc v9;
	v1 =	vld [tilespmem:s20+$0x880];
	v26 =	vmul.f32 v29, v19;
	[tilespmem:s17+$0x1800] =	vst v31  }
0xd5: {  	v20 =	vmovc v17;
	v12 =	vmul.f32 v5, v0;
	v29 =	vsub.f32 $1.000000000e+00, v36;
	v31 =	vadd.f32 v21, v23;
	v2 =	vld [tilespmem:s20+$0xC80];
	[tilespmem:s17+$0x1000] =	vst v30  }
0xd6: {  	v27 =	vmovc v15;
	v9 =	vmul.f32 v5, v32;
	v30 =	vld [tilespmem:s20+$0x280];
	v17 =	vadd.f32 $-1.666666720e-01, v26;
	v26 =	vadd.f32 v22, v24;
	[tilespmem:s17+$0x2100] =	vst v38  }
0xd7: {  	v15 =	vmovc v13;
	v37 =	vmovc v8;
	v8 =	vmov v10;
	v28 =	vadd.f32 $-4.166666790e-02, v28;
	v22 =	vsub.f32 v24, v22;
	v36 =	vld [tilespmem:s20+$0x480];
	[tilespmem:s17+$0x1880] =	vst v29  }
0xd8: {  	v21 =	vsub.f32 v23, v21;
	v38 =	vld [tilespmem:s20+$0x680];
	v29 =	vmul.f32 v34, v34;
	v10 =	vmul.f32 v17, v19;
	[tilespmem:s17+$0x1080] =	vst v25  }
0xd9: {  	v17 =	vadd.f32 v6, v4;
	v25 =	vmul.f32 v28, v19;
	v4 =	vmul.f32 v1, v1;
	[tilespmem:s17+$0x2080] =	vst v31  }
0xda: {  	v13 =	vmul.f32 v34, v1;
	v31 =	vmovc v14;
	v6 =	vmul.f32 v2, v2;
	v23 =	vadd.f32 $1.000000000e+00, v10;
	[tilespmem:s17+$0x2000] =	vst v22  }
.Ltmp1:
0xdb: {  	v28 =	vmul.f32 $-2.480158760e-05, v18;
	v19 =	vmovc v18;
	v14 =	vmovc v7;
	v24 =	vadd.f32 $5.000000000e-01, v25;
	v10 =	vadd.f32 v29, v4;
	[tilespmem:s17+$0x1900] =	vst v21;
	(pc) =	sbr.rel @p0 .LBB2_4-.Ltmp1, $4  }
0xdc: {  	v7 =	vadd.f32 v6, v29;
	v21 =	vmul.f32 v23, v11;
	v22 =	vmul.f32 v23, v3;
	[tilespmem:s17+$0x1100] =	vst v26;
	s17 =	smov.u32 s16;
	s16 =	smov.u32 s1;
	s1 =	smov.u32 s20  }
0xdd: {  	v25 =	vmul.f32 v24, v27;
	v26 =	vmul.f32 v23, v33;
	v39 =	vadd.f32 v6, v10;
	[tilespmem:s1+$0x1180] =	vst v30  }
0xde: {  	v28 =	vadd.f32 $1.388888920e-03, v28;
	v29 =	vmul.f32 $-1.984127010e-04, v19;
	v27 =	vmul.f32 v24, v37;
	v3 =	vmovc v0;
	v0 =	vmovc v34;
	[tilespmem:s1+$0x1980] =	vst v36  }
0xdf: {  	v23 =	vmul.f32 v24, v35;
	v11 =	vmovc v32;
	v30 =	vmul.f32 v24, v31;
	v18 =	vmax.f32 v39, $9.999999930e-09;
	[tilespmem:s1+$0x2180] =	vst v38  }
0xe0: {  	v29 =	vadd.f32 $8.333333770e-03, v29;
	_ =	sdelay $0x1  }
0xe1: {  	v28 =	vmul.f32 v28, v19;
	v31 =	vadd.f32 v26, v25;
	v29 =	vmul.f32 v29, v19  }
0xe2: {  	v20 =	vmul.f32 v24, v20;
	v25 =	vsub.f32 v25, v26;
	v26 =	vsub.f32 $1.000000000e+00, v27  }
0xe3: {  	v27 =	vmul.f32 $-1.984127010e-04, v18;
	v28 =	vadd.f32 $-4.166666790e-02, v28;
	v29 =	vadd.f32 $-1.666666720e-01, v29  }
0xe4: {  	v30 =	vsub.f32 $1.000000000e+00, v30;
	v20 =	vsub.f32 $1.000000000e+00, v20;
	[tilespmem:s17+$0x2100] =	vst v26;
	v26 =	vmul.f32 $-2.480158760e-05, v18  }
0xe5: {  	[tilespmem:s17+$0x1080] =	vst v25;
	v25 =	vadd.f32 $8.333333770e-03, v27;
	v29 =	vmul.f32 v29, v19;
	v19 =	vmul.f32 v28, v19  }
0xe6: {  	v16 =	vmul.f32 v24, v16;
	[tilespmem:s17+$0x1880] =	vst v20;
	v20 =	vadd.f32 $1.388888920e-03, v26;
	v28 =	vadd.f32 v21, v23  }
0xe7: {  	[tilespmem:s17+$0x1800] =	vst v31;
	v24 =	vadd.f32 $1.000000000e+00, v29;
	v19 =	vadd.f32 $5.000000000e-01, v19  }
0xe8: {  	[tilespmem:s17+$0x1000] =	vst v30;
	v21 =	vsub.f32 v23, v21;
	v20 =	vmul.f32 v20, v18;
	v29 =	vsub.f32 v16, v22  }
0xe9: {  	[tilespmem:s17+$0x2080] =	vst v28;
	v16 =	vadd.f32 v22, v16;
	v15 =	vmul.f32 v19, v15;
	v5 =	vmul.f32 v24, v5  }
0xea: {  	v22 =	vmul.f32 v25, v18;
	[tilespmem:s17+$0x1900] =	vst v21;
	v20 =	vadd.f32 $-4.166666790e-02, v20;
	v14 =	vmul.f32 v19, v14  }
0xeb: {  	v11 =	vmul.f32 v24, v11;
	[tilespmem:s17+$0x2000] =	vst v29;
	v8 =	vmul.f32 v19, v8;
	v21 =	vadd.f32 v5, v15  }
0xec: {  	[tilespmem:s17+$0x1100] =	vst v16;
	v16 =	vmul.f32 v19, v17;
	v17 =	vadd.f32 $-1.666666720e-01, v22;
	v14 =	vsub.f32 $1.000000000e+00, v14  }
0xed: {  	v3 =	vmul.f32 v24, v3;
	v12 =	vmul.f32 v19, v12;
	v8 =	vsub.f32 $1.000000000e+00, v8;
	[tilespmem:s16+$0x1800] =	vst v21  }
0xee: {  	v16 =	vsub.f32 $1.000000000e+00, v16;
	[tilespmem:s16+$0x1000] =	vst v14;
	v14 =	vmul.f32 v17, v18;
	v17 =	vmul.f32 v20, v18  }
0xef: {  	v9 =	vmul.f32 v19, v9;
	v5 =	vsub.f32 v15, v5;
	v15 =	vadd.f32 v11, v12;
	[tilespmem:s16+$0x2100] =	vst v8  }
0xf0: {  	[tilespmem:s16+$0x1880] =	vst v16;
	v8 =	vadd.f32 $1.000000000e+00, v14;
	v14 =	vadd.f32 $5.000000000e-01, v17  }
0xf1: {  	v16 =	vsub.f32 v9, v3;
	[tilespmem:s16+$0x1080] =	vst v5  }
0xf2: {  	v5 =	vsub.f32 v12, v11;
	[tilespmem:s16+$0x2080] =	vst v15;
	v11 =	vmul.f32 v14, v13;
	v12 =	vmul.f32 v8, v2  }
0xf3: {  	v4 =	vadd.f32 v6, v4;
	v3 =	vadd.f32 v3, v9;
	[tilespmem:s16+$0x2000] =	vst v16;
	v6 =	vmul.f32 v14, v7  }
0xf4: {  	[tilespmem:s16+$0x1900] =	vst v5;
	v5 =	vmul.f32 v14, v10;
	v7 =	vadd.f32 v12, v11  }
0xf5: {  	v9 =	vmul.f32 v2, v0;
	[tilespmem:s16+$0x1100] =	vst v3;
	v3 =	vmul.f32 v14, v4;
	v4 =	vsub.f32 $1.000000000e+00, v6  }
0xf6: {  	v2 =	vmul.f32 v2, v1;
	v5 =	vsub.f32 $1.000000000e+00, v5;
	[tilespmem:s1+$0x1800] =	vst v7  }
0xf7: {  	v1 =	vmul.f32 v8, v1;
	v6 =	vmul.f32 v14, v9;
	v3 =	vsub.f32 $1.000000000e+00, v3;
	[tilespmem:s1+$0x1000] =	vst v4  }
0xf8: {  	v0 =	vmul.f32 v8, v0;
	v2 =	vmul.f32 v14, v2;
	v4 =	vsub.f32 v11, v12;
	[tilespmem:s1+$0x2100] =	vst v5  }
0xf9: {  	v5 =	vadd.f32 v1, v6;
	[tilespmem:s1+$0x1880] =	vst v3  }
0xfa: {  	v3 =	vsub.f32 v2, v0;
	[tilespmem:s1+$0x1080] =	vst v4  }
0xfb: {  	v1 =	vsub.f32 v6, v1;
	[tilespmem:s1+$0x2080] =	vst v5  }
0xfc: {  	v0 =	vadd.f32 v0, v2;
	[tilespmem:s1+$0x2000] =	vst v3  }
0xfd: {  	[tilespmem:s1+$0x1900] =	vst v1  }
0xfe: {  	[tilespmem:s1+$0x1100] =	vst v0  }
0xff: {  	_ =	swait.ge [sflag:s25], $0x80  }
0x100: {  	[sflag:s25] =	ssyncset.done $0x0  }
0x101: {  	[sflag:s25] =	ssyncadd.s32 $0xFFFFFF80  }
0x102: {  	_ =	swait.ge [sflag:s25], $0x80  }
0x103: {  	[sflag:s25] =	ssyncset.done $0x0  }
0x104: {  	[sflag:s25] =	ssyncadd.s32 $0xFFFFFF80  }
0x105: {  	_ =	swait.ge [sflag:s25], $0x80  }
0x106: {  	[sflag:s25] =	ssyncset.done $0x0  }
0x107: {  	[sflag:s25] =	ssyncadd.s32 $0xFFFFFF80  }
0x108: {  	_ =	swait.ge [sflag:s25], $0x80  }
0x109: {  	[sflag:s25] =	ssyncset.done $0x0  }
0x10a: {  	[sflag:s25] =	ssyncadd.s32 $0xFFFFFF80  }
0x10b: {  	_ =	swait.ge [sflag:s25], $0x80  }
0x10c: {  	[sflag:s25] =	ssyncset.done $0x0  }
0x10d: {  	[sflag:s25] =	ssyncadd.s32 $0xFFFFFF80  }
0x10e: {  	_ =	swait.ge [sflag:s25], $0x80  }
0x10f: {  	[sflag:s25] =	ssyncset.done $0x0  }
0x110: {  	s17 =	simm.s32 $0x0;
	[sflag:s25] =	ssyncadd.s32 $0xFFFFFF80  }
0x111: {  	v0 =	vld [tilespmem:s17+$0x300]  }
0x112: {  	v1 =	vld [tilespmem:s17+$0x500]  }
0x113: {  	v2 =	vld [tilespmem:s17+$0x700]  }
0x114: {  	v18 =	vld [tilespmem:s17+$0xB00]  }
0x115: {  	v21 =	vld [tilespmem:s17+$0x900]  }
0x116: {  	[tilespmem:s17+$0x1380] =	vst v0  }
0x117: {  	v23 =	vld [tilespmem:s17+$0xD00];
	[tilespmem:s17+$0x1B80] =	vst v1  }
0x118: {  	s16 =	simm.s32 $0x10;
	[tilespmem:s17+$0x2380] =	vst v2  }
0x119: {  	v3 =	vld [tilespmem:s16+$0xB00]  }
0x11a: {  	v0 =	vmul.f32 v18, v18;
	v2 =	vmul.f32 v21, v21;
	v11 =	vld [tilespmem:s16+$0x900]  }
0x11b: {  	v6 =	vld [tilespmem:s16+$0x500]  }
0x11c: {  	v4 =	vmul.f32 v23, v23;
	v1 =	vld [tilespmem:s16+$0x300];
	v27 =	vadd.f32 v0, v2  }
0x11d: {  	v8 =	vld [tilespmem:s16+$0x700]  }
0x11e: {  	v5 =	vld [tilespmem:s16+$0xD00];
	v7 =	vadd.f32 v4, v27;
	_ =	sdelay $0x1  }
0x11f: {  	v25 =	vmul.f32 v18, v21;
	v7 =	vmax.f32 v7, $9.999999930e-09;
	[tilespmem:s16+$0x1B80] =	vst v6;
	v6 =	vmul.f32 v3, v3  }
0x120: {  	[tilespmem:s16+$0x1380] =	vst v1;
	v10 =	vmul.f32 v11, v11;
	v1 =	vmul.f32 $-1.984127010e-04, v7  }
0x121: {  	s1 =	simm.s32 $0x20;
	v30 =	vadd.f32 v4, v0;
	v20 =	vadd.f32 v4, v2;
	[tilespmem:s16+$0x2380] =	vst v8;
	v0 =	vmul.f32 $-2.480158760e-05, v7  }
0x122: {  	v13 =	vmul.f32 v5, v5;
	v2 =	vld [tilespmem:s1+$0xD00];
	v8 =	vadd.f32 v6, v10;
	v9 =	vadd.f32 $8.333333770e-03, v1  }
0x123: {  	v31 =	vmul.f32 v23, v18;
	v16 =	vmul.f32 v23, v21;
	v12 =	vadd.f32 $1.388888920e-03, v0;
	v0 =	vld [tilespmem:s1+$0xB00]  }
0x124: {  	v14 =	vadd.f32 v13, v6;
	v1 =	vld [tilespmem:s1+$0x900];
	v6 =	vadd.f32 v13, v8;
	v9 =	vmul.f32 v9, v7  }
0x125: {  	v15 =	vmul.f32 v3, v11;
	v4 =	vmul.f32 v12, v7  }
0x126: {  	v29 =	vld [tilespmem:s1+$0x500];
	v12 =	vmul.f32 v5, v3;
	v19 =	vmax.f32 v6, $9.999999930e-09;
	v17 =	vadd.f32 $-1.666666720e-01, v9  }
0x127: {  	v6 =	vmul.f32 v2, v2;
	v9 =	vmul.f32 v5, v11;
	v22 =	vadd.f32 $-4.166666790e-02, v4  }
0x128: {  	v28 =	vmul.f32 v0, v0;
	v24 =	vmul.f32 v17, v7  }
0x129: {  	v26 =	vld [tilespmem:s1+$0x300];
	v4 =	vmul.f32 v1, v1;
	v7 =	vmul.f32 v22, v7  }
0x12a: {  	v32 =	vld [tilespmem:s1+$0x700];
	v34 =	vmul.f32 $-2.480158760e-05, v19;
	v17 =	vadd.f32 v13, v10;
	v33 =	vadd.f32 $1.000000000e+00, v24  }
0x12b: {  	[tilespmem:s1+$0x1B80] =	vst v29;
	v29 =	vmul.f32 $-1.984127010e-04, v19;
	v10 =	vadd.f32 v28, v4;
	v24 =	vadd.f32 $5.000000000e-01, v7  }
0x12c: {  	v13 =	vmul.f32 v0, v1;
	v7 =	vadd.f32 v6, v28;
	v21 =	vmul.f32 v33, v21  }
0x12d: {  	v22 =	vmul.f32 v33, v18;
	v18 =	vadd.f32 v6, v10;
	v25 =	vmul.f32 v24, v25  }
0x12e: {  	[tilespmem:s1+$0x1380] =	vst v26;
	v28 =	vadd.f32 $1.388888920e-03, v34;
	v26 =	vmul.f32 v33, v23;
	v27 =	vmul.f32 v24, v27  }
0x12f: {  	s19 =	simm.s32 $0xC0;
	[tilespmem:s1+$0x2380] =	vst v32;
	v23 =	vmul.f32 v24, v31;
	v30 =	vmul.f32 v24, v30;
	v18 =	vmax.f32 v18, $9.999999930e-09  }
.LBB2_6:
0x130: {  	s20 =	sshra.s32 s19, $0x2;
	p0 =	sne.s32 s19, $0x1C0;
	s19 =	sadd.s32 $0x40, s19;
	v29 =	vadd.f32 $8.333333770e-03, v29;
	v31 =	vadd.f32 v26, v25;
	v36 =	vmul.f32 v24, v20;
	v32 =	vmovc v1;
	v33 =	vmovc v5  }
0x131: {  	v24 =	vmul.f32 v24, v16;
	v25 =	vsub.f32 v25, v26;
	v5 =	vmovc v2;
	v35 =	vmovc v12;
	v34 =	vld [tilespmem:s20+$0xB00];
	v30 =	vsub.f32 $1.000000000e+00, v30  }
0x132: {  	v28 =	vmul.f32 v28, v19;
	v38 =	vsub.f32 $1.000000000e+00, v27;
	v16 =	vmovc v9;
	v1 =	vld [tilespmem:s20+$0x900];
	v26 =	vmul.f32 v29, v19;
	[tilespmem:s17+$0x1A00] =	vst v31  }
0x133: {  	v20 =	vmovc v17;
	v12 =	vmul.f32 v5, v0;
	v29 =	vsub.f32 $1.000000000e+00, v36;
	v31 =	vadd.f32 v21, v23;
	v2 =	vld [tilespmem:s20+$0xD00];
	[tilespmem:s17+$0x1200] =	vst v30  }
0x134: {  	v27 =	vmovc v15;
	v9 =	vmul.f32 v5, v32;
	v30 =	vld [tilespmem:s20+$0x300];
	v17 =	vadd.f32 $-1.666666720e-01, v26;
	v26 =	vadd.f32 v22, v24;
	[tilespmem:s17+$0x2300] =	vst v38  }
0x135: {  	v15 =	vmovc v13;
	v37 =	vmovc v8;
	v8 =	vmov v10;
	v28 =	vadd.f32 $-4.166666790e-02, v28;
	v22 =	vsub.f32 v24, v22;
	v36 =	vld [tilespmem:s20+$0x500];
	[tilespmem:s17+$0x1A80] =	vst v29  }
0x136: {  	v21 =	vsub.f32 v23, v21;
	v38 =	vld [tilespmem:s20+$0x700];
	v29 =	vmul.f32 v34, v34;
	v10 =	vmul.f32 v17, v19;
	[tilespmem:s17+$0x1280] =	vst v25  }
0x137: {  	v17 =	vadd.f32 v6, v4;
	v25 =	vmul.f32 v28, v19;
	v4 =	vmul.f32 v1, v1;
	[tilespmem:s17+$0x2280] =	vst v31  }
0x138: {  	v13 =	vmul.f32 v34, v1;
	v31 =	vmovc v14;
	v6 =	vmul.f32 v2, v2;
	v23 =	vadd.f32 $1.000000000e+00, v10;
	[tilespmem:s17+$0x2200] =	vst v22  }
.Ltmp2:
0x139: {  	v28 =	vmul.f32 $-2.480158760e-05, v18;
	v19 =	vmovc v18;
	v14 =	vmovc v7;
	v24 =	vadd.f32 $5.000000000e-01, v25;
	v10 =	vadd.f32 v29, v4;
	[tilespmem:s17+$0x1B00] =	vst v21;
	(pc) =	sbr.rel @p0 .LBB2_6-.Ltmp2, $4  }
0x13a: {  	v7 =	vadd.f32 v6, v29;
	v21 =	vmul.f32 v23, v11;
	v22 =	vmul.f32 v23, v3;
	[tilespmem:s17+$0x1300] =	vst v26;
	s17 =	smov.u32 s16;
	s16 =	smov.u32 s1;
	s1 =	smov.u32 s20  }
0x13b: {  	v25 =	vmul.f32 v24, v27;
	v26 =	vmul.f32 v23, v33;
	v39 =	vadd.f32 v6, v10;
	[tilespmem:s1+$0x1380] =	vst v30  }
0x13c: {  	v28 =	vadd.f32 $1.388888920e-03, v28;
	v29 =	vmul.f32 $-1.984127010e-04, v19;
	v27 =	vmul.f32 v24, v37;
	v3 =	vmovc v0;
	v0 =	vmovc v34;
	[tilespmem:s1+$0x1B80] =	vst v36  }
0x13d: {  	v23 =	vmul.f32 v24, v35;
	v11 =	vmovc v32;
	v30 =	vmul.f32 v24, v31;
	v18 =	vmax.f32 v39, $9.999999930e-09;
	[tilespmem:s1+$0x2380] =	vst v38  }
0x13e: {  	v29 =	vadd.f32 $8.333333770e-03, v29;
	_ =	sdelay $0x1  }
0x13f: {  	v28 =	vmul.f32 v28, v19;
	v31 =	vadd.f32 v26, v25;
	v29 =	vmul.f32 v29, v19  }
0x140: {  	v20 =	vmul.f32 v24, v20;
	v25 =	vsub.f32 v25, v26;
	v26 =	vsub.f32 $1.000000000e+00, v27  }
0x141: {  	v27 =	vmul.f32 $-1.984127010e-04, v18;
	v28 =	vadd.f32 $-4.166666790e-02, v28;
	v29 =	vadd.f32 $-1.666666720e-01, v29  }
0x142: {  	v30 =	vsub.f32 $1.000000000e+00, v30;
	v20 =	vsub.f32 $1.000000000e+00, v20;
	[tilespmem:s17+$0x2300] =	vst v26;
	v26 =	vmul.f32 $-2.480158760e-05, v18  }
0x143: {  	[tilespmem:s17+$0x1280] =	vst v25;
	v25 =	vadd.f32 $8.333333770e-03, v27;
	v29 =	vmul.f32 v29, v19;
	v19 =	vmul.f32 v28, v19  }
0x144: {  	v16 =	vmul.f32 v24, v16;
	[tilespmem:s17+$0x1A80] =	vst v20;
	v20 =	vadd.f32 $1.388888920e-03, v26;
	v28 =	vadd.f32 v21, v23  }
0x145: {  	[tilespmem:s17+$0x1A00] =	vst v31;
	v24 =	vadd.f32 $1.000000000e+00, v29;
	v19 =	vadd.f32 $5.000000000e-01, v19  }
0x146: {  	[tilespmem:s17+$0x1200] =	vst v30;
	v21 =	vsub.f32 v23, v21;
	v20 =	vmul.f32 v20, v18;
	v29 =	vsub.f32 v16, v22  }
0x147: {  	[tilespmem:s17+$0x2280] =	vst v28;
	v16 =	vadd.f32 v22, v16;
	v15 =	vmul.f32 v19, v15;
	v5 =	vmul.f32 v24, v5  }
0x148: {  	v22 =	vmul.f32 v25, v18;
	[tilespmem:s17+$0x1B00] =	vst v21;
	v20 =	vadd.f32 $-4.166666790e-02, v20;
	v14 =	vmul.f32 v19, v14  }
0x149: {  	v11 =	vmul.f32 v24, v11;
	[tilespmem:s17+$0x2200] =	vst v29;
	v8 =	vmul.f32 v19, v8;
	v21 =	vadd.f32 v5, v15  }
0x14a: {  	[tilespmem:s17+$0x1300] =	vst v16;
	v16 =	vmul.f32 v19, v17;
	v17 =	vadd.f32 $-1.666666720e-01, v22;
	v14 =	vsub.f32 $1.000000000e+00, v14  }
0x14b: {  	v3 =	vmul.f32 v24, v3;
	v12 =	vmul.f32 v19, v12;
	v8 =	vsub.f32 $1.000000000e+00, v8;
	[tilespmem:s16+$0x1A00] =	vst v21  }
0x14c: {  	v16 =	vsub.f32 $1.000000000e+00, v16;
	[tilespmem:s16+$0x1200] =	vst v14;
	v14 =	vmul.f32 v17, v18;
	v17 =	vmul.f32 v20, v18  }
0x14d: {  	v9 =	vmul.f32 v19, v9;
	v5 =	vsub.f32 v15, v5;
	v15 =	vadd.f32 v11, v12;
	[tilespmem:s16+$0x2300] =	vst v8  }
0x14e: {  	[tilespmem:s16+$0x1A80] =	vst v16;
	v8 =	vadd.f32 $1.000000000e+00, v14;
	v14 =	vadd.f32 $5.000000000e-01, v17  }
0x14f: {  	v16 =	vsub.f32 v9, v3;
	[tilespmem:s16+$0x1280] =	vst v5  }
0x150: {  	v5 =	vsub.f32 v12, v11;
	[tilespmem:s16+$0x2280] =	vst v15;
	v11 =	vmul.f32 v14, v13;
	v12 =	vmul.f32 v8, v2  }
0x151: {  	v4 =	vadd.f32 v6, v4;
	v3 =	vadd.f32 v3, v9;
	[tilespmem:s16+$0x2200] =	vst v16;
	v6 =	vmul.f32 v14, v7  }
0x152: {  	[tilespmem:s16+$0x1B00] =	vst v5;
	v5 =	vmul.f32 v14, v10;
	v7 =	vadd.f32 v12, v11  }
0x153: {  	v9 =	vmul.f32 v2, v0;
	[tilespmem:s16+$0x1300] =	vst v3;
	v3 =	vmul.f32 v14, v4;
	v4 =	vsub.f32 $1.000000000e+00, v6  }
0x154: {  	v2 =	vmul.f32 v2, v1;
	v5 =	vsub.f32 $1.000000000e+00, v5;
	[tilespmem:s1+$0x1A00] =	vst v7  }
0x155: {  	v1 =	vmul.f32 v8, v1;
	v6 =	vmul.f32 v14, v9;
	v3 =	vsub.f32 $1.000000000e+00, v3;
	[tilespmem:s1+$0x1200] =	vst v4  }
0x156: {  	v0 =	vmul.f32 v8, v0;
	v2 =	vmul.f32 v14, v2;
	v4 =	vsub.f32 v11, v12;
	[tilespmem:s1+$0x2300] =	vst v5  }
0x157: {  	v5 =	vadd.f32 v1, v6;
	[tilespmem:s1+$0x1A80] =	vst v3  }
0x158: {  	v3 =	vsub.f32 v2, v0;
	[tilespmem:s1+$0x1280] =	vst v4  }
0x159: {  	v1 =	vsub.f32 v6, v1;
	[tilespmem:s1+$0x2280] =	vst v5  }
0x15a: {  	v0 =	vadd.f32 v0, v2;
	[tilespmem:s1+$0x2200] =	vst v3  }
0x15b: {  	[tilespmem:s1+$0x1B00] =	vst v1  }
0x15c: {  	[tilespmem:s1+$0x1300] =	vst v0  }
0x15d: {  	_ =	swait.ge [sflag:s25], $0x80  }
0x15e: {  	[sflag:s25] =	ssyncset.done $0x0  }
0x15f: {  	[sflag:s25] =	ssyncadd.s32 $0xFFFFFF80  }
0x160: {  	_ =	swait.ge [sflag:s25], $0x80  }
0x161: {  	[sflag:s25] =	ssyncset.done $0x0  }
0x162: {  	[sflag:s25] =	ssyncadd.s32 $0xFFFFFF80  }
0x163: {  	_ =	swait.ge [sflag:s25], $0x80  }
0x164: {  	[sflag:s25] =	ssyncset.done $0x0  }
0x165: {  	[sflag:s25] =	ssyncadd.s32 $0xFFFFFF80  }
0x166: {  	_ =	swait.ge [sflag:s25], $0x80  }
0x167: {  	[sflag:s25] =	ssyncset.done $0x0  }
0x168: {  	[sflag:s25] =	ssyncadd.s32 $0xFFFFFF80  }
0x169: {  	_ =	swait.ge [sflag:s25], $0x80  }
0x16a: {  	[sflag:s25] =	ssyncset.done $0x0  }
0x16b: {  	[sflag:s25] =	ssyncadd.s32 $0xFFFFFF80  }
0x16c: {  	_ =	swait.ge [sflag:s25], $0x80  }
0x16d: {  	[sflag:s25] =	ssyncset.done $0x0  }
0x16e: {  	s17 =	simm.s32 $0x0;
	[sflag:s25] =	ssyncadd.s32 $0xFFFFFF80  }
0x16f: {  	v0 =	vld [tilespmem:s17+$0x380]  }
0x170: {  	v1 =	vld [tilespmem:s17+$0x580]  }
0x171: {  	v2 =	vld [tilespmem:s17+$0x780]  }
0x172: {  	v18 =	vld [tilespmem:s17+$0xB80]  }
0x173: {  	v21 =	vld [tilespmem:s17+$0x980]  }
0x174: {  	[tilespmem:s17+$0x1580] =	vst v0  }
0x175: {  	v23 =	vld [tilespmem:s17+$0xD80];
	[tilespmem:s17+$0x1D80] =	vst v1  }
0x176: {  	s16 =	simm.s32 $0x10;
	[tilespmem:s17+$0x2580] =	vst v2  }
0x177: {  	v3 =	vld [tilespmem:s16+$0xB80]  }
0x178: {  	v0 =	vmul.f32 v18, v18;
	v2 =	vmul.f32 v21, v21;
	v11 =	vld [tilespmem:s16+$0x980]  }
0x179: {  	v6 =	vld [tilespmem:s16+$0x580]  }
0x17a: {  	v4 =	vmul.f32 v23, v23;
	v1 =	vld [tilespmem:s16+$0x380];
	v27 =	vadd.f32 v0, v2  }
0x17b: {  	v8 =	vld [tilespmem:s16+$0x780]  }
0x17c: {  	v5 =	vld [tilespmem:s16+$0xD80];
	v7 =	vadd.f32 v4, v27;
	_ =	sdelay $0x1  }
0x17d: {  	v25 =	vmul.f32 v18, v21;
	v7 =	vmax.f32 v7, $9.999999930e-09;
	[tilespmem:s16+$0x1D80] =	vst v6;
	v6 =	vmul.f32 v3, v3  }
0x17e: {  	[tilespmem:s16+$0x1580] =	vst v1;
	v10 =	vmul.f32 v11, v11;
	v1 =	vmul.f32 $-1.984127010e-04, v7  }
0x17f: {  	s1 =	simm.s32 $0x20;
	v30 =	vadd.f32 v4, v0;
	v20 =	vadd.f32 v4, v2;
	[tilespmem:s16+$0x2580] =	vst v8;
	v0 =	vmul.f32 $-2.480158760e-05, v7  }
0x180: {  	v13 =	vmul.f32 v5, v5;
	v2 =	vld [tilespmem:s1+$0xD80];
	v8 =	vadd.f32 v6, v10;
	v9 =	vadd.f32 $8.333333770e-03, v1  }
0x181: {  	v31 =	vmul.f32 v23, v18;
	v16 =	vmul.f32 v23, v21;
	v12 =	vadd.f32 $1.388888920e-03, v0;
	v0 =	vld [tilespmem:s1+$0xB80]  }
0x182: {  	v14 =	vadd.f32 v13, v6;
	v1 =	vld [tilespmem:s1+$0x980];
	v6 =	vadd.f32 v13, v8;
	v9 =	vmul.f32 v9, v7  }
0x183: {  	v15 =	vmul.f32 v3, v11;
	v4 =	vmul.f32 v12, v7  }
0x184: {  	v29 =	vld [tilespmem:s1+$0x580];
	v12 =	vmul.f32 v5, v3;
	v19 =	vmax.f32 v6, $9.999999930e-09;
	v17 =	vadd.f32 $-1.666666720e-01, v9  }
0x185: {  	v6 =	vmul.f32 v2, v2;
	v9 =	vmul.f32 v5, v11;
	v22 =	vadd.f32 $-4.166666790e-02, v4  }
0x186: {  	v28 =	vmul.f32 v0, v0;
	v24 =	vmul.f32 v17, v7  }
0x187: {  	v26 =	vld [tilespmem:s1+$0x380];
	v4 =	vmul.f32 v1, v1;
	v7 =	vmul.f32 v22, v7  }
0x188: {  	v32 =	vld [tilespmem:s1+$0x780];
	v34 =	vmul.f32 $-2.480158760e-05, v19;
	v17 =	vadd.f32 v13, v10;
	v33 =	vadd.f32 $1.000000000e+00, v24  }
0x189: {  	[tilespmem:s1+$0x1D80] =	vst v29;
	v29 =	vmul.f32 $-1.984127010e-04, v19;
	v10 =	vadd.f32 v28, v4;
	v24 =	vadd.f32 $5.000000000e-01, v7  }
0x18a: {  	v13 =	vmul.f32 v0, v1;
	v7 =	vadd.f32 v6, v28;
	v21 =	vmul.f32 v33, v21  }
0x18b: {  	v22 =	vmul.f32 v33, v18;
	v18 =	vadd.f32 v6, v10;
	v25 =	vmul.f32 v24, v25  }
0x18c: {  	[tilespmem:s1+$0x1580] =	vst v26;
	v28 =	vadd.f32 $1.388888920e-03, v34;
	v26 =	vmul.f32 v33, v23;
	v27 =	vmul.f32 v24, v27  }
0x18d: {  	s19 =	simm.s32 $0xC0;
	[tilespmem:s1+$0x2580] =	vst v32;
	v23 =	vmul.f32 v24, v31;
	v30 =	vmul.f32 v24, v30;
	v18 =	vmax.f32 v18, $9.999999930e-09  }
.LBB2_8:
0x18e: {  	s20 =	sshra.s32 s19, $0x2;
	p0 =	sne.s32 s19, $0x1C0;
	s19 =	sadd.s32 $0x40, s19;
	v29 =	vadd.f32 $8.333333770e-03, v29;
	v31 =	vadd.f32 v26, v25;
	v36 =	vmul.f32 v24, v20;
	v32 =	vmovc v1;
	v33 =	vmovc v5  }
0x18f: {  	v24 =	vmul.f32 v24, v16;
	v25 =	vsub.f32 v25, v26;
	v5 =	vmovc v2;
	v35 =	vmovc v12;
	v34 =	vld [tilespmem:s20+$0xB80];
	v30 =	vsub.f32 $1.000000000e+00, v30  }
0x190: {  	v28 =	vmul.f32 v28, v19;
	v38 =	vsub.f32 $1.000000000e+00, v27;
	v16 =	vmovc v9;
	v1 =	vld [tilespmem:s20+$0x980];
	v26 =	vmul.f32 v29, v19;
	[tilespmem:s17+$0x1C00] =	vst v31  }
0x191: {  	v20 =	vmovc v17;
	v12 =	vmul.f32 v5, v0;
	v29 =	vsub.f32 $1.000000000e+00, v36;
	v31 =	vadd.f32 v21, v23;
	v2 =	vld [tilespmem:s20+$0xD80];
	[tilespmem:s17+$0x1400] =	vst v30  }
0x192: {  	v27 =	vmovc v15;
	v9 =	vmul.f32 v5, v32;
	v30 =	vld [tilespmem:s20+$0x380];
	v17 =	vadd.f32 $-1.666666720e-01, v26;
	v26 =	vadd.f32 v22, v24;
	[tilespmem:s17+$0x2500] =	vst v38  }
0x193: {  	v15 =	vmovc v13;
	v37 =	vmovc v8;
	v8 =	vmov v10;
	v28 =	vadd.f32 $-4.166666790e-02, v28;
	v22 =	vsub.f32 v24, v22;
	v36 =	vld [tilespmem:s20+$0x580];
	[tilespmem:s17+$0x1C80] =	vst v29  }
0x194: {  	v21 =	vsub.f32 v23, v21;
	v38 =	vld [tilespmem:s20+$0x780];
	v29 =	vmul.f32 v34, v34;
	v10 =	vmul.f32 v17, v19;
	[tilespmem:s17+$0x1480] =	vst v25  }
0x195: {  	v17 =	vadd.f32 v6, v4;
	v25 =	vmul.f32 v28, v19;
	v4 =	vmul.f32 v1, v1;
	[tilespmem:s17+$0x2480] =	vst v31  }
0x196: {  	v13 =	vmul.f32 v34, v1;
	v31 =	vmovc v14;
	v6 =	vmul.f32 v2, v2;
	v23 =	vadd.f32 $1.000000000e+00, v10;
	[tilespmem:s17+$0x2400] =	vst v22  }
.Ltmp3:
0x197: {  	v28 =	vmul.f32 $-2.480158760e-05, v18;
	v19 =	vmovc v18;
	v14 =	vmovc v7;
	v24 =	vadd.f32 $5.000000000e-01, v25;
	v10 =	vadd.f32 v29, v4;
	[tilespmem:s17+$0x1D00] =	vst v21;
	(pc) =	sbr.rel @p0 .LBB2_8-.Ltmp3, $4  }
0x198: {  	v7 =	vadd.f32 v6, v29;
	v21 =	vmul.f32 v23, v11;
	v22 =	vmul.f32 v23, v3;
	[tilespmem:s17+$0x1500] =	vst v26;
	s17 =	smov.u32 s16;
	s16 =	smov.u32 s1;
	s1 =	smov.u32 s20  }
0x199: {  	v25 =	vmul.f32 v24, v27;
	v26 =	vmul.f32 v23, v33;
	v39 =	vadd.f32 v6, v10;
	[tilespmem:s1+$0x1580] =	vst v30  }
0x19a: {  	v28 =	vadd.f32 $1.388888920e-03, v28;
	v29 =	vmul.f32 $-1.984127010e-04, v19;
	v27 =	vmul.f32 v24, v37;
	v3 =	vmovc v0;
	v0 =	vmovc v34;
	[tilespmem:s1+$0x1D80] =	vst v36  }
0x19b: {  	v23 =	vmul.f32 v24, v35;
	v11 =	vmovc v32;
	v30 =	vmul.f32 v24, v31;
	v18 =	vmax.f32 v39, $9.999999930e-09;
	[tilespmem:s1+$0x2580] =	vst v38  }
0x19c: {  	v29 =	vadd.f32 $8.333333770e-03, v29;
	v28 =	vmul.f32 v28, v19;
	v31 =	vadd.f32 v26, v25  }
0x19d: {  	v20 =	vmul.f32 v24, v20;
	v59 =	vsub.f32 v25, v26;
	v60 =	vsub.f32 $1.000000000e+00, v27  }
0x19e: {  	v32 =	vmul.f32 $-1.984127010e-04, v18;
	v29 =	vmul.f32 v29, v19;
	v28 =	vadd.f32 $-4.166666790e-02, v28  }
0x19f: {  	v63 =	vmul.f32 $-2.480158760e-05, v18;
	v30 =	vsub.f32 $1.000000000e+00, v30;
	v33 =	vadd.f32 v21, v23;
	[tilespmem:s17+$0x1C00] =	vst v31  }
0x1a0: {  	[tilespmem:s17+$0x2500] =	vst v60;
	v36 =	vadd.f32 $8.333333770e-03, v32;
	v29 =	vadd.f32 $-1.666666720e-01, v29;
	v61 =	vmul.f32 v28, v19  }
0x1a1: {  	v16 =	vmul.f32 v24, v16;
	v20 =	vsub.f32 $1.000000000e+00, v20;
	[tilespmem:s17+$0x1480] =	vst v59;
	v35 =	vadd.f32 $1.388888920e-03, v63  }
0x1a2: {  	[tilespmem:s17+$0x1400] =	vst v30;
	v38 =	vmul.f32 v36, v18;
	v29 =	vmul.f32 v29, v19;
	v19 =	vadd.f32 $5.000000000e-01, v61  }
0x1a3: {  	v37 =	vsub.f32 v23, v21;
	v34 =	vsub.f32 v16, v22;
	[tilespmem:s17+$0x1C80] =	vst v20;
	v20 =	vmul.f32 v35, v18  }
0x1a4: {  	v16 =	vadd.f32 v22, v16;
	[tilespmem:s17+$0x2480] =	vst v33;
	v41 =	vadd.f32 $-1.666666720e-01, v38;
	v14 =	vmul.f32 v19, v14  }
0x1a5: {  	[tilespmem:s17+$0x1D00] =	vst v37;
	v20 =	vadd.f32 $-4.166666790e-02, v20;
	v62 =	vadd.f32 $1.000000000e+00, v29;
	v8 =	vmul.f32 v19, v8  }
0x1a6: {  	[tilespmem:s17+$0x2400] =	vst v34;
	v15 =	vmul.f32 v19, v15;
	v40 =	vmul.f32 v19, v17;
	v14 =	vsub.f32 $1.000000000e+00, v14  }
0x1a7: {  	[tilespmem:s17+$0x1500] =	vst v16;
	v12 =	vmul.f32 v19, v12;
	v5 =	vmul.f32 v62, v5;
	v8 =	vsub.f32 $1.000000000e+00, v8  }
0x1a8: {  	v42 =	vmul.f32 v41, v18;
	v43 =	vmul.f32 v20, v18;
	v16 =	vsub.f32 $1.000000000e+00, v40;
	[tilespmem:s16+$0x1400] =	vst v14  }
0x1a9: {  	v9 =	vmul.f32 v19, v9;
	v11 =	vmul.f32 v62, v11;
	v39 =	vadd.f32 v5, v15;
	[tilespmem:s16+$0x2500] =	vst v8  }
0x1aa: {  	v3 =	vmul.f32 v62, v3;
	v45 =	vadd.f32 $1.000000000e+00, v42;
	v5 =	vsub.f32 v15, v5;
	[tilespmem:s16+$0x1C80] =	vst v16  }
0x1ab: {  	v46 =	vadd.f32 $5.000000000e-01, v43;
	v44 =	vadd.f32 v11, v12;
	[tilespmem:s16+$0x1C00] =	vst v39  }
0x1ac: {  	v47 =	vsub.f32 v9, v3;
	[tilespmem:s16+$0x1480] =	vst v5  }
0x1ad: {  	v48 =	vsub.f32 v12, v11;
	v49 =	vmul.f32 v46, v13;
	v50 =	vmul.f32 v45, v2;
	[tilespmem:s16+$0x2480] =	vst v44  }
0x1ae: {  	v4 =	vadd.f32 v6, v4;
	v3 =	vadd.f32 v3, v9;
	v51 =	vmul.f32 v46, v7;
	[tilespmem:s16+$0x2400] =	vst v47  }
0x1af: {  	v52 =	vmul.f32 v46, v10;
	[tilespmem:s16+$0x1D00] =	vst v48;
	v53 =	vadd.f32 v50, v49  }
0x1b0: {  	v54 =	vmul.f32 v2, v0;
	v55 =	vmul.f32 v46, v4;
	[tilespmem:s16+$0x1500] =	vst v3;
	v56 =	vsub.f32 $1.000000000e+00, v51  }
0x1b1: {  	v57 =	vmul.f32 v2, v1;
	v5 =	vsub.f32 $1.000000000e+00, v52;
	[tilespmem:s1+$0x1C00] =	vst v53  }
0x1b2: {  	v58 =	vmul.f32 v45, v1;
	v59 =	vmul.f32 v46, v54;
	v3 =	vsub.f32 $1.000000000e+00, v55;
	[tilespmem:s1+$0x1400] =	vst v56  }
0x1b3: {  	v60 =	vmul.f32 v45, v0;
	v2 =	vmul.f32 v46, v57;
	v61 =	vsub.f32 v49, v50;
	[tilespmem:s1+$0x2500] =	vst v5  }
0x1b4: {  	v62 =	vadd.f32 v58, v59;
	[tilespmem:s1+$0x1C80] =	vst v3  }
0x1b5: {  	v63 =	vsub.f32 v2, v60;
	[tilespmem:s1+$0x1480] =	vst v61  }
0x1b6: {  	v1 =	vsub.f32 v59, v58;
	[tilespmem:s1+$0x2480] =	vst v62  }
0x1b7: {  	v0 =	vadd.f32 v60, v2;
	[tilespmem:s1+$0x2400] =	vst v63  }
0x1b8: {  	[tilespmem:s1+$0x1D00] =	vst v1  }
0x1b9: {  	[tilespmem:s1+$0x1500] =	vst v0  }
0x1ba: {  	[hbm4b:s8+s2] =	stream.linear.scatter [tilespmem:s26], [sflag:$0x2], $0x800, $0x38;
	[tilespmem:$0x2600] =	vst v63  }
0x1bb: {  	_ = 	snop  }
0x1bc: {  	[hbm4b:s11+s2] =	stream.linear.scatter [tilespmem:s28], [sflag:$0x2], $0x800, $0x38;
	[tilespmem:$0x2600] =	vst v63  }
0x1bd: {  	_ = 	snop  }
0x1be: {  	[hbm4b:s12+s2] =	stream.linear.scatter [tilespmem:s30], [sflag:$0x2], $0x800, $0x38;
	[tilespmem:$0x2600] =	vst v63  }
0x1bf: {  	_ =	swait.ge [sflag:s31], $0x800  }
0x1c0: {  	[sflag:s31] =	ssyncset.done $0x0  }
0x1c1: {  	s0 =	sadd.s32 $0x1, s0;
	[sflag:s31] =	ssyncadd.s32 $0xFFFFF800  }
0x1c2: {  	p0 =	sne.s32 s0, s13;
	_ =	swait.ge [sflag:s31], $0x800  }
.Ltmp4:
0x1c3: {  	[sflag:s31] =	ssyncset.done $0x0;
	(pc) =	sbr.rel @p0 .LBB2_1-.Ltmp4, $4  }
0x1c4: {  	[sflag:s31] =	ssyncadd.s32 $0xFFFFF800  }
0x1c5: {  	_ =	swait.ge [sflag:s31], $0x800  }
0x1c6: {  	[sflag:s31] =	ssyncset.done $0x0  }
0x1c7: {  	[sflag:s31] =	ssyncadd.s32 $0xFFFFF800  }
0x1c8: {  	_ =	sfence.sel $0x180000  }
0x1c9: {  	[bflag:$0x0] =	sbarrier.arrive $0xFFFF  }
0x1ca: {  	_ =	strace $0x90000047  }
0x1cb: {  	s0 =	stileid.u32;
	[bflag:$0x2] =	sbarrier.arrive $0xFFFF  }
0x1cc: {  	p0 =	sne.s32 s0, $0x0;
	s0 =	rddreg [dreg:$0x3]  }
0x1cd: {  	s0 =	sadd.s32 @!p0 $0x100000, s0  }
0x1ce: {  	[sflag:s0] =	ssyncadd.tile.s32 @!p0 $0x1;
	_ =	shalt  }
.Lfunc_end2:
_tile_overlayer_lowered:
.L_overlay_start_2:
0x1cf: {  	(tag) =	ssettag $0x2  }
0x1d0: {  	s0 =	rddreg [dreg:$0x0];
	s2 =	stileid.u32  }
0x1d1: {  	s1 =	rddreg [dreg:$0x1];
	p0 =	sne.s32 s2, $0x0  }
0x1d2: {  	s3 =	rddreg [dreg:$0x2];
	[bflag:$0x3] =	sbarrier.arrive $0xFFFF;
	s2 =	simm.s32 @!p0 $0x1C03  }
0x1d3: {  	[timem:s3], [sflag:s2] =	dma.local @!p0 [hbm:s0], s1  }
0x1d4: {  	s0 =	simm.s32 @!p0 $0x3  }
0x1d5: {  	_ =	swait.ge @!p0 [sflag:s0], s1  }
0x1d6: {  	s1 =	ssub.s32 @!p0 $0x0, s1;
	[sflag:s0] =	ssyncset.done @!p0 $0x0  }
0x1d7: {  	[sflag:s0] =	ssyncadd.s32 @!p0 s1  }
0x1d8: {  	[bflag:$0x3] =	sbarrier.arrive $0xFFFF  }
0x1d9: {  	_ =	shalt  }

</sc_bundles>
